<compile_context>
chip_gen: v7x
topology: tpu7x:2x2x1
jax: 0.10.2.dev20260603
libtpu: 0.0.44.dev20260713+nightly
codegen_flags: <defaults>
</compile_context>

<pallas_src>
import functools

import jax
import jax.numpy as jnp
from jax import lax
from jax.experimental import pallas as pl
from jax.experimental.pallas import tpu as pltpu
from jax.experimental.pallas import tpu_sc as plsc

F32 = jnp.float32
_PREC = lax.Precision.HIGHEST

_NC = 2
_NS = 16
_NW = _NC * _NS
_KB = 80


def _pick_block(n, want):
    b = min(want, n)
    while n % b or b % 8:
        b -= 8 if b % 8 == 0 else (b % 8)
        if b <= 0:
            return n
    return b


def _edge_body(nrbf, cutoff, dr_ref, zs_ref, we_ref, wr1_ref, br1_ref,
               wr2_ref, br2_ref, *s_refs):
    d = dr_ref[...]
    r2 = jnp.sum(d * d, axis=1, keepdims=True)
    r = jnp.sqrt(r2)
    rhat = d / (r + 1e-9)
    be = d.shape[0]
    mu = lax.broadcasted_iota(jnp.int32, (be, nrbf), 1).astype(F32) * (
        cutoff / (nrbf - 1))
    rbf = jnp.exp(-((r - mu) ** 2) / 0.5)
    y = jnp.pi * (jnp.clip(r / cutoff, 0.0, 1.0) - 0.5)
    y2 = y * y
    siny = y * (1.0 + y2 * (-1.0 / 6.0 + y2 * (1.0 / 120.0 + y2 * (
        -1.0 / 5040.0 + y2 * (1.0 / 362880.0)))))
    fcut = 0.5 * (1.0 - siny)
    t1 = jnp.tanh(jnp.dot(rbf, wr1_ref[...], preferred_element_type=F32,
                          precision=_PREC) + br1_ref[...])
    radial = (jnp.dot(t1, wr2_ref[...], preferred_element_type=F32,
                      precision=_PREC) + br2_ref[...]) * fcut
    zsr = zs_ref[...][0]
    ohT = (jnp.broadcast_to(zsr, (128, be))
           == lax.broadcasted_iota(jnp.int32, (128, be), 0)).astype(F32)
    hsend = lax.dot_general(
        ohT, we_ref[...], dimension_numbers=(((0,), (0,)), ((), ())),
        preferred_element_type=F32)
    msg = hsend * radial
    s_refs[0][...] = msg
    for k in range(3):
        s_refs[k + 1][...] = rhat[:, k:k + 1] * msg


def _edge(dr3, zs2, We_pad, W_r1, b_r1, W_r2, b_r2, be):
    e = dr3.shape[0]
    nrbf = W_r1.shape[0]
    body = functools.partial(_edge_body, nrbf, 5.0)
    return pl.pallas_call(
        body,
        grid=(e // be,),
        in_specs=[
            pl.BlockSpec((be, 3), lambda i: (i, 0)),
            pl.BlockSpec((1, 1, be), lambda i: (i, 0, 0)),
            pl.BlockSpec((128, 128), lambda i: (0, 0)),
            pl.BlockSpec((nrbf, 64), lambda i: (0, 0)),
            pl.BlockSpec((1, 64), lambda i: (0, 0)),
            pl.BlockSpec((64, 128), lambda i: (0, 0)),
            pl.BlockSpec((1, 128), lambda i: (0, 0)),
        ],
        out_specs=[pl.BlockSpec((be, 128), lambda i: (i, 0))] * 4,
        out_shape=[jax.ShapeDtypeStruct((e, 128), F32)] * 4,
    )(dr3, zs2, We_pad, W_r1, b_r1.reshape(1, 64), W_r2,
      b_r2.reshape(1, 128))


def _node_body(p_ref, z_ref, we_ref, wu_ref, wo1_ref, bo1_ref, wo2_ref,
               out_ref):
    p = p_ref[...]
    ps = jnp.sum(p, axis=0)
    a0 = ps[0]
    inv1 = ps[1] * ps[1] + ps[2] * ps[2] + ps[3] * ps[3]
    z = z_ref[...]
    zc = jnp.broadcast_to(z, (z.shape[0], 128))
    oh = (zc == lax.broadcasted_iota(jnp.int32, (z.shape[0], 128), 1)).astype(F32)
    h = jnp.dot(oh, we_ref[...], preferred_element_type=F32)
    wu = wu_ref[...]
    upd = (jnp.dot(a0, wu[0:128, :], preferred_element_type=F32,
                   precision=_PREC)
           + jnp.dot(inv1, wu[128:256, :], preferred_element_type=F32,
                     precision=_PREC))
    h_new = h + upd
    pre = jnp.dot(h_new, wo1_ref[...], preferred_element_type=F32,
                  precision=_PREC) + bo1_ref[...]
    hidden = pre * jax.nn.sigmoid(pre)
    out_ref[...] = jnp.sum(hidden * wo2_ref[...], axis=1, keepdims=True)


def _node(P, Z2, We_pad, W_upd, W_o1, b_o1, wo2r, bn):
    nsc = P.shape[0]
    n = Z2.shape[0]
    return pl.pallas_call(
        _node_body,
        grid=(n // bn,),
        in_specs=[
            pl.BlockSpec((nsc, 4, bn, 128), lambda i: (0, 0, i, 0)),
            pl.BlockSpec((bn, 1), lambda i: (i, 0)),
            pl.BlockSpec((128, 128), lambda i: (0, 0)),
            pl.BlockSpec((256, 128), lambda i: (0, 0)),
            pl.BlockSpec((128, 128), lambda i: (0, 0)),
            pl.BlockSpec((1, 128), lambda i: (0, 0)),
            pl.BlockSpec((1, 128), lambda i: (0, 0)),
        ],
        out_specs=pl.BlockSpec((bn, 1), lambda i: (i, 0)),
        out_shape=jax.ShapeDtypeStruct((n, 1), F32),
    )(P, Z2, We_pad, W_upd, W_o1, b_o1.reshape(1, 128), wo2r)


def _sc_zgather(Z, sidx3):
    nblk = sidx3.shape[1]
    n = Z.shape[0]
    mesh = plsc.VectorSubcoreMesh(core_axis_name="c", subcore_axis_name="s",
                                  num_cores=_NC, num_subcores=_NS)

    @functools.partial(
        pl.kernel,
        out_type=jax.ShapeDtypeStruct((_NW, nblk, _KB), jnp.int32),
        mesh=mesh,
        compiler_params=pltpu.CompilerParams(needs_layout_passes=False),
        scratch_types=[
            pltpu.VMEM((n,), jnp.int32),
            pltpu.VMEM((nblk, _KB), jnp.int32),
            pltpu.VMEM((nblk, _KB), jnp.int32),
        ],
    )
    def k(z_hbm, sidx_hbm, zs_hbm, z_v, sidx_v, out_v):
        c = lax.axis_index("c")
        s = lax.axis_index("s")
        wid = s * _NC + c
        pltpu.sync_copy(z_hbm, z_v)
        pltpu.sync_copy(sidx_hbm.at[wid], sidx_v)

        def body(j, carry):
            for g in range(_KB // 16):
                idx16 = sidx_v[j, pl.ds(g * 16, 16)]
                out_v[j, pl.ds(g * 16, 16)] = plsc.load_gather(z_v, [idx16])
            return carry

        lax.fori_loop(0, nblk, body, 0)
        pltpu.sync_copy(out_v, zs_hbm.at[wid])

    return k(Z, sidx3)


def _sc_scatter(s_list, ridx3, n):
    nblk = ridx3.shape[1]
    npass = len(s_list)
    n_pad = ((n + _NS * 128 - 1) // (_NS * 128)) * _NS * 128
    rows_per_sub = n_pad // _NS
    zrows = 40
    nz = rows_per_sub // zrows
    mesh = plsc.VectorSubcoreMesh(core_axis_name="c", subcore_axis_name="s",
                                  num_cores=_NC, num_subcores=_NS)

    @functools.partial(
        pl.kernel,
        out_type=jax.ShapeDtypeStruct((_NC, npass, n_pad, 128), F32),
        mesh=mesh,
        scratch_types=[
            pltpu.VMEM((nblk, _KB), jnp.int32),
            pltpu.VMEM((_KB, 128), F32),
            pltpu.VMEM((_KB, 128), F32),
            pltpu.VMEM((zrows, 128), F32),
            pltpu.VMEM_SHARED((n_pad, 128), F32),
            pltpu.SemaphoreType.DMA,
            pltpu.SemaphoreType.DMA,
        ],
    )
    def k(*refs):
        s_hbms = refs[:npass]
        (ridx_hbm, out_hbm, ridx_v, sbuf0, sbuf1, zbuf, acc,
         sem0, sem1) = refs[npass:]
        bufs, sems = (sbuf0, sbuf1), (sem0, sem1)
        c = lax.axis_index("c")
        s = lax.axis_index("s")
        wid = s * _NC + c
        pltpu.sync_copy(ridx_hbm.at[wid], ridx_v)

        zero16 = jnp.zeros((16,), F32)

        def zinit(i, carry):
            zbuf[i // 8, pl.ds((i % 8) * 16, 16)] = zero16
            return carry

        lax.fori_loop(0, zrows * 8, zinit, 0)

        for cpass in range(npass):
            for kk in range(nz):
                pltpu.sync_copy(
                    zbuf, acc.at[pl.ds(s * rows_per_sub + kk * zrows, zrows)])
            plsc.subcore_barrier()

            src = s_hbms[cpass]
            base = wid * nblk * _KB

            def _src(j):
                return src.at[pl.ds(base + j * _KB, _KB)]

            pltpu.async_copy(_src(0), bufs[0], sems[0])
            pltpu.async_copy(_src(1), bufs[1], sems[1])

            @pl.loop(0, (nblk + 1) // 2)
            def _pair(i):
                for b in range(2):
                    jj = i * 2 + b

                    @pl.when(jj < nblk)
                    def _():
                        pltpu.make_async_copy(
                            _src(jj), bufs[b], sems[b]).wait()
                        pltpu.sync_copy(
                            bufs[b], acc.at[ridx_v.at[jj]], add=True)

                        @pl.when(jj + 2 < nblk)
                        def _():
                            pltpu.async_copy(_src(jj + 2), bufs[b], sems[b])
            plsc.subcore_barrier()
            pltpu.sync_copy(
                acc.at[pl.ds(s * rows_per_sub, rows_per_sub)],
                out_hbm.at[c, cpass, pl.ds(s * rows_per_sub, rows_per_sub)])
            plsc.subcore_barrier()

    return k(*s_list, ridx3)


def kernel(dr_vec, Z, neighbor_idxs, W_embed, W_r1, b_r1, W_r2, b_r2,
           W_upd, W_o1, b_o1, W_o2):
    e = dr_vec.shape[0]
    n = Z.shape[0]
    receivers = neighbor_idxs[0]
    senders = neighbor_idxs[1]

    bn = _pick_block(n, 2000)
    be = _pick_block(e, 1280)

    Z2 = Z.reshape(n, 1).astype(jnp.int32)
    We_pad = jnp.zeros((128, 128), F32).at[:W_embed.shape[0]].set(W_embed)

    per_w = e // _NW
    sidx3 = senders.reshape(_NW, per_w // _KB, _KB).astype(jnp.int32)
    ridx3 = receivers.reshape(_NW, per_w // _KB, _KB).astype(jnp.int32)

    zs = _sc_zgather(Z.astype(jnp.int32), sidx3)
    zs2 = zs.reshape(e // be, 1, be)
    s_list = _edge(dr_vec, zs2, We_pad, W_r1, b_r1, W_r2, b_r2, be)

    P = _sc_scatter(s_list, ridx3, n)

    out = _node(P, Z2, We_pad, W_upd, W_o1, b_o1, W_o2.reshape(1, 128), bn)
    return out.reshape(n)

# --- scband reference (transcript-rebuilt; emitter-appended) ---
"""Pipeline reference for scband-macerepresentation-15444702396727 (READ-ONLY COPY).

The authoritative reference and input builder live on the scoring server;
editing this copy changes nothing except your own understanding.
"""

import jax, jax.numpy as jnp
import numpy as np

N = 10000
E = 320000
D = 128
NRBF = 8
ZMAX = 119
CUTOFF = 5.0


def setup_inputs(seed: int = 0) -> dict:
    key = jax.random.key(seed)
    ks = jax.random.split(key, 12)
    inp = {}
    inp["dr_vec"] = jax.random.normal(ks[0], (E, 3), dtype=jnp.float32)
    inp["Z"] = jax.random.randint(ks[1], (N,), 0, ZMAX)
    inp["neighbor_idxs"] = jax.random.randint(ks[2], (2, E), 0, N)
    # learned parameters (MACE-style: species embedding, radial MLP, contraction/update, readout)
    inp["W_embed"] = jax.random.normal(ks[3], (ZMAX, D), dtype=jnp.float32) * 0.1
    inp["W_r1"] = jax.random.normal(ks[4], (NRBF, 64), dtype=jnp.float32) * 0.1
    inp["b_r1"] = jnp.zeros((64,), dtype=jnp.float32)
    inp["W_r2"] = jax.random.normal(ks[5], (64, D), dtype=jnp.float32) * 0.1
    inp["b_r2"] = jnp.zeros((D,), dtype=jnp.float32)
    inp["W_upd"] = jax.random.normal(ks[6], (2 * D, D), dtype=jnp.float32) * 0.05
    inp["W_o1"] = jax.random.normal(ks[7], (D, D), dtype=jnp.float32) * 0.05
    inp["b_o1"] = jnp.zeros((D,), dtype=jnp.float32)
    inp["W_o2"] = jax.random.normal(ks[8], (D, 1), dtype=jnp.float32) * 0.05
    return inp


def reference(dr_vec, Z, neighbor_idxs, W_embed, W_r1, b_r1, W_r2, b_r2, W_upd, W_o1, b_o1, W_o2):
    # vectors = dr_vec; node_z = Z; receivers, senders = neighbor_idxs[0], neighbor_idxs[1]
    receivers = neighbor_idxs[0]
    senders = neighbor_idxs[1]

    r = jnp.linalg.norm(dr_vec, axis=-1, keepdims=True)  # [E, 1]
    rhat = dr_vec / (r + 1e-9)                            # [E, 3]

    # radial basis (Gaussian) + smooth cosine cutoff envelope
    mu = jnp.linspace(0.0, CUTOFF, NRBF)                  # [NRBF]
    rbf = jnp.exp(-((r - mu) ** 2) / 0.5)                 # [E, NRBF]
    fcut = 0.5 * (jnp.cos(jnp.pi * jnp.clip(r / CUTOFF, 0.0, 1.0)) + 1.0)  # [E, 1]
    radial = jnp.tanh(rbf @ W_r1 + b_r1) @ W_r2 + b_r2    # [E, D]
    radial = radial * fcut

    # node embedding gather by atomic number
    h = W_embed[Z]                                        # [N, D]

    # edge messages: gather sender features, modulate by radial weights
    msg = h[senders] * radial                             # [E, D]
    # l=1 (vector) channel via outer product with edge direction
    msg_vec = rhat[:, :, None] * msg[:, None, :]          # [E, 3, D]

    # scatter-add aggregation to receiver nodes (A-basis)
    A0 = jax.ops.segment_sum(msg, receivers, num_segments=N)        # [N, D]
    A1 = jax.ops.segment_sum(msg_vec, receivers, num_segments=N)    # [N, 3, D]

    # rotation-invariant contraction of the l=1 channel
    inv1 = jnp.sum(A1 * A1, axis=1)                       # [N, D]

    feats = jnp.concatenate([A0, inv1], axis=-1)          # [N, 2D]
    h_new = h + feats @ W_upd                             # [N, D]

    # per-node energy readout
    hidden = jax.nn.silu(h_new @ W_o1 + b_o1)             # [N, D]
    node_energies = (hidden @ W_o2)[:, 0]                 # [N]
    return node_energies

if __name__ == "__main__":
    import jax
    _d = setup_inputs()
    print(jax.jit(kernel)(*tuple(_d.values())))

</pallas_src>

<mosaic_0001>
#map = affine_map<(d0, d1) -> (0, 0)>
#map1 = affine_map<(d0, d1) -> (0, 0, 0)>
#map2 = affine_map<(d0, d1) -> (0, 0, 0, 0)>
module attributes {stable_mosaic.version = 14 : i64} {
  func.func @k(%arg0: i32, %arg1: i32, %arg2: memref<320000x128xf32, #tpu.memory_space<hbm>>, %arg3: memref<320000x128xf32, #tpu.memory_space<hbm>>, %arg4: memref<320000x128xf32, #tpu.memory_space<hbm>>, %arg5: memref<320000x128xf32, #tpu.memory_space<hbm>>, %arg6: memref<32x125x80xi32, #tpu.memory_space<hbm>>, %arg7: memref<2x4x10240x128xf32, #tpu.memory_space<hbm>>, %arg8: memref<125x80xi32, #tpu.memory_space<vmem>>, %arg9: memref<80x128xf32, #tpu.memory_space<vmem>>, %arg10: memref<80x128xf32, #tpu.memory_space<vmem>>, %arg11: memref<40x128xf32, #tpu.memory_space<vmem>>, %arg12: memref<10240x128xf32, #tpu.memory_space<vmem_shared>>, %arg13: memref<!tpu.dma_semaphore, #tpu.memory_space<semaphore_mem>>, %arg14: memref<!tpu.dma_semaphore, #tpu.memory_space<semaphore_mem>>) attributes {dimension_semantics = [#tpu.dimension_semantics<core_parallel>, #tpu.dimension_semantics<subcore_parallel>], iteration_bounds = array<i64: 2, 16>, scalar_prefetch = 0 : i64, scratch_operands = 7 : i64, tpu.core_type = #tpu.core_type<sc_vector_subcore>, window_params = [{transform_indices = #map}, {transform_indices = #map}, {transform_indices = #map}, {transform_indices = #map}, {transform_indices = #map1}, {transform_indices = #map2}]} {
    %mul3A = arith.constant 2 : i32
    %mul3A_0 = arith.muli %arg1, %mul3A : i32
    %add3A = arith.addi %mul3A_0, %arg0 : i32
    "tpu.region"() ({
      %run_scoped3A_376 = tpu.sem_alloc : memref<!tpu.dma_semaphore, #tpu.memory_space<semaphore_mem>>
      %dma_start3A_377 = arith.constant 0 : i32
      %dma_start3A_378 = arith.constant 0 : i32
      %dma_start3A_379 = tpu.memref_slice %arg6[%add3A, %dma_start3A_377, %dma_start3A_378] : memref<32x125x80xi32, #tpu.memory_space<hbm>> -> memref<1x125x80xi32, #tpu.memory_space<hbm>>
      %dma_start3A_380 = tpu.memref_squeeze %dma_start3A_379 : memref<1x125x80xi32, #tpu.memory_space<hbm>> -> memref<125x80xi32, #tpu.memory_space<hbm>>
      %dma_start3A_381 = arith.constant 0 : i32
      %dma_start3A_382 = arith.constant 0 : i32
      %dma_start3A_383 = tpu.memref_slice %arg6[%add3A, %dma_start3A_381, %dma_start3A_382] : memref<32x125x80xi32, #tpu.memory_space<hbm>> -> memref<1x125x80xi32, #tpu.memory_space<hbm>>
      %dma_start3A_384 = tpu.memref_squeeze %dma_start3A_383 : memref<1x125x80xi32, #tpu.memory_space<hbm>> -> memref<125x80xi32, #tpu.memory_space<hbm>>
      tpu.enqueue_dma source(%dma_start3A_384 : memref<125x80xi32, #tpu.memory_space<hbm>>) target(%arg8 : memref<125x80xi32, #tpu.memory_space<vmem>>) target_semaphore(%run_scoped3A_376 : memref<!tpu.dma_semaphore, #tpu.memory_space<semaphore_mem>>)
      %dma_wait3A = arith.constant 0 : i32
      %dma_wait3A_385 = arith.constant 0 : i32
      %dma_wait3A_386 = tpu.memref_slice %arg6[%add3A, %dma_wait3A, %dma_wait3A_385] : memref<32x125x80xi32, #tpu.memory_space<hbm>> -> memref<1x125x80xi32, #tpu.memory_space<hbm>>
      %dma_wait3A_387 = tpu.memref_squeeze %dma_wait3A_386 : memref<1x125x80xi32, #tpu.memory_space<hbm>> -> memref<125x80xi32, #tpu.memory_space<hbm>>
      %dma_wait3A_388 = arith.constant 0 : i32
      %dma_wait3A_389 = arith.constant 0 : i32
      %dma_wait3A_390 = tpu.memref_slice %arg6[%add3A, %dma_wait3A_388, %dma_wait3A_389] : memref<32x125x80xi32, #tpu.memory_space<hbm>> -> memref<1x125x80xi32, #tpu.memory_space<hbm>>
      %dma_wait3A_391 = tpu.memref_squeeze %dma_wait3A_390 : memref<1x125x80xi32, #tpu.memory_space<hbm>> -> memref<125x80xi32, #tpu.memory_space<hbm>>
      tpu.wait_dma2 semaphore(%run_scoped3A_376 : memref<!tpu.dma_semaphore, #tpu.memory_space<semaphore_mem>>) src(%dma_wait3A_391 : memref<125x80xi32, #tpu.memory_space<hbm>>) dst(%arg8 : memref<125x80xi32, #tpu.memory_space<vmem>>)
      tpu.yield
    }) : () -> ()
    %broadcast_in_dim3A = arith.constant 0.000000e+00 : f32
    %broadcast_in_dim3A_1 = vector.broadcast %broadcast_in_dim3A : f32 to vector<16xf32>
    %scan3A = arith.constant 0 : i32
    %scan3A_2 = arith.constant 0 : i32
    %scan3A_3 = arith.constant 320 : i32
    %scan3A_4 = arith.addi %scan3A_2, %scan3A_3 : i32
    %scan3A_5 = arith.constant 1 : i32
    scf.for %scan3A_376 = %scan3A_2 to %scan3A_4 step %scan3A_5  : i32 {
      %jit3A = arith.constant 8 : i32
      %div3A = arith.divsi %scan3A_376, %jit3A : i32
      %sign3A = arith.constant 0 : i32
      %sign3A_377 = arith.cmpi sgt, %scan3A_376, %sign3A : i32
      %sign3A_378 = arith.extui %sign3A_377 : i1 to i32
      %sign3A_379 = arith.constant 0 : i32
      %sign3A_380 = arith.cmpi slt, %scan3A_376, %sign3A_379 : i32
      %sign3A_381 = arith.extui %sign3A_380 : i1 to i32
      %sign3A_382 = arith.subi %sign3A_378, %sign3A_381 : i32
      %sign3A_383 = arith.constant 0 : i32
      %sign3A_384 = arith.cmpi sgt, %jit3A, %sign3A_383 : i32
      %sign3A_385 = arith.extui %sign3A_384 : i1 to i32
      %sign3A_386 = arith.constant 0 : i32
      %sign3A_387 = arith.cmpi slt, %jit3A, %sign3A_386 : i32
      %sign3A_388 = arith.extui %sign3A_387 : i1 to i32
      %sign3A_389 = arith.subi %sign3A_385, %sign3A_388 : i32
      %ne3A = arith.cmpi ne, %sign3A_382, %sign3A_389 : i32
      %rem3A = arith.remsi %scan3A_376, %jit3A : i32
      %ne3A_390 = arith.constant 0 : i32
      %ne3A_391 = arith.cmpi ne, %rem3A, %ne3A_390 : i32
      %and3A = arith.andi %ne3A, %ne3A_391 : i1
      %sub3A = arith.constant 1 : i32
      %sub3A_392 = arith.subi %div3A, %sub3A : i32
      %select_n3A = arith.select %and3A, %sub3A_392, %div3A : i32
      %jit3A_393 = arith.constant 8 : i32
      %eq3A = arith.constant 0 : i32
      %eq3A_394 = arith.cmpi eq, %jit3A_393, %eq3A : i32
      %jit3A_395 = arith.constant 1 : i32
      %select_n3A_396 = arith.select %eq3A_394, %jit3A_395, %jit3A_393 : i32
      %rem3A_397 = arith.remsi %scan3A_376, %select_n3A_396 : i32
      %ne3A_398 = arith.constant 0 : i32
      %ne3A_399 = arith.cmpi ne, %rem3A_397, %ne3A_398 : i32
      %lt3A = arith.constant 0 : i32
      %lt3A_400 = arith.cmpi slt, %rem3A_397, %lt3A : i32
      %lt3A_401 = arith.constant 0 : i32
      %lt3A_402 = arith.cmpi slt, %select_n3A_396, %lt3A_401 : i32
      %ne3A_403 = arith.xori %lt3A_400, %lt3A_402 : i1
      %and3A_404 = arith.andi %ne3A_403, %ne3A_399 : i1
      %add3A_405 = arith.addi %rem3A_397, %select_n3A_396 : i32
      %select_n3A_406 = arith.select %and3A_404, %add3A_405, %rem3A_397 : i32
      %mul3A_407 = arith.constant 16 : i32
      %mul3A_408 = arith.muli %select_n3A_406, %mul3A_407 : i32
      %swap3A = arith.index_cast %select_n3A : i32 to index
      %swap3A_409 = arith.index_cast %mul3A_408 : i32 to index
      %swap3A_410 = tpu.vector_load %arg11[%swap3A, %swap3A_409] {strides = array<i32>} : memref<40x128xf32, #tpu.memory_space<vmem>>, vector<1x16xf32>,
      %swap3A_411 = vector.shape_cast %swap3A_410 : vector<1x16xf32> to vector<16xf32>
      %swap3A_412 = vector.shape_cast %broadcast_in_dim3A_1 : vector<16xf32> to vector<1x16xf32>
      tpu.vector_store %arg11[%swap3A, %swap3A_409], %swap3A_412 {strides = array<i32>} : memref<40x128xf32, #tpu.memory_space<vmem>>, vector<1x16xf32>,
    }
    %scan3A_6 = arith.constant 320 : i32
    %mul3A_7 = arith.constant 640 : i32
    %mul3A_8 = arith.muli %arg1, %mul3A_7 : i32
    %add3A_9 = arith.constant 0 : i32
    %add3A_10 = arith.addi %mul3A_8, %add3A_9 : i32
    "tpu.region"() ({
      %run_scoped3A_376 = tpu.sem_alloc : memref<!tpu.dma_semaphore, #tpu.memory_space<semaphore_mem>>
      %dma_start3A_377 = arith.constant 0 : i32
      %dma_start3A_378 = tpu.memref_slice %arg12[%add3A_10, %dma_start3A_377] : memref<10240x128xf32, #tpu.memory_space<vmem_shared>> -> memref<40x128xf32, #tpu.memory_space<vmem_shared>>
      %dma_start3A_379 = arith.constant 0 : i32
      %dma_start3A_380 = tpu.memref_slice %arg12[%add3A_10, %dma_start3A_379] : memref<10240x128xf32, #tpu.memory_space<vmem_shared>> -> memref<40x128xf32, #tpu.memory_space<vmem_shared>>
      tpu.enqueue_dma source(%arg11 : memref<40x128xf32, #tpu.memory_space<vmem>>) target(%dma_start3A_380 : memref<40x128xf32, #tpu.memory_space<vmem_shared>>) target_semaphore(%run_scoped3A_376 : memref<!tpu.dma_semaphore, #tpu.memory_space<semaphore_mem>>)
      %dma_wait3A = arith.constant 0 : i32
      %dma_wait3A_381 = tpu.memref_slice %arg12[%add3A_10, %dma_wait3A] : memref<10240x128xf32, #tpu.memory_space<vmem_shared>> -> memref<40x128xf32, #tpu.memory_space<vmem_shared>>
      %dma_wait3A_382 = arith.constant 0 : i32
      %dma_wait3A_383 = tpu.memref_slice %arg12[%add3A_10, %dma_wait3A_382] : memref<10240x128xf32, #tpu.memory_space<vmem_shared>> -> memref<40x128xf32, #tpu.memory_space<vmem_shared>>
      tpu.wait_dma2 semaphore(%run_scoped3A_376 : memref<!tpu.dma_semaphore, #tpu.memory_space<semaphore_mem>>) src(%arg11 : memref<40x128xf32, #tpu.memory_space<vmem>>) dst(%dma_wait3A_383 : memref<40x128xf32, #tpu.memory_space<vmem_shared>>)
      tpu.yield
    }) : () -> ()
    %mul3A_11 = arith.constant 640 : i32
    %mul3A_12 = arith.muli %arg1, %mul3A_11 : i32
    %add3A_13 = arith.constant 40 : i32
    %add3A_14 = arith.addi %mul3A_12, %add3A_13 : i32
    "tpu.region"() ({
      %run_scoped3A_376 = tpu.sem_alloc : memref<!tpu.dma_semaphore, #tpu.memory_space<semaphore_mem>>
      %dma_start3A_377 = arith.constant 0 : i32
      %dma_start3A_378 = tpu.memref_slice %arg12[%add3A_14, %dma_start3A_377] : memref<10240x128xf32, #tpu.memory_space<vmem_shared>> -> memref<40x128xf32, #tpu.memory_space<vmem_shared>>
      %dma_start3A_379 = arith.constant 0 : i32
      %dma_start3A_380 = tpu.memref_slice %arg12[%add3A_14, %dma_start3A_379] : memref<10240x128xf32, #tpu.memory_space<vmem_shared>> -> memref<40x128xf32, #tpu.memory_space<vmem_shared>>
      tpu.enqueue_dma source(%arg11 : memref<40x128xf32, #tpu.memory_space<vmem>>) target(%dma_start3A_380 : memref<40x128xf32, #tpu.memory_space<vmem_shared>>) target_semaphore(%run_scoped3A_376 : memref<!tpu.dma_semaphore, #tpu.memory_space<semaphore_mem>>)
      %dma_wait3A = arith.constant 0 : i32
      %dma_wait3A_381 = tpu.memref_slice %arg12[%add3A_14, %dma_wait3A] : memref<10240x128xf32, #tpu.memory_space<vmem_shared>> -> memref<40x128xf32, #tpu.memory_space<vmem_shared>>
      %dma_wait3A_382 = arith.constant 0 : i32
      %dma_wait3A_383 = tpu.memref_slice %arg12[%add3A_14, %dma_wait3A_382] : memref<10240x128xf32, #tpu.memory_space<vmem_shared>> -> memref<40x128xf32, #tpu.memory_space<vmem_shared>>
      tpu.wait_dma2 semaphore(%run_scoped3A_376 : memref<!tpu.dma_semaphore, #tpu.memory_space<semaphore_mem>>) src(%arg11 : memref<40x128xf32, #tpu.memory_space<vmem>>) dst(%dma_wait3A_383 : memref<40x128xf32, #tpu.memory_space<vmem_shared>>)
      tpu.yield
    }) : () -> ()
    %mul3A_15 = arith.constant 640 : i32
    %mul3A_16 = arith.muli %arg1, %mul3A_15 : i32
    %add3A_17 = arith.constant 80 : i32
    %add3A_18 = arith.addi %mul3A_16, %add3A_17 : i32
    "tpu.region"() ({
      %run_scoped3A_376 = tpu.sem_alloc : memref<!tpu.dma_semaphore, #tpu.memory_space<semaphore_mem>>
      %dma_start3A_377 = arith.constant 0 : i32
      %dma_start3A_378 = tpu.memref_slice %arg12[%add3A_18, %dma_start3A_377] : memref<10240x128xf32, #tpu.memory_space<vmem_shared>> -> memref<40x128xf32, #tpu.memory_space<vmem_shared>>
      %dma_start3A_379 = arith.constant 0 : i32
      %dma_start3A_380 = tpu.memref_slice %arg12[%add3A_18, %dma_start3A_379] : memref<10240x128xf32, #tpu.memory_space<vmem_shared>> -> memref<40x128xf32, #tpu.memory_space<vmem_shared>>
      tpu.enqueue_dma source(%arg11 : memref<40x128xf32, #tpu.memory_space<vmem>>) target(%dma_start3A_380 : memref<40x128xf32, #tpu.memory_space<vmem_shared>>) target_semaphore(%run_scoped3A_376 : memref<!tpu.dma_semaphore, #tpu.memory_space<semaphore_mem>>)
      %dma_wait3A = arith.constant 0 : i32
      %dma_wait3A_381 = tpu.memref_slice %arg12[%add3A_18, %dma_wait3A] : memref<10240x128xf32, #tpu.memory_space<vmem_shared>> -> memref<40x128xf32, #tpu.memory_space<vmem_shared>>
      %dma_wait3A_382 = arith.constant 0 : i32
      %dma_wait3A_383 = tpu.memref_slice %arg12[%add3A_18, %dma_wait3A_382] : memref<10240x128xf32, #tpu.memory_space<vmem_shared>> -> memref<40x128xf32, #tpu.memory_space<vmem_shared>>
      tpu.wait_dma2 semaphore(%run_scoped3A_376 : memref<!tpu.dma_semaphore, #tpu.memory_space<semaphore_mem>>) src(%arg11 : memref<40x128xf32, #tpu.memory_space<vmem>>) dst(%dma_wait3A_383 : memref<40x128xf32, #tpu.memory_space<vmem_shared>>)
      tpu.yield
    }) : () -> ()
    %mul3A_19 = arith.constant 640 : i32
    %mul3A_20 = arith.muli %arg1, %mul3A_19 : i32
    %add3A_21 = arith.constant 120 : i32
    %add3A_22 = arith.addi %mul3A_20, %add3A_21 : i32
    "tpu.region"() ({
      %run_scoped3A_376 = tpu.sem_alloc : memref<!tpu.dma_semaphore, #tpu.memory_space<semaphore_mem>>
      %dma_start3A_377 = arith.constant 0 : i32
      %dma_start3A_378 = tpu.memref_slice %arg12[%add3A_22, %dma_start3A_377] : memref<10240x128xf32, #tpu.memory_space<vmem_shared>> -> memref<40x128xf32, #tpu.memory_space<vmem_shared>>
      %dma_start3A_379 = arith.constant 0 : i32
      %dma_start3A_380 = tpu.memref_slice %arg12[%add3A_22, %dma_start3A_379] : memref<10240x128xf32, #tpu.memory_space<vmem_shared>> -> memref<40x128xf32, #tpu.memory_space<vmem_shared>>
      tpu.enqueue_dma source(%arg11 : memref<40x128xf32, #tpu.memory_space<vmem>>) target(%dma_start3A_380 : memref<40x128xf32, #tpu.memory_space<vmem_shared>>) target_semaphore(%run_scoped3A_376 : memref<!tpu.dma_semaphore, #tpu.memory_space<semaphore_mem>>)
      %dma_wait3A = arith.constant 0 : i32
      %dma_wait3A_381 = tpu.memref_slice %arg12[%add3A_22, %dma_wait3A] : memref<10240x128xf32, #tpu.memory_space<vmem_shared>> -> memref<40x128xf32, #tpu.memory_space<vmem_shared>>
      %dma_wait3A_382 = arith.constant 0 : i32
      %dma_wait3A_383 = tpu.memref_slice %arg12[%add3A_22, %dma_wait3A_382] : memref<10240x128xf32, #tpu.memory_space<vmem_shared>> -> memref<40x128xf32, #tpu.memory_space<vmem_shared>>
      tpu.wait_dma2 semaphore(%run_scoped3A_376 : memref<!tpu.dma_semaphore, #tpu.memory_space<semaphore_mem>>) src(%arg11 : memref<40x128xf32, #tpu.memory_space<vmem>>) dst(%dma_wait3A_383 : memref<40x128xf32, #tpu.memory_space<vmem_shared>>)
      tpu.yield
    }) : () -> ()
    %mul3A_23 = arith.constant 640 : i32
    %mul3A_24 = arith.muli %arg1, %mul3A_23 : i32
    %add3A_25 = arith.constant 160 : i32
    %add3A_26 = arith.addi %mul3A_24, %add3A_25 : i32
    "tpu.region"() ({
      %run_scoped3A_376 = tpu.sem_alloc : memref<!tpu.dma_semaphore, #tpu.memory_space<semaphore_mem>>
      %dma_start3A_377 = arith.constant 0 : i32
      %dma_start3A_378 = tpu.memref_slice %arg12[%add3A_26, %dma_start3A_377] : memref<10240x128xf32, #tpu.memory_space<vmem_shared>> -> memref<40x128xf32, #tpu.memory_space<vmem_shared>>
      %dma_start3A_379 = arith.constant 0 : i32
      %dma_start3A_380 = tpu.memref_slice %arg12[%add3A_26, %dma_start3A_379] : memref<10240x128xf32, #tpu.memory_space<vmem_shared>> -> memref<40x128xf32, #tpu.memory_space<vmem_shared>>
      tpu.enqueue_dma source(%arg11 : memref<40x128xf32, #tpu.memory_space<vmem>>) target(%dma_start3A_380 : memref<40x128xf32, #tpu.memory_space<vmem_shared>>) target_semaphore(%run_scoped3A_376 : memref<!tpu.dma_semaphore, #tpu.memory_space<semaphore_mem>>)
      %dma_wait3A = arith.constant 0 : i32
      %dma_wait3A_381 = tpu.memref_slice %arg12[%add3A_26, %dma_wait3A] : memref<10240x128xf32, #tpu.memory_space<vmem_shared>> -> memref<40x128xf32, #tpu.memory_space<vmem_shared>>
      %dma_wait3A_382 = arith.constant 0 : i32
      %dma_wait3A_383 = tpu.memref_slice %arg12[%add3A_26, %dma_wait3A_382] : memref<10240x128xf32, #tpu.memory_space<vmem_shared>> -> memref<40x128xf32, #tpu.memory_space<vmem_shared>>
      tpu.wait_dma2 semaphore(%run_scoped3A_376 : memref<!tpu.dma_semaphore, #tpu.memory_space<semaphore_mem>>) src(%arg11 : memref<40x128xf32, #tpu.memory_space<vmem>>) dst(%dma_wait3A_383 : memref<40x128xf32, #tpu.memory_space<vmem_shared>>)
      tpu.yield
    }) : () -> ()
    %mul3A_27 = arith.constant 640 : i32
    %mul3A_28 = arith.muli %arg1, %mul3A_27 : i32
    %add3A_29 = arith.constant 200 : i32
    %add3A_30 = arith.addi %mul3A_28, %add3A_29 : i32
    "tpu.region"() ({
      %run_scoped3A_376 = tpu.sem_alloc : memref<!tpu.dma_semaphore, #tpu.memory_space<semaphore_mem>>
      %dma_start3A_377 = arith.constant 0 : i32
      %dma_start3A_378 = tpu.memref_slice %arg12[%add3A_30, %dma_start3A_377] : memref<10240x128xf32, #tpu.memory_space<vmem_shared>> -> memref<40x128xf32, #tpu.memory_space<vmem_shared>>
      %dma_start3A_379 = arith.constant 0 : i32
      %dma_start3A_380 = tpu.memref_slice %arg12[%add3A_30, %dma_start3A_379] : memref<10240x128xf32, #tpu.memory_space<vmem_shared>> -> memref<40x128xf32, #tpu.memory_space<vmem_shared>>
      tpu.enqueue_dma source(%arg11 : memref<40x128xf32, #tpu.memory_space<vmem>>) target(%dma_start3A_380 : memref<40x128xf32, #tpu.memory_space<vmem_shared>>) target_semaphore(%run_scoped3A_376 : memref<!tpu.dma_semaphore, #tpu.memory_space<semaphore_mem>>)
      %dma_wait3A = arith.constant 0 : i32
      %dma_wait3A_381 = tpu.memref_slice %arg12[%add3A_30, %dma_wait3A] : memref<10240x128xf32, #tpu.memory_space<vmem_shared>> -> memref<40x128xf32, #tpu.memory_space<vmem_shared>>
      %dma_wait3A_382 = arith.constant 0 : i32
      %dma_wait3A_383 = tpu.memref_slice %arg12[%add3A_30, %dma_wait3A_382] : memref<10240x128xf32, #tpu.memory_space<vmem_shared>> -> memref<40x128xf32, #tpu.memory_space<vmem_shared>>
      tpu.wait_dma2 semaphore(%run_scoped3A_376 : memref<!tpu.dma_semaphore, #tpu.memory_space<semaphore_mem>>) src(%arg11 : memref<40x128xf32, #tpu.memory_space<vmem>>) dst(%dma_wait3A_383 : memref<40x128xf32, #tpu.memory_space<vmem_shared>>)
      tpu.yield
    }) : () -> ()
    %mul3A_31 = arith.constant 640 : i32
    %mul3A_32 = arith.muli %arg1, %mul3A_31 : i32
    %add3A_33 = arith.constant 240 : i32
    %add3A_34 = arith.addi %mul3A_32, %add3A_33 : i32
    "tpu.region"() ({
      %run_scoped3A_376 = tpu.sem_alloc : memref<!tpu.dma_semaphore, #tpu.memory_space<semaphore_mem>>
      %dma_start3A_377 = arith.constant 0 : i32
      %dma_start3A_378 = tpu.memref_slice %arg12[%add3A_34, %dma_start3A_377] : memref<10240x128xf32, #tpu.memory_space<vmem_shared>> -> memref<40x128xf32, #tpu.memory_space<vmem_shared>>
      %dma_start3A_379 = arith.constant 0 : i32
      %dma_start3A_380 = tpu.memref_slice %arg12[%add3A_34, %dma_start3A_379] : memref<10240x128xf32, #tpu.memory_space<vmem_shared>> -> memref<40x128xf32, #tpu.memory_space<vmem_shared>>
      tpu.enqueue_dma source(%arg11 : memref<40x128xf32, #tpu.memory_space<vmem>>) target(%dma_start3A_380 : memref<40x128xf32, #tpu.memory_space<vmem_shared>>) target_semaphore(%run_scoped3A_376 : memref<!tpu.dma_semaphore, #tpu.memory_space<semaphore_mem>>)
      %dma_wait3A = arith.constant 0 : i32
      %dma_wait3A_381 = tpu.memref_slice %arg12[%add3A_34, %dma_wait3A] : memref<10240x128xf32, #tpu.memory_space<vmem_shared>> -> memref<40x128xf32, #tpu.memory_space<vmem_shared>>
      %dma_wait3A_382 = arith.constant 0 : i32
      %dma_wait3A_383 = tpu.memref_slice %arg12[%add3A_34, %dma_wait3A_382] : memref<10240x128xf32, #tpu.memory_space<vmem_shared>> -> memref<40x128xf32, #tpu.memory_space<vmem_shared>>
      tpu.wait_dma2 semaphore(%run_scoped3A_376 : memref<!tpu.dma_semaphore, #tpu.memory_space<semaphore_mem>>) src(%arg11 : memref<40x128xf32, #tpu.memory_space<vmem>>) dst(%dma_wait3A_383 : memref<40x128xf32, #tpu.memory_space<vmem_shared>>)
      tpu.yield
    }) : () -> ()
    %mul3A_35 = arith.constant 640 : i32
    %mul3A_36 = arith.muli %arg1, %mul3A_35 : i32
    %add3A_37 = arith.constant 280 : i32
    %add3A_38 = arith.addi %mul3A_36, %add3A_37 : i32
    "tpu.region"() ({
      %run_scoped3A_376 = tpu.sem_alloc : memref<!tpu.dma_semaphore, #tpu.memory_space<semaphore_mem>>
      %dma_start3A_377 = arith.constant 0 : i32
      %dma_start3A_378 = tpu.memref_slice %arg12[%add3A_38, %dma_start3A_377] : memref<10240x128xf32, #tpu.memory_space<vmem_shared>> -> memref<40x128xf32, #tpu.memory_space<vmem_shared>>
      %dma_start3A_379 = arith.constant 0 : i32
      %dma_start3A_380 = tpu.memref_slice %arg12[%add3A_38, %dma_start3A_379] : memref<10240x128xf32, #tpu.memory_space<vmem_shared>> -> memref<40x128xf32, #tpu.memory_space<vmem_shared>>
      tpu.enqueue_dma source(%arg11 : memref<40x128xf32, #tpu.memory_space<vmem>>) target(%dma_start3A_380 : memref<40x128xf32, #tpu.memory_space<vmem_shared>>) target_semaphore(%run_scoped3A_376 : memref<!tpu.dma_semaphore, #tpu.memory_space<semaphore_mem>>)
      %dma_wait3A = arith.constant 0 : i32
      %dma_wait3A_381 = tpu.memref_slice %arg12[%add3A_38, %dma_wait3A] : memref<10240x128xf32, #tpu.memory_space<vmem_shared>> -> memref<40x128xf32, #tpu.memory_space<vmem_shared>>
      %dma_wait3A_382 = arith.constant 0 : i32
      %dma_wait3A_383 = tpu.memref_slice %arg12[%add3A_38, %dma_wait3A_382] : memref<10240x128xf32, #tpu.memory_space<vmem_shared>> -> memref<40x128xf32, #tpu.memory_space<vmem_shared>>
      tpu.wait_dma2 semaphore(%run_scoped3A_376 : memref<!tpu.dma_semaphore, #tpu.memory_space<semaphore_mem>>) src(%arg11 : memref<40x128xf32, #tpu.memory_space<vmem>>) dst(%dma_wait3A_383 : memref<40x128xf32, #tpu.memory_space<vmem_shared>>)
      tpu.yield
    }) : () -> ()
    %mul3A_39 = arith.constant 640 : i32
    %mul3A_40 = arith.muli %arg1, %mul3A_39 : i32
    %add3A_41 = arith.constant 320 : i32
    %add3A_42 = arith.addi %mul3A_40, %add3A_41 : i32
    "tpu.region"() ({
      %run_scoped3A_376 = tpu.sem_alloc : memref<!tpu.dma_semaphore, #tpu.memory_space<semaphore_mem>>
      %dma_start3A_377 = arith.constant 0 : i32
      %dma_start3A_378 = tpu.memref_slice %arg12[%add3A_42, %dma_start3A_377] : memref<10240x128xf32, #tpu.memory_space<vmem_shared>> -> memref<40x128xf32, #tpu.memory_space<vmem_shared>>
      %dma_start3A_379 = arith.constant 0 : i32
      %dma_start3A_380 = tpu.memref_slice %arg12[%add3A_42, %dma_start3A_379] : memref<10240x128xf32, #tpu.memory_space<vmem_shared>> -> memref<40x128xf32, #tpu.memory_space<vmem_shared>>
      tpu.enqueue_dma source(%arg11 : memref<40x128xf32, #tpu.memory_space<vmem>>) target(%dma_start3A_380 : memref<40x128xf32, #tpu.memory_space<vmem_shared>>) target_semaphore(%run_scoped3A_376 : memref<!tpu.dma_semaphore, #tpu.memory_space<semaphore_mem>>)
      %dma_wait3A = arith.constant 0 : i32
      %dma_wait3A_381 = tpu.memref_slice %arg12[%add3A_42, %dma_wait3A] : memref<10240x128xf32, #tpu.memory_space<vmem_shared>> -> memref<40x128xf32, #tpu.memory_space<vmem_shared>>
      %dma_wait3A_382 = arith.constant 0 : i32
      %dma_wait3A_383 = tpu.memref_slice %arg12[%add3A_42, %dma_wait3A_382] : memref<10240x128xf32, #tpu.memory_space<vmem_shared>> -> memref<40x128xf32, #tpu.memory_space<vmem_shared>>
      tpu.wait_dma2 semaphore(%run_scoped3A_376 : memref<!tpu.dma_semaphore, #tpu.memory_space<semaphore_mem>>) src(%arg11 : memref<40x128xf32, #tpu.memory_space<vmem>>) dst(%dma_wait3A_383 : memref<40x128xf32, #tpu.memory_space<vmem_shared>>)
      tpu.yield
    }) : () -> ()
    %mul3A_43 = arith.constant 640 : i32
    %mul3A_44 = arith.muli %arg1, %mul3A_43 : i32
    %add3A_45 = arith.constant 360 : i32
    %add3A_46 = arith.addi %mul3A_44, %add3A_45 : i32
    "tpu.region"() ({
      %run_scoped3A_376 = tpu.sem_alloc : memref<!tpu.dma_semaphore, #tpu.memory_space<semaphore_mem>>
      %dma_start3A_377 = arith.constant 0 : i32
      %dma_start3A_378 = tpu.memref_slice %arg12[%add3A_46, %dma_start3A_377] : memref<10240x128xf32, #tpu.memory_space<vmem_shared>> -> memref<40x128xf32, #tpu.memory_space<vmem_shared>>
      %dma_start3A_379 = arith.constant 0 : i32
      %dma_start3A_380 = tpu.memref_slice %arg12[%add3A_46, %dma_start3A_379] : memref<10240x128xf32, #tpu.memory_space<vmem_shared>> -> memref<40x128xf32, #tpu.memory_space<vmem_shared>>
      tpu.enqueue_dma source(%arg11 : memref<40x128xf32, #tpu.memory_space<vmem>>) target(%dma_start3A_380 : memref<40x128xf32, #tpu.memory_space<vmem_shared>>) target_semaphore(%run_scoped3A_376 : memref<!tpu.dma_semaphore, #tpu.memory_space<semaphore_mem>>)
      %dma_wait3A = arith.constant 0 : i32
      %dma_wait3A_381 = tpu.memref_slice %arg12[%add3A_46, %dma_wait3A] : memref<10240x128xf32, #tpu.memory_space<vmem_shared>> -> memref<40x128xf32, #tpu.memory_space<vmem_shared>>
      %dma_wait3A_382 = arith.constant 0 : i32
      %dma_wait3A_383 = tpu.memref_slice %arg12[%add3A_46, %dma_wait3A_382] : memref<10240x128xf32, #tpu.memory_space<vmem_shared>> -> memref<40x128xf32, #tpu.memory_space<vmem_shared>>
      tpu.wait_dma2 semaphore(%run_scoped3A_376 : memref<!tpu.dma_semaphore, #tpu.memory_space<semaphore_mem>>) src(%arg11 : memref<40x128xf32, #tpu.memory_space<vmem>>) dst(%dma_wait3A_383 : memref<40x128xf32, #tpu.memory_space<vmem_shared>>)
      tpu.yield
    }) : () -> ()
    %mul3A_47 = arith.constant 640 : i32
    %mul3A_48 = arith.muli %arg1, %mul3A_47 : i32
    %add3A_49 = arith.constant 400 : i32
    %add3A_50 = arith.addi %mul3A_48, %add3A_49 : i32
    "tpu.region"() ({
      %run_scoped3A_376 = tpu.sem_alloc : memref<!tpu.dma_semaphore, #tpu.memory_space<semaphore_mem>>
      %dma_start3A_377 = arith.constant 0 : i32
      %dma_start3A_378 = tpu.memref_slice %arg12[%add3A_50, %dma_start3A_377] : memref<10240x128xf32, #tpu.memory_space<vmem_shared>> -> memref<40x128xf32, #tpu.memory_space<vmem_shared>>
      %dma_start3A_379 = arith.constant 0 : i32
      %dma_start3A_380 = tpu.memref_slice %arg12[%add3A_50, %dma_start3A_379] : memref<10240x128xf32, #tpu.memory_space<vmem_shared>> -> memref<40x128xf32, #tpu.memory_space<vmem_shared>>
      tpu.enqueue_dma source(%arg11 : memref<40x128xf32, #tpu.memory_space<vmem>>) target(%dma_start3A_380 : memref<40x128xf32, #tpu.memory_space<vmem_shared>>) target_semaphore(%run_scoped3A_376 : memref<!tpu.dma_semaphore, #tpu.memory_space<semaphore_mem>>)
      %dma_wait3A = arith.constant 0 : i32
      %dma_wait3A_381 = tpu.memref_slice %arg12[%add3A_50, %dma_wait3A] : memref<10240x128xf32, #tpu.memory_space<vmem_shared>> -> memref<40x128xf32, #tpu.memory_space<vmem_shared>>
      %dma_wait3A_382 = arith.constant 0 : i32
      %dma_wait3A_383 = tpu.memref_slice %arg12[%add3A_50, %dma_wait3A_382] : memref<10240x128xf32, #tpu.memory_space<vmem_shared>> -> memref<40x128xf32, #tpu.memory_space<vmem_shared>>
      tpu.wait_dma2 semaphore(%run_scoped3A_376 : memref<!tpu.dma_semaphore, #tpu.memory_space<semaphore_mem>>) src(%arg11 : memref<40x128xf32, #tpu.memory_space<vmem>>) dst(%dma_wait3A_383 : memref<40x128xf32, #tpu.memory_space<vmem_shared>>)
      tpu.yield
    }) : () -> ()
    %mul3A_51 = arith.constant 640 : i32
    %mul3A_52 = arith.muli %arg1, %mul3A_51 : i32
    %add3A_53 = arith.constant 440 : i32
    %add3A_54 = arith.addi %mul3A_52, %add3A_53 : i32
    "tpu.region"() ({
      %run_scoped3A_376 = tpu.sem_alloc : memref<!tpu.dma_semaphore, #tpu.memory_space<semaphore_mem>>
      %dma_start3A_377 = arith.constant 0 : i32
      %dma_start3A_378 = tpu.memref_slice %arg12[%add3A_54, %dma_start3A_377] : memref<10240x128xf32, #tpu.memory_space<vmem_shared>> -> memref<40x128xf32, #tpu.memory_space<vmem_shared>>
      %dma_start3A_379 = arith.constant 0 : i32
      %dma_start3A_380 = tpu.memref_slice %arg12[%add3A_54, %dma_start3A_379] : memref<10240x128xf32, #tpu.memory_space<vmem_shared>> -> memref<40x128xf32, #tpu.memory_space<vmem_shared>>
      tpu.enqueue_dma source(%arg11 : memref<40x128xf32, #tpu.memory_space<vmem>>) target(%dma_start3A_380 : memref<40x128xf32, #tpu.memory_space<vmem_shared>>) target_semaphore(%run_scoped3A_376 : memref<!tpu.dma_semaphore, #tpu.memory_space<semaphore_mem>>)
      %dma_wait3A = arith.constant 0 : i32
      %dma_wait3A_381 = tpu.memref_slice %arg12[%add3A_54, %dma_wait3A] : memref<10240x128xf32, #tpu.memory_space<vmem_shared>> -> memref<40x128xf32, #tpu.memory_space<vmem_shared>>
      %dma_wait3A_382 = arith.constant 0 : i32
      %dma_wait3A_383 = tpu.memref_slice %arg12[%add3A_54, %dma_wait3A_382] : memref<10240x128xf32, #tpu.memory_space<vmem_shared>> -> memref<40x128xf32, #tpu.memory_space<vmem_shared>>
      tpu.wait_dma2 semaphore(%run_scoped3A_376 : memref<!tpu.dma_semaphore, #tpu.memory_space<semaphore_mem>>) src(%arg11 : memref<40x128xf32, #tpu.memory_space<vmem>>) dst(%dma_wait3A_383 : memref<40x128xf32, #tpu.memory_space<vmem_shared>>)
      tpu.yield
    }) : () -> ()
    %mul3A_55 = arith.constant 640 : i32
    %mul3A_56 = arith.muli %arg1, %mul3A_55 : i32
    %add3A_57 = arith.constant 480 : i32
    %add3A_58 = arith.addi %mul3A_56, %add3A_57 : i32
    "tpu.region"() ({
      %run_scoped3A_376 = tpu.sem_alloc : memref<!tpu.dma_semaphore, #tpu.memory_space<semaphore_mem>>
      %dma_start3A_377 = arith.constant 0 : i32
      %dma_start3A_378 = tpu.memref_slice %arg12[%add3A_58, %dma_start3A_377] : memref<10240x128xf32, #tpu.memory_space<vmem_shared>> -> memref<40x128xf32, #tpu.memory_space<vmem_shared>>
      %dma_start3A_379 = arith.constant 0 : i32
      %dma_start3A_380 = tpu.memref_slice %arg12[%add3A_58, %dma_start3A_379] : memref<10240x128xf32, #tpu.memory_space<vmem_shared>> -> memref<40x128xf32, #tpu.memory_space<vmem_shared>>
      tpu.enqueue_dma source(%arg11 : memref<40x128xf32, #tpu.memory_space<vmem>>) target(%dma_start3A_380 : memref<40x128xf32, #tpu.memory_space<vmem_shared>>) target_semaphore(%run_scoped3A_376 : memref<!tpu.dma_semaphore, #tpu.memory_space<semaphore_mem>>)
      %dma_wait3A = arith.constant 0 : i32
      %dma_wait3A_381 = tpu.memref_slice %arg12[%add3A_58, %dma_wait3A] : memref<10240x128xf32, #tpu.memory_space<vmem_shared>> -> memref<40x128xf32, #tpu.memory_space<vmem_shared>>
      %dma_wait3A_382 = arith.constant 0 : i32
      %dma_wait3A_383 = tpu.memref_slice %arg12[%add3A_58, %dma_wait3A_382] : memref<10240x128xf32, #tpu.memory_space<vmem_shared>> -> memref<40x128xf32, #tpu.memory_space<vmem_shared>>
      tpu.wait_dma2 semaphore(%run_scoped3A_376 : memref<!tpu.dma_semaphore, #tpu.memory_space<semaphore_mem>>) src(%arg11 : memref<40x128xf32, #tpu.memory_space<vmem>>) dst(%dma_wait3A_383 : memref<40x128xf32, #tpu.memory_space<vmem_shared>>)
      tpu.yield
    }) : () -> ()
    %mul3A_59 = arith.constant 640 : i32
    %mul3A_60 = arith.muli %arg1, %mul3A_59 : i32
    %add3A_61 = arith.constant 520 : i32
    %add3A_62 = arith.addi %mul3A_60, %add3A_61 : i32
    "tpu.region"() ({
      %run_scoped3A_376 = tpu.sem_alloc : memref<!tpu.dma_semaphore, #tpu.memory_space<semaphore_mem>>
      %dma_start3A_377 = arith.constant 0 : i32
      %dma_start3A_378 = tpu.memref_slice %arg12[%add3A_62, %dma_start3A_377] : memref<10240x128xf32, #tpu.memory_space<vmem_shared>> -> memref<40x128xf32, #tpu.memory_space<vmem_shared>>
      %dma_start3A_379 = arith.constant 0 : i32
      %dma_start3A_380 = tpu.memref_slice %arg12[%add3A_62, %dma_start3A_379] : memref<10240x128xf32, #tpu.memory_space<vmem_shared>> -> memref<40x128xf32, #tpu.memory_space<vmem_shared>>
      tpu.enqueue_dma source(%arg11 : memref<40x128xf32, #tpu.memory_space<vmem>>) target(%dma_start3A_380 : memref<40x128xf32, #tpu.memory_space<vmem_shared>>) target_semaphore(%run_scoped3A_376 : memref<!tpu.dma_semaphore, #tpu.memory_space<semaphore_mem>>)
      %dma_wait3A = arith.constant 0 : i32
      %dma_wait3A_381 = tpu.memref_slice %arg12[%add3A_62, %dma_wait3A] : memref<10240x128xf32, #tpu.memory_space<vmem_shared>> -> memref<40x128xf32, #tpu.memory_space<vmem_shared>>
      %dma_wait3A_382 = arith.constant 0 : i32
      %dma_wait3A_383 = tpu.memref_slice %arg12[%add3A_62, %dma_wait3A_382] : memref<10240x128xf32, #tpu.memory_space<vmem_shared>> -> memref<40x128xf32, #tpu.memory_space<vmem_shared>>
      tpu.wait_dma2 semaphore(%run_scoped3A_376 : memref<!tpu.dma_semaphore, #tpu.memory_space<semaphore_mem>>) src(%arg11 : memref<40x128xf32, #tpu.memory_space<vmem>>) dst(%dma_wait3A_383 : memref<40x128xf32, #tpu.memory_space<vmem_shared>>)
      tpu.yield
    }) : () -> ()
    %mul3A_63 = arith.constant 640 : i32
    %mul3A_64 = arith.muli %arg1, %mul3A_63 : i32
    %add3A_65 = arith.constant 560 : i32
    %add3A_66 = arith.addi %mul3A_64, %add3A_65 : i32
    "tpu.region"() ({
      %run_scoped3A_376 = tpu.sem_alloc : memref<!tpu.dma_semaphore, #tpu.memory_space<semaphore_mem>>
      %dma_start3A_377 = arith.constant 0 : i32
      %dma_start3A_378 = tpu.memref_slice %arg12[%add3A_66, %dma_start3A_377] : memref<10240x128xf32, #tpu.memory_space<vmem_shared>> -> memref<40x128xf32, #tpu.memory_space<vmem_shared>>
      %dma_start3A_379 = arith.constant 0 : i32
      %dma_start3A_380 = tpu.memref_slice %arg12[%add3A_66, %dma_start3A_379] : memref<10240x128xf32, #tpu.memory_space<vmem_shared>> -> memref<40x128xf32, #tpu.memory_space<vmem_shared>>
      tpu.enqueue_dma source(%arg11 : memref<40x128xf32, #tpu.memory_space<vmem>>) target(%dma_start3A_380 : memref<40x128xf32, #tpu.memory_space<vmem_shared>>) target_semaphore(%run_scoped3A_376 : memref<!tpu.dma_semaphore, #tpu.memory_space<semaphore_mem>>)
      %dma_wait3A = arith.constant 0 : i32
      %dma_wait3A_381 = tpu.memref_slice %arg12[%add3A_66, %dma_wait3A] : memref<10240x128xf32, #tpu.memory_space<vmem_shared>> -> memref<40x128xf32, #tpu.memory_space<vmem_shared>>
      %dma_wait3A_382 = arith.constant 0 : i32
      %dma_wait3A_383 = tpu.memref_slice %arg12[%add3A_66, %dma_wait3A_382] : memref<10240x128xf32, #tpu.memory_space<vmem_shared>> -> memref<40x128xf32, #tpu.memory_space<vmem_shared>>
      tpu.wait_dma2 semaphore(%run_scoped3A_376 : memref<!tpu.dma_semaphore, #tpu.memory_space<semaphore_mem>>) src(%arg11 : memref<40x128xf32, #tpu.memory_space<vmem>>) dst(%dma_wait3A_383 : memref<40x128xf32, #tpu.memory_space<vmem_shared>>)
      tpu.yield
    }) : () -> ()
    %mul3A_67 = arith.constant 640 : i32
    %mul3A_68 = arith.muli %arg1, %mul3A_67 : i32
    %add3A_69 = arith.constant 600 : i32
    %add3A_70 = arith.addi %mul3A_68, %add3A_69 : i32
    "tpu.region"() ({
      %run_scoped3A_376 = tpu.sem_alloc : memref<!tpu.dma_semaphore, #tpu.memory_space<semaphore_mem>>
      %dma_start3A_377 = arith.constant 0 : i32
      %dma_start3A_378 = tpu.memref_slice %arg12[%add3A_70, %dma_start3A_377] : memref<10240x128xf32, #tpu.memory_space<vmem_shared>> -> memref<40x128xf32, #tpu.memory_space<vmem_shared>>
      %dma_start3A_379 = arith.constant 0 : i32
      %dma_start3A_380 = tpu.memref_slice %arg12[%add3A_70, %dma_start3A_379] : memref<10240x128xf32, #tpu.memory_space<vmem_shared>> -> memref<40x128xf32, #tpu.memory_space<vmem_shared>>
      tpu.enqueue_dma source(%arg11 : memref<40x128xf32, #tpu.memory_space<vmem>>) target(%dma_start3A_380 : memref<40x128xf32, #tpu.memory_space<vmem_shared>>) target_semaphore(%run_scoped3A_376 : memref<!tpu.dma_semaphore, #tpu.memory_space<semaphore_mem>>)
      %dma_wait3A = arith.constant 0 : i32
      %dma_wait3A_381 = tpu.memref_slice %arg12[%add3A_70, %dma_wait3A] : memref<10240x128xf32, #tpu.memory_space<vmem_shared>> -> memref<40x128xf32, #tpu.memory_space<vmem_shared>>
      %dma_wait3A_382 = arith.constant 0 : i32
      %dma_wait3A_383 = tpu.memref_slice %arg12[%add3A_70, %dma_wait3A_382] : memref<10240x128xf32, #tpu.memory_space<vmem_shared>> -> memref<40x128xf32, #tpu.memory_space<vmem_shared>>
      tpu.wait_dma2 semaphore(%run_scoped3A_376 : memref<!tpu.dma_semaphore, #tpu.memory_space<semaphore_mem>>) src(%arg11 : memref<40x128xf32, #tpu.memory_space<vmem>>) dst(%dma_wait3A_383 : memref<40x128xf32, #tpu.memory_space<vmem_shared>>)
      tpu.yield
    }) : () -> ()
    %barrier3A = arith.constant 0 : index
    tpu.barrier barrier_id(%barrier3A)
    %mul3A_71 = arith.constant 125 : i32
    %mul3A_72 = arith.muli %add3A, %mul3A_71 : i32
    %mul3A_73 = arith.constant 80 : i32
    %mul3A_74 = arith.muli %mul3A_72, %mul3A_73 : i32
    %add3A_75 = arith.constant 0 : i32
    %add3A_76 = arith.addi %mul3A_74, %add3A_75 : i32
    %dma_start3A = arith.constant 0 : i32
    %dma_start3A_77 = tpu.memref_slice %arg2[%add3A_76, %dma_start3A] : memref<320000x128xf32, #tpu.memory_space<hbm>> -> memref<80x128xf32, #tpu.memory_space<hbm>>
    %dma_start3A_78 = arith.constant 0 : i32
    %dma_start3A_79 = tpu.memref_slice %arg2[%add3A_76, %dma_start3A_78] : memref<320000x128xf32, #tpu.memory_space<hbm>> -> memref<80x128xf32, #tpu.memory_space<hbm>>
    tpu.enqueue_dma source(%dma_start3A_79 : memref<80x128xf32, #tpu.memory_space<hbm>>) target(%arg9 : memref<80x128xf32, #tpu.memory_space<vmem>>) target_semaphore(%arg13 : memref<!tpu.dma_semaphore, #tpu.memory_space<semaphore_mem>>)
    %add3A_80 = arith.constant 80 : i32
    %add3A_81 = arith.addi %mul3A_74, %add3A_80 : i32
    %dma_start3A_82 = arith.constant 0 : i32
    %dma_start3A_83 = tpu.memref_slice %arg2[%add3A_81, %dma_start3A_82] : memref<320000x128xf32, #tpu.memory_space<hbm>> -> memref<80x128xf32, #tpu.memory_space<hbm>>
    %dma_start3A_84 = arith.constant 0 : i32
    %dma_start3A_85 = tpu.memref_slice %arg2[%add3A_81, %dma_start3A_84] : memref<320000x128xf32, #tpu.memory_space<hbm>> -> memref<80x128xf32, #tpu.memory_space<hbm>>
    tpu.enqueue_dma source(%dma_start3A_85 : memref<80x128xf32, #tpu.memory_space<hbm>>) target(%arg10 : memref<80x128xf32, #tpu.memory_space<vmem>>) target_semaphore(%arg14 : memref<!tpu.dma_semaphore, #tpu.memory_space<semaphore_mem>>)
    %scan3A_86 = arith.constant 0 : i32
    %scan3A_87 = arith.constant 63 : i32
    %scan3A_88 = arith.addi %scan3A_86, %scan3A_87 : i32
    %scan3A_89 = arith.constant 1 : i32
    scf.for %scan3A_376 = %scan3A_86 to %scan3A_88 step %scan3A_89  : i32 {
      %mul3A_377 = arith.constant 1 : i32
      %mul3A_378 = arith.muli %scan3A_376, %mul3A_377 : i32
      %add3A_379 = arith.constant 0 : i32
      %add3A_380 = arith.addi %add3A_379, %mul3A_378 : i32
      %mul3A_381 = arith.constant 2 : i32
      %mul3A_382 = arith.muli %add3A_380, %mul3A_381 : i32
      %add3A_383 = arith.constant 0 : i32
      %add3A_384 = arith.addi %mul3A_382, %add3A_383 : i32
      %lt3A = arith.constant 125 : i32
      %lt3A_385 = arith.cmpi slt, %add3A_384, %lt3A : i32
      %convert_element_type3A = arith.extui %lt3A_385 : i1 to i32
      %cond3A = arith.constant 0 : i32
      %cond3A_386 = arith.cmpi ne, %convert_element_type3A, %cond3A : i32
      scf.if %cond3A_386 {
        %mul3A_396 = arith.constant 80 : i32
        %mul3A_397 = arith.muli %add3A_384, %mul3A_396 : i32
        %add3A_398 = arith.addi %mul3A_74, %mul3A_397 : i32
        %dma_wait3A = arith.constant 0 : i32
        %dma_wait3A_399 = tpu.memref_slice %arg2[%add3A_398, %dma_wait3A] : memref<320000x128xf32, #tpu.memory_space<hbm>> -> memref<80x128xf32, #tpu.memory_space<hbm>>
        %dma_wait3A_400 = arith.constant 0 : i32
        %dma_wait3A_401 = tpu.memref_slice %arg2[%add3A_398, %dma_wait3A_400] : memref<320000x128xf32, #tpu.memory_space<hbm>> -> memref<80x128xf32, #tpu.memory_space<hbm>>
        tpu.wait_dma2 semaphore(%arg13 : memref<!tpu.dma_semaphore, #tpu.memory_space<semaphore_mem>>) src(%dma_wait3A_401 : memref<80x128xf32, #tpu.memory_space<hbm>>) dst(%arg9 : memref<80x128xf32, #tpu.memory_space<vmem>>)
        "tpu.region"() ({
          %run_scoped3A_409 = tpu.sem_alloc : memref<!tpu.dma_semaphore, #tpu.memory_space<semaphore_mem>>
          %dma_start3A_410 = arith.constant 0 : i32
          %dma_start3A_411 = tpu.memref_slice %arg8[%add3A_384, %dma_start3A_410] : memref<125x80xi32, #tpu.memory_space<vmem>> -> memref<1x80xi32, #tpu.memory_space<vmem>>
          %dma_start3A_412 = tpu.memref_squeeze %dma_start3A_411 : memref<1x80xi32, #tpu.memory_space<vmem>> -> memref<80xi32, #tpu.memory_space<vmem>>
          %dma_start3A_413 = arith.constant 0 : i32
          %dma_start3A_414 = arith.constant 0 : i32
          %dma_start3A_415 = tpu.memref_slice %arg12[%dma_start3A_413, %dma_start3A_414] : memref<10240x128xf32, #tpu.memory_space<vmem_shared>> -> memref<10240x128xf32, #tpu.memory_space<vmem_shared>>
          tpu.enqueue_indirect_dma source(%arg9 : memref<80x128xf32, #tpu.memory_space<vmem>>) target(%dma_start3A_415 : memref<10240x128xf32, #tpu.memory_space<vmem_shared>>) offsets(%dma_start3A_412 : memref<80xi32, #tpu.memory_space<vmem>>) semaphore(%run_scoped3A_409 : memref<!tpu.dma_semaphore, #tpu.memory_space<semaphore_mem>>) {add = true}
          %dma_wait3A_416 = arith.constant 0 : i32
          %dma_wait3A_417 = tpu.memref_slice %arg8[%add3A_384, %dma_wait3A_416] : memref<125x80xi32, #tpu.memory_space<vmem>> -> memref<1x80xi32, #tpu.memory_space<vmem>>
          %dma_wait3A_418 = tpu.memref_squeeze %dma_wait3A_417 : memref<1x80xi32, #tpu.memory_space<vmem>> -> memref<80xi32, #tpu.memory_space<vmem>>
          %dma_wait3A_419 = arith.constant 0 : i32
          %dma_wait3A_420 = arith.constant 0 : i32
          %dma_wait3A_421 = tpu.memref_slice %arg12[%dma_wait3A_419, %dma_wait3A_420] : memref<10240x128xf32, #tpu.memory_space<vmem_shared>> -> memref<10240x128xf32, #tpu.memory_space<vmem_shared>>
          tpu.wait_indirect_dma semaphore(%run_scoped3A_409 : memref<!tpu.dma_semaphore, #tpu.memory_space<semaphore_mem>>) src(%arg9 : memref<80x128xf32, #tpu.memory_space<vmem>>) dst(%dma_wait3A_421 : memref<10240x128xf32, #tpu.memory_space<vmem_shared>>)
          tpu.yield
        }) : () -> ()
        %add3A_402 = arith.constant 2 : i32
        %add3A_403 = arith.addi %add3A_384, %add3A_402 : i32
        %lt3A_404 = arith.constant 125 : i32
        %lt3A_405 = arith.cmpi slt, %add3A_403, %lt3A_404 : i32
        %convert_element_type3A_406 = arith.extui %lt3A_405 : i1 to i32
        %cond3A_407 = arith.constant 0 : i32
        %cond3A_408 = arith.cmpi ne, %convert_element_type3A_406, %cond3A_407 : i32
        scf.if %cond3A_408 {
          %add3A_409 = arith.constant 2 : i32
          %add3A_410 = arith.addi %add3A_384, %add3A_409 : i32
          %mul3A_411 = arith.constant 80 : i32
          %mul3A_412 = arith.muli %add3A_410, %mul3A_411 : i32
          %add3A_413 = arith.addi %mul3A_74, %mul3A_412 : i32
          %dma_start3A_414 = arith.constant 0 : i32
          %dma_start3A_415 = tpu.memref_slice %arg2[%add3A_413, %dma_start3A_414] : memref<320000x128xf32, #tpu.memory_space<hbm>> -> memref<80x128xf32, #tpu.memory_space<hbm>>
          %dma_start3A_416 = arith.constant 0 : i32
          %dma_start3A_417 = tpu.memref_slice %arg2[%add3A_413, %dma_start3A_416] : memref<320000x128xf32, #tpu.memory_space<hbm>> -> memref<80x128xf32, #tpu.memory_space<hbm>>
          tpu.enqueue_dma source(%dma_start3A_417 : memref<80x128xf32, #tpu.memory_space<hbm>>) target(%arg9 : memref<80x128xf32, #tpu.memory_space<vmem>>) target_semaphore(%arg13 : memref<!tpu.dma_semaphore, #tpu.memory_space<semaphore_mem>>)
        } else {
        }
      } else {
      }
      %mul3A_387 = arith.constant 2 : i32
      %mul3A_388 = arith.muli %add3A_380, %mul3A_387 : i32
      %add3A_389 = arith.constant 1 : i32
      %add3A_390 = arith.addi %mul3A_388, %add3A_389 : i32
      %lt3A_391 = arith.constant 125 : i32
      %lt3A_392 = arith.cmpi slt, %add3A_390, %lt3A_391 : i32
      %convert_element_type3A_393 = arith.extui %lt3A_392 : i1 to i32
      %cond3A_394 = arith.constant 0 : i32
      %cond3A_395 = arith.cmpi ne, %convert_element_type3A_393, %cond3A_394 : i32
      scf.if %cond3A_395 {
        %mul3A_396 = arith.constant 80 : i32
        %mul3A_397 = arith.muli %add3A_390, %mul3A_396 : i32
        %add3A_398 = arith.addi %mul3A_74, %mul3A_397 : i32
        %dma_wait3A = arith.constant 0 : i32
        %dma_wait3A_399 = tpu.memref_slice %arg2[%add3A_398, %dma_wait3A] : memref<320000x128xf32, #tpu.memory_space<hbm>> -> memref<80x128xf32, #tpu.memory_space<hbm>>
        %dma_wait3A_400 = arith.constant 0 : i32
        %dma_wait3A_401 = tpu.memref_slice %arg2[%add3A_398, %dma_wait3A_400] : memref<320000x128xf32, #tpu.memory_space<hbm>> -> memref<80x128xf32, #tpu.memory_space<hbm>>
        tpu.wait_dma2 semaphore(%arg14 : memref<!tpu.dma_semaphore, #tpu.memory_space<semaphore_mem>>) src(%dma_wait3A_401 : memref<80x128xf32, #tpu.memory_space<hbm>>) dst(%arg10 : memref<80x128xf32, #tpu.memory_space<vmem>>)
        "tpu.region"() ({
          %run_scoped3A_409 = tpu.sem_alloc : memref<!tpu.dma_semaphore, #tpu.memory_space<semaphore_mem>>
          %dma_start3A_410 = arith.constant 0 : i32
          %dma_start3A_411 = tpu.memref_slice %arg8[%add3A_390, %dma_start3A_410] : memref<125x80xi32, #tpu.memory_space<vmem>> -> memref<1x80xi32, #tpu.memory_space<vmem>>
          %dma_start3A_412 = tpu.memref_squeeze %dma_start3A_411 : memref<1x80xi32, #tpu.memory_space<vmem>> -> memref<80xi32, #tpu.memory_space<vmem>>
          %dma_start3A_413 = arith.constant 0 : i32
          %dma_start3A_414 = arith.constant 0 : i32
          %dma_start3A_415 = tpu.memref_slice %arg12[%dma_start3A_413, %dma_start3A_414] : memref<10240x128xf32, #tpu.memory_space<vmem_shared>> -> memref<10240x128xf32, #tpu.memory_space<vmem_shared>>
          tpu.enqueue_indirect_dma source(%arg10 : memref<80x128xf32, #tpu.memory_space<vmem>>) target(%dma_start3A_415 : memref<10240x128xf32, #tpu.memory_space<vmem_shared>>) offsets(%dma_start3A_412 : memref<80xi32, #tpu.memory_space<vmem>>) semaphore(%run_scoped3A_409 : memref<!tpu.dma_semaphore, #tpu.memory_space<semaphore_mem>>) {add = true}
          %dma_wait3A_416 = arith.constant 0 : i32
          %dma_wait3A_417 = tpu.memref_slice %arg8[%add3A_390, %dma_wait3A_416] : memref<125x80xi32, #tpu.memory_space<vmem>> -> memref<1x80xi32, #tpu.memory_space<vmem>>
          %dma_wait3A_418 = tpu.memref_squeeze %dma_wait3A_417 : memref<1x80xi32, #tpu.memory_space<vmem>> -> memref<80xi32, #tpu.memory_space<vmem>>
          %dma_wait3A_419 = arith.constant 0 : i32
          %dma_wait3A_420 = arith.constant 0 : i32
          %dma_wait3A_421 = tpu.memref_slice %arg12[%dma_wait3A_419, %dma_wait3A_420] : memref<10240x128xf32, #tpu.memory_space<vmem_shared>> -> memref<10240x128xf32, #tpu.memory_space<vmem_shared>>
          tpu.wait_indirect_dma semaphore(%run_scoped3A_409 : memref<!tpu.dma_semaphore, #tpu.memory_space<semaphore_mem>>) src(%arg10 : memref<80x128xf32, #tpu.memory_space<vmem>>) dst(%dma_wait3A_421 : memref<10240x128xf32, #tpu.memory_space<vmem_shared>>)
          tpu.yield
        }) : () -> ()
        %add3A_402 = arith.constant 2 : i32
        %add3A_403 = arith.addi %add3A_390, %add3A_402 : i32
        %lt3A_404 = arith.constant 125 : i32
        %lt3A_405 = arith.cmpi slt, %add3A_403, %lt3A_404 : i32
        %convert_element_type3A_406 = arith.extui %lt3A_405 : i1 to i32
        %cond3A_407 = arith.constant 0 : i32
        %cond3A_408 = arith.cmpi ne, %convert_element_type3A_406, %cond3A_407 : i32
        scf.if %cond3A_408 {
          %add3A_409 = arith.constant 2 : i32
          %add3A_410 = arith.addi %add3A_390, %add3A_409 : i32
          %mul3A_411 = arith.constant 80 : i32
          %mul3A_412 = arith.muli %add3A_410, %mul3A_411 : i32
          %add3A_413 = arith.addi %mul3A_74, %mul3A_412 : i32
          %dma_start3A_414 = arith.constant 0 : i32
          %dma_start3A_415 = tpu.memref_slice %arg2[%add3A_413, %dma_start3A_414] : memref<320000x128xf32, #tpu.memory_space<hbm>> -> memref<80x128xf32, #tpu.memory_space<hbm>>
          %dma_start3A_416 = arith.constant 0 : i32
          %dma_start3A_417 = tpu.memref_slice %arg2[%add3A_413, %dma_start3A_416] : memref<320000x128xf32, #tpu.memory_space<hbm>> -> memref<80x128xf32, #tpu.memory_space<hbm>>
          tpu.enqueue_dma source(%dma_start3A_417 : memref<80x128xf32, #tpu.memory_space<hbm>>) target(%arg10 : memref<80x128xf32, #tpu.memory_space<vmem>>) target_semaphore(%arg14 : memref<!tpu.dma_semaphore, #tpu.memory_space<semaphore_mem>>)
        } else {
        }
      } else {
      }
    }
    %scan3A_90 = arith.constant 63 : i32
    %barrier3A_91 = arith.constant 0 : index
    tpu.barrier barrier_id(%barrier3A_91)
    %mul3A_92 = arith.constant 640 : i32
    %mul3A_93 = arith.muli %arg1, %mul3A_92 : i32
    %mul3A_94 = arith.constant 640 : i32
    %mul3A_95 = arith.muli %arg1, %mul3A_94 : i32
    %run_scoped3A = arith.constant 0 : i32
    "tpu.region"() ({
      %run_scoped3A_376 = tpu.sem_alloc : memref<!tpu.dma_semaphore, #tpu.memory_space<semaphore_mem>>
      %dma_start3A_377 = arith.constant 0 : i32
      %dma_start3A_378 = tpu.memref_slice %arg7[%arg0, %run_scoped3A, %mul3A_95, %dma_start3A_377] : memref<2x4x10240x128xf32, #tpu.memory_space<hbm>> -> memref<1x1x640x128xf32, #tpu.memory_space<hbm>>
      %dma_start3A_379 = tpu.memref_squeeze %dma_start3A_378 : memref<1x1x640x128xf32, #tpu.memory_space<hbm>> -> memref<640x128xf32, #tpu.memory_space<hbm>>
      %dma_start3A_380 = arith.constant 0 : i32
      %dma_start3A_381 = tpu.memref_slice %arg12[%mul3A_93, %dma_start3A_380] : memref<10240x128xf32, #tpu.memory_space<vmem_shared>> -> memref<640x128xf32, #tpu.memory_space<vmem_shared>>
      tpu.enqueue_dma source(%dma_start3A_381 : memref<640x128xf32, #tpu.memory_space<vmem_shared>>) target(%dma_start3A_379 : memref<640x128xf32, #tpu.memory_space<hbm>>) target_semaphore(%run_scoped3A_376 : memref<!tpu.dma_semaphore, #tpu.memory_space<semaphore_mem>>)
      %dma_wait3A = arith.constant 0 : i32
      %dma_wait3A_382 = tpu.memref_slice %arg7[%arg0, %run_scoped3A, %mul3A_95, %dma_wait3A] : memref<2x4x10240x128xf32, #tpu.memory_space<hbm>> -> memref<1x1x640x128xf32, #tpu.memory_space<hbm>>
      %dma_wait3A_383 = tpu.memref_squeeze %dma_wait3A_382 : memref<1x1x640x128xf32, #tpu.memory_space<hbm>> -> memref<640x128xf32, #tpu.memory_space<hbm>>
      %dma_wait3A_384 = arith.constant 0 : i32
      %dma_wait3A_385 = tpu.memref_slice %arg12[%mul3A_93, %dma_wait3A_384] : memref<10240x128xf32, #tpu.memory_space<vmem_shared>> -> memref<640x128xf32, #tpu.memory_space<vmem_shared>>
      tpu.wait_dma2 semaphore(%run_scoped3A_376 : memref<!tpu.dma_semaphore, #tpu.memory_space<semaphore_mem>>) src(%dma_wait3A_385 : memref<640x128xf32, #tpu.memory_space<vmem_shared>>) dst(%dma_wait3A_383 : memref<640x128xf32, #tpu.memory_space<hbm>>)
      tpu.yield
    }) : () -> ()
    %barrier3A_96 = arith.constant 0 : index
    tpu.barrier barrier_id(%barrier3A_96)
    %mul3A_97 = arith.constant 640 : i32
    %mul3A_98 = arith.muli %arg1, %mul3A_97 : i32
    %add3A_99 = arith.constant 0 : i32
    %add3A_100 = arith.addi %mul3A_98, %add3A_99 : i32
    "tpu.region"() ({
      %run_scoped3A_376 = tpu.sem_alloc : memref<!tpu.dma_semaphore, #tpu.memory_space<semaphore_mem>>
      %dma_start3A_377 = arith.constant 0 : i32
      %dma_start3A_378 = tpu.memref_slice %arg12[%add3A_100, %dma_start3A_377] : memref<10240x128xf32, #tpu.memory_space<vmem_shared>> -> memref<40x128xf32, #tpu.memory_space<vmem_shared>>
      %dma_start3A_379 = arith.constant 0 : i32
      %dma_start3A_380 = tpu.memref_slice %arg12[%add3A_100, %dma_start3A_379] : memref<10240x128xf32, #tpu.memory_space<vmem_shared>> -> memref<40x128xf32, #tpu.memory_space<vmem_shared>>
      tpu.enqueue_dma source(%arg11 : memref<40x128xf32, #tpu.memory_space<vmem>>) target(%dma_start3A_380 : memref<40x128xf32, #tpu.memory_space<vmem_shared>>) target_semaphore(%run_scoped3A_376 : memref<!tpu.dma_semaphore, #tpu.memory_space<semaphore_mem>>)
      %dma_wait3A = arith.constant 0 : i32
      %dma_wait3A_381 = tpu.memref_slice %arg12[%add3A_100, %dma_wait3A] : memref<10240x128xf32, #tpu.memory_space<vmem_shared>> -> memref<40x128xf32, #tpu.memory_space<vmem_shared>>
      %dma_wait3A_382 = arith.constant 0 : i32
      %dma_wait3A_383 = tpu.memref_slice %arg12[%add3A_100, %dma_wait3A_382] : memref<10240x128xf32, #tpu.memory_space<vmem_shared>> -> memref<40x128xf32, #tpu.memory_space<vmem_shared>>
      tpu.wait_dma2 semaphore(%run_scoped3A_376 : memref<!tpu.dma_semaphore, #tpu.memory_space<semaphore_mem>>) src(%arg11 : memref<40x128xf32, #tpu.memory_space<vmem>>) dst(%dma_wait3A_383 : memref<40x128xf32, #tpu.memory_space<vmem_shared>>)
      tpu.yield
    }) : () -> ()
    %mul3A_101 = arith.constant 640 : i32
    %mul3A_102 = arith.muli %arg1, %mul3A_101 : i32
    %add3A_103 = arith.constant 40 : i32
    %add3A_104 = arith.addi %mul3A_102, %add3A_103 : i32
    "tpu.region"() ({
      %run_scoped3A_376 = tpu.sem_alloc : memref<!tpu.dma_semaphore, #tpu.memory_space<semaphore_mem>>
      %dma_start3A_377 = arith.constant 0 : i32
      %dma_start3A_378 = tpu.memref_slice %arg12[%add3A_104, %dma_start3A_377] : memref<10240x128xf32, #tpu.memory_space<vmem_shared>> -> memref<40x128xf32, #tpu.memory_space<vmem_shared>>
      %dma_start3A_379 = arith.constant 0 : i32
      %dma_start3A_380 = tpu.memref_slice %arg12[%add3A_104, %dma_start3A_379] : memref<10240x128xf32, #tpu.memory_space<vmem_shared>> -> memref<40x128xf32, #tpu.memory_space<vmem_shared>>
      tpu.enqueue_dma source(%arg11 : memref<40x128xf32, #tpu.memory_space<vmem>>) target(%dma_start3A_380 : memref<40x128xf32, #tpu.memory_space<vmem_shared>>) target_semaphore(%run_scoped3A_376 : memref<!tpu.dma_semaphore, #tpu.memory_space<semaphore_mem>>)
      %dma_wait3A = arith.constant 0 : i32
      %dma_wait3A_381 = tpu.memref_slice %arg12[%add3A_104, %dma_wait3A] : memref<10240x128xf32, #tpu.memory_space<vmem_shared>> -> memref<40x128xf32, #tpu.memory_space<vmem_shared>>
      %dma_wait3A_382 = arith.constant 0 : i32
      %dma_wait3A_383 = tpu.memref_slice %arg12[%add3A_104, %dma_wait3A_382] : memref<10240x128xf32, #tpu.memory_space<vmem_shared>> -> memref<40x128xf32, #tpu.memory_space<vmem_shared>>
      tpu.wait_dma2 semaphore(%run_scoped3A_376 : memref<!tpu.dma_semaphore, #tpu.memory_space<semaphore_mem>>) src(%arg11 : memref<40x128xf32, #tpu.memory_space<vmem>>) dst(%dma_wait3A_383 : memref<40x128xf32, #tpu.memory_space<vmem_shared>>)
      tpu.yield
    }) : () -> ()
    %mul3A_105 = arith.constant 640 : i32
    %mul3A_106 = arith.muli %arg1, %mul3A_105 : i32
    %add3A_107 = arith.constant 80 : i32
    %add3A_108 = arith.addi %mul3A_106, %add3A_107 : i32
    "tpu.region"() ({
      %run_scoped3A_376 = tpu.sem_alloc : memref<!tpu.dma_semaphore, #tpu.memory_space<semaphore_mem>>
      %dma_start3A_377 = arith.constant 0 : i32
      %dma_start3A_378 = tpu.memref_slice %arg12[%add3A_108, %dma_start3A_377] : memref<10240x128xf32, #tpu.memory_space<vmem_shared>> -> memref<40x128xf32, #tpu.memory_space<vmem_shared>>
      %dma_start3A_379 = arith.constant 0 : i32
      %dma_start3A_380 = tpu.memref_slice %arg12[%add3A_108, %dma_start3A_379] : memref<10240x128xf32, #tpu.memory_space<vmem_shared>> -> memref<40x128xf32, #tpu.memory_space<vmem_shared>>
      tpu.enqueue_dma source(%arg11 : memref<40x128xf32, #tpu.memory_space<vmem>>) target(%dma_start3A_380 : memref<40x128xf32, #tpu.memory_space<vmem_shared>>) target_semaphore(%run_scoped3A_376 : memref<!tpu.dma_semaphore, #tpu.memory_space<semaphore_mem>>)
      %dma_wait3A = arith.constant 0 : i32
      %dma_wait3A_381 = tpu.memref_slice %arg12[%add3A_108, %dma_wait3A] : memref<10240x128xf32, #tpu.memory_space<vmem_shared>> -> memref<40x128xf32, #tpu.memory_space<vmem_shared>>
      %dma_wait3A_382 = arith.constant 0 : i32
      %dma_wait3A_383 = tpu.memref_slice %arg12[%add3A_108, %dma_wait3A_382] : memref<10240x128xf32, #tpu.memory_space<vmem_shared>> -> memref<40x128xf32, #tpu.memory_space<vmem_shared>>
      tpu.wait_dma2 semaphore(%run_scoped3A_376 : memref<!tpu.dma_semaphore, #tpu.memory_space<semaphore_mem>>) src(%arg11 : memref<40x128xf32, #tpu.memory_space<vmem>>) dst(%dma_wait3A_383 : memref<40x128xf32, #tpu.memory_space<vmem_shared>>)
      tpu.yield
    }) : () -> ()
    %mul3A_109 = arith.constant 640 : i32
    %mul3A_110 = arith.muli %arg1, %mul3A_109 : i32
    %add3A_111 = arith.constant 120 : i32
    %add3A_112 = arith.addi %mul3A_110, %add3A_111 : i32
    "tpu.region"() ({
      %run_scoped3A_376 = tpu.sem_alloc : memref<!tpu.dma_semaphore, #tpu.memory_space<semaphore_mem>>
      %dma_start3A_377 = arith.constant 0 : i32
      %dma_start3A_378 = tpu.memref_slice %arg12[%add3A_112, %dma_start3A_377] : memref<10240x128xf32, #tpu.memory_space<vmem_shared>> -> memref<40x128xf32, #tpu.memory_space<vmem_shared>>
      %dma_start3A_379 = arith.constant 0 : i32
      %dma_start3A_380 = tpu.memref_slice %arg12[%add3A_112, %dma_start3A_379] : memref<10240x128xf32, #tpu.memory_space<vmem_shared>> -> memref<40x128xf32, #tpu.memory_space<vmem_shared>>
      tpu.enqueue_dma source(%arg11 : memref<40x128xf32, #tpu.memory_space<vmem>>) target(%dma_start3A_380 : memref<40x128xf32, #tpu.memory_space<vmem_shared>>) target_semaphore(%run_scoped3A_376 : memref<!tpu.dma_semaphore, #tpu.memory_space<semaphore_mem>>)
      %dma_wait3A = arith.constant 0 : i32
      %dma_wait3A_381 = tpu.memref_slice %arg12[%add3A_112, %dma_wait3A] : memref<10240x128xf32, #tpu.memory_space<vmem_shared>> -> memref<40x128xf32, #tpu.memory_space<vmem_shared>>
      %dma_wait3A_382 = arith.constant 0 : i32
      %dma_wait3A_383 = tpu.memref_slice %arg12[%add3A_112, %dma_wait3A_382] : memref<10240x128xf32, #tpu.memory_space<vmem_shared>> -> memref<40x128xf32, #tpu.memory_space<vmem_shared>>
      tpu.wait_dma2 semaphore(%run_scoped3A_376 : memref<!tpu.dma_semaphore, #tpu.memory_space<semaphore_mem>>) src(%arg11 : memref<40x128xf32, #tpu.memory_space<vmem>>) dst(%dma_wait3A_383 : memref<40x128xf32, #tpu.memory_space<vmem_shared>>)
      tpu.yield
    }) : () -> ()
    %mul3A_113 = arith.constant 640 : i32
    %mul3A_114 = arith.muli %arg1, %mul3A_113 : i32
    %add3A_115 = arith.constant 160 : i32
    %add3A_116 = arith.addi %mul3A_114, %add3A_115 : i32
    "tpu.region"() ({
      %run_scoped3A_376 = tpu.sem_alloc : memref<!tpu.dma_semaphore, #tpu.memory_space<semaphore_mem>>
      %dma_start3A_377 = arith.constant 0 : i32
      %dma_start3A_378 = tpu.memref_slice %arg12[%add3A_116, %dma_start3A_377] : memref<10240x128xf32, #tpu.memory_space<vmem_shared>> -> memref<40x128xf32, #tpu.memory_space<vmem_shared>>
      %dma_start3A_379 = arith.constant 0 : i32
      %dma_start3A_380 = tpu.memref_slice %arg12[%add3A_116, %dma_start3A_379] : memref<10240x128xf32, #tpu.memory_space<vmem_shared>> -> memref<40x128xf32, #tpu.memory_space<vmem_shared>>
      tpu.enqueue_dma source(%arg11 : memref<40x128xf32, #tpu.memory_space<vmem>>) target(%dma_start3A_380 : memref<40x128xf32, #tpu.memory_space<vmem_shared>>) target_semaphore(%run_scoped3A_376 : memref<!tpu.dma_semaphore, #tpu.memory_space<semaphore_mem>>)
      %dma_wait3A = arith.constant 0 : i32
      %dma_wait3A_381 = tpu.memref_slice %arg12[%add3A_116, %dma_wait3A] : memref<10240x128xf32, #tpu.memory_space<vmem_shared>> -> memref<40x128xf32, #tpu.memory_space<vmem_shared>>
      %dma_wait3A_382 = arith.constant 0 : i32
      %dma_wait3A_383 = tpu.memref_slice %arg12[%add3A_116, %dma_wait3A_382] : memref<10240x128xf32, #tpu.memory_space<vmem_shared>> -> memref<40x128xf32, #tpu.memory_space<vmem_shared>>
      tpu.wait_dma2 semaphore(%run_scoped3A_376 : memref<!tpu.dma_semaphore, #tpu.memory_space<semaphore_mem>>) src(%arg11 : memref<40x128xf32, #tpu.memory_space<vmem>>) dst(%dma_wait3A_383 : memref<40x128xf32, #tpu.memory_space<vmem_shared>>)
      tpu.yield
    }) : () -> ()
    %mul3A_117 = arith.constant 640 : i32
    %mul3A_118 = arith.muli %arg1, %mul3A_117 : i32
    %add3A_119 = arith.constant 200 : i32
    %add3A_120 = arith.addi %mul3A_118, %add3A_119 : i32
    "tpu.region"() ({
      %run_scoped3A_376 = tpu.sem_alloc : memref<!tpu.dma_semaphore, #tpu.memory_space<semaphore_mem>>
      %dma_start3A_377 = arith.constant 0 : i32
      %dma_start3A_378 = tpu.memref_slice %arg12[%add3A_120, %dma_start3A_377] : memref<10240x128xf32, #tpu.memory_space<vmem_shared>> -> memref<40x128xf32, #tpu.memory_space<vmem_shared>>
      %dma_start3A_379 = arith.constant 0 : i32
      %dma_start3A_380 = tpu.memref_slice %arg12[%add3A_120, %dma_start3A_379] : memref<10240x128xf32, #tpu.memory_space<vmem_shared>> -> memref<40x128xf32, #tpu.memory_space<vmem_shared>>
      tpu.enqueue_dma source(%arg11 : memref<40x128xf32, #tpu.memory_space<vmem>>) target(%dma_start3A_380 : memref<40x128xf32, #tpu.memory_space<vmem_shared>>) target_semaphore(%run_scoped3A_376 : memref<!tpu.dma_semaphore, #tpu.memory_space<semaphore_mem>>)
      %dma_wait3A = arith.constant 0 : i32
      %dma_wait3A_381 = tpu.memref_slice %arg12[%add3A_120, %dma_wait3A] : memref<10240x128xf32, #tpu.memory_space<vmem_shared>> -> memref<40x128xf32, #tpu.memory_space<vmem_shared>>
      %dma_wait3A_382 = arith.constant 0 : i32
      %dma_wait3A_383 = tpu.memref_slice %arg12[%add3A_120, %dma_wait3A_382] : memref<10240x128xf32, #tpu.memory_space<vmem_shared>> -> memref<40x128xf32, #tpu.memory_space<vmem_shared>>
      tpu.wait_dma2 semaphore(%run_scoped3A_376 : memref<!tpu.dma_semaphore, #tpu.memory_space<semaphore_mem>>) src(%arg11 : memref<40x128xf32, #tpu.memory_space<vmem>>) dst(%dma_wait3A_383 : memref<40x128xf32, #tpu.memory_space<vmem_shared>>)
      tpu.yield
    }) : () -> ()
    %mul3A_121 = arith.constant 640 : i32
    %mul3A_122 = arith.muli %arg1, %mul3A_121 : i32
    %add3A_123 = arith.constant 240 : i32
    %add3A_124 = arith.addi %mul3A_122, %add3A_123 : i32
    "tpu.region"() ({
      %run_scoped3A_376 = tpu.sem_alloc : memref<!tpu.dma_semaphore, #tpu.memory_space<semaphore_mem>>
      %dma_start3A_377 = arith.constant 0 : i32
      %dma_start3A_378 = tpu.memref_slice %arg12[%add3A_124, %dma_start3A_377] : memref<10240x128xf32, #tpu.memory_space<vmem_shared>> -> memref<40x128xf32, #tpu.memory_space<vmem_shared>>
      %dma_start3A_379 = arith.constant 0 : i32
      %dma_start3A_380 = tpu.memref_slice %arg12[%add3A_124, %dma_start3A_379] : memref<10240x128xf32, #tpu.memory_space<vmem_shared>> -> memref<40x128xf32, #tpu.memory_space<vmem_shared>>
      tpu.enqueue_dma source(%arg11 : memref<40x128xf32, #tpu.memory_space<vmem>>) target(%dma_start3A_380 : memref<40x128xf32, #tpu.memory_space<vmem_shared>>) target_semaphore(%run_scoped3A_376 : memref<!tpu.dma_semaphore, #tpu.memory_space<semaphore_mem>>)
      %dma_wait3A = arith.constant 0 : i32
      %dma_wait3A_381 = tpu.memref_slice %arg12[%add3A_124, %dma_wait3A] : memref<10240x128xf32, #tpu.memory_space<vmem_shared>> -> memref<40x128xf32, #tpu.memory_space<vmem_shared>>
      %dma_wait3A_382 = arith.constant 0 : i32
      %dma_wait3A_383 = tpu.memref_slice %arg12[%add3A_124, %dma_wait3A_382] : memref<10240x128xf32, #tpu.memory_space<vmem_shared>> -> memref<40x128xf32, #tpu.memory_space<vmem_shared>>
      tpu.wait_dma2 semaphore(%run_scoped3A_376 : memref<!tpu.dma_semaphore, #tpu.memory_space<semaphore_mem>>) src(%arg11 : memref<40x128xf32, #tpu.memory_space<vmem>>) dst(%dma_wait3A_383 : memref<40x128xf32, #tpu.memory_space<vmem_shared>>)
      tpu.yield
    }) : () -> ()
    %mul3A_125 = arith.constant 640 : i32
    %mul3A_126 = arith.muli %arg1, %mul3A_125 : i32
    %add3A_127 = arith.constant 280 : i32
    %add3A_128 = arith.addi %mul3A_126, %add3A_127 : i32
    "tpu.region"() ({
      %run_scoped3A_376 = tpu.sem_alloc : memref<!tpu.dma_semaphore, #tpu.memory_space<semaphore_mem>>
      %dma_start3A_377 = arith.constant 0 : i32
      %dma_start3A_378 = tpu.memref_slice %arg12[%add3A_128, %dma_start3A_377] : memref<10240x128xf32, #tpu.memory_space<vmem_shared>> -> memref<40x128xf32, #tpu.memory_space<vmem_shared>>
      %dma_start3A_379 = arith.constant 0 : i32
      %dma_start3A_380 = tpu.memref_slice %arg12[%add3A_128, %dma_start3A_379] : memref<10240x128xf32, #tpu.memory_space<vmem_shared>> -> memref<40x128xf32, #tpu.memory_space<vmem_shared>>
      tpu.enqueue_dma source(%arg11 : memref<40x128xf32, #tpu.memory_space<vmem>>) target(%dma_start3A_380 : memref<40x128xf32, #tpu.memory_space<vmem_shared>>) target_semaphore(%run_scoped3A_376 : memref<!tpu.dma_semaphore, #tpu.memory_space<semaphore_mem>>)
      %dma_wait3A = arith.constant 0 : i32
      %dma_wait3A_381 = tpu.memref_slice %arg12[%add3A_128, %dma_wait3A] : memref<10240x128xf32, #tpu.memory_space<vmem_shared>> -> memref<40x128xf32, #tpu.memory_space<vmem_shared>>
      %dma_wait3A_382 = arith.constant 0 : i32
      %dma_wait3A_383 = tpu.memref_slice %arg12[%add3A_128, %dma_wait3A_382] : memref<10240x128xf32, #tpu.memory_space<vmem_shared>> -> memref<40x128xf32, #tpu.memory_space<vmem_shared>>
      tpu.wait_dma2 semaphore(%run_scoped3A_376 : memref<!tpu.dma_semaphore, #tpu.memory_space<semaphore_mem>>) src(%arg11 : memref<40x128xf32, #tpu.memory_space<vmem>>) dst(%dma_wait3A_383 : memref<40x128xf32, #tpu.memory_space<vmem_shared>>)
      tpu.yield
    }) : () -> ()
    %mul3A_129 = arith.constant 640 : i32
    %mul3A_130 = arith.muli %arg1, %mul3A_129 : i32
    %add3A_131 = arith.constant 320 : i32
    %add3A_132 = arith.addi %mul3A_130, %add3A_131 : i32
    "tpu.region"() ({
      %run_scoped3A_376 = tpu.sem_alloc : memref<!tpu.dma_semaphore, #tpu.memory_space<semaphore_mem>>
      %dma_start3A_377 = arith.constant 0 : i32
      %dma_start3A_378 = tpu.memref_slice %arg12[%add3A_132, %dma_start3A_377] : memref<10240x128xf32, #tpu.memory_space<vmem_shared>> -> memref<40x128xf32, #tpu.memory_space<vmem_shared>>
      %dma_start3A_379 = arith.constant 0 : i32
      %dma_start3A_380 = tpu.memref_slice %arg12[%add3A_132, %dma_start3A_379] : memref<10240x128xf32, #tpu.memory_space<vmem_shared>> -> memref<40x128xf32, #tpu.memory_space<vmem_shared>>
      tpu.enqueue_dma source(%arg11 : memref<40x128xf32, #tpu.memory_space<vmem>>) target(%dma_start3A_380 : memref<40x128xf32, #tpu.memory_space<vmem_shared>>) target_semaphore(%run_scoped3A_376 : memref<!tpu.dma_semaphore, #tpu.memory_space<semaphore_mem>>)
      %dma_wait3A = arith.constant 0 : i32
      %dma_wait3A_381 = tpu.memref_slice %arg12[%add3A_132, %dma_wait3A] : memref<10240x128xf32, #tpu.memory_space<vmem_shared>> -> memref<40x128xf32, #tpu.memory_space<vmem_shared>>
      %dma_wait3A_382 = arith.constant 0 : i32
      %dma_wait3A_383 = tpu.memref_slice %arg12[%add3A_132, %dma_wait3A_382] : memref<10240x128xf32, #tpu.memory_space<vmem_shared>> -> memref<40x128xf32, #tpu.memory_space<vmem_shared>>
      tpu.wait_dma2 semaphore(%run_scoped3A_376 : memref<!tpu.dma_semaphore, #tpu.memory_space<semaphore_mem>>) src(%arg11 : memref<40x128xf32, #tpu.memory_space<vmem>>) dst(%dma_wait3A_383 : memref<40x128xf32, #tpu.memory_space<vmem_shared>>)
      tpu.yield
    }) : () -> ()
    %mul3A_133 = arith.constant 640 : i32
    %mul3A_134 = arith.muli %arg1, %mul3A_133 : i32
    %add3A_135 = arith.constant 360 : i32
    %add3A_136 = arith.addi %mul3A_134, %add3A_135 : i32
    "tpu.region"() ({
      %run_scoped3A_376 = tpu.sem_alloc : memref<!tpu.dma_semaphore, #tpu.memory_space<semaphore_mem>>
      %dma_start3A_377 = arith.constant 0 : i32
      %dma_start3A_378 = tpu.memref_slice %arg12[%add3A_136, %dma_start3A_377] : memref<10240x128xf32, #tpu.memory_space<vmem_shared>> -> memref<40x128xf32, #tpu.memory_space<vmem_shared>>
      %dma_start3A_379 = arith.constant 0 : i32
      %dma_start3A_380 = tpu.memref_slice %arg12[%add3A_136, %dma_start3A_379] : memref<10240x128xf32, #tpu.memory_space<vmem_shared>> -> memref<40x128xf32, #tpu.memory_space<vmem_shared>>
      tpu.enqueue_dma source(%arg11 : memref<40x128xf32, #tpu.memory_space<vmem>>) target(%dma_start3A_380 : memref<40x128xf32, #tpu.memory_space<vmem_shared>>) target_semaphore(%run_scoped3A_376 : memref<!tpu.dma_semaphore, #tpu.memory_space<semaphore_mem>>)
      %dma_wait3A = arith.constant 0 : i32
      %dma_wait3A_381 = tpu.memref_slice %arg12[%add3A_136, %dma_wait3A] : memref<10240x128xf32, #tpu.memory_space<vmem_shared>> -> memref<40x128xf32, #tpu.memory_space<vmem_shared>>
      %dma_wait3A_382 = arith.constant 0 : i32
      %dma_wait3A_383 = tpu.memref_slice %arg12[%add3A_136, %dma_wait3A_382] : memref<10240x128xf32, #tpu.memory_space<vmem_shared>> -> memref<40x128xf32, #tpu.memory_space<vmem_shared>>
      tpu.wait_dma2 semaphore(%run_scoped3A_376 : memref<!tpu.dma_semaphore, #tpu.memory_space<semaphore_mem>>) src(%arg11 : memref<40x128xf32, #tpu.memory_space<vmem>>) dst(%dma_wait3A_383 : memref<40x128xf32, #tpu.memory_space<vmem_shared>>)
      tpu.yield
    }) : () -> ()
    %mul3A_137 = arith.constant 640 : i32
    %mul3A_138 = arith.muli %arg1, %mul3A_137 : i32
    %add3A_139 = arith.constant 400 : i32
    %add3A_140 = arith.addi %mul3A_138, %add3A_139 : i32
    "tpu.region"() ({
      %run_scoped3A_376 = tpu.sem_alloc : memref<!tpu.dma_semaphore, #tpu.memory_space<semaphore_mem>>
      %dma_start3A_377 = arith.constant 0 : i32
      %dma_start3A_378 = tpu.memref_slice %arg12[%add3A_140, %dma_start3A_377] : memref<10240x128xf32, #tpu.memory_space<vmem_shared>> -> memref<40x128xf32, #tpu.memory_space<vmem_shared>>
      %dma_start3A_379 = arith.constant 0 : i32
      %dma_start3A_380 = tpu.memref_slice %arg12[%add3A_140, %dma_start3A_379] : memref<10240x128xf32, #tpu.memory_space<vmem_shared>> -> memref<40x128xf32, #tpu.memory_space<vmem_shared>>
      tpu.enqueue_dma source(%arg11 : memref<40x128xf32, #tpu.memory_space<vmem>>) target(%dma_start3A_380 : memref<40x128xf32, #tpu.memory_space<vmem_shared>>) target_semaphore(%run_scoped3A_376 : memref<!tpu.dma_semaphore, #tpu.memory_space<semaphore_mem>>)
      %dma_wait3A = arith.constant 0 : i32
      %dma_wait3A_381 = tpu.memref_slice %arg12[%add3A_140, %dma_wait3A] : memref<10240x128xf32, #tpu.memory_space<vmem_shared>> -> memref<40x128xf32, #tpu.memory_space<vmem_shared>>
      %dma_wait3A_382 = arith.constant 0 : i32
      %dma_wait3A_383 = tpu.memref_slice %arg12[%add3A_140, %dma_wait3A_382] : memref<10240x128xf32, #tpu.memory_space<vmem_shared>> -> memref<40x128xf32, #tpu.memory_space<vmem_shared>>
      tpu.wait_dma2 semaphore(%run_scoped3A_376 : memref<!tpu.dma_semaphore, #tpu.memory_space<semaphore_mem>>) src(%arg11 : memref<40x128xf32, #tpu.memory_space<vmem>>) dst(%dma_wait3A_383 : memref<40x128xf32, #tpu.memory_space<vmem_shared>>)
      tpu.yield
    }) : () -> ()
    %mul3A_141 = arith.constant 640 : i32
    %mul3A_142 = arith.muli %arg1, %mul3A_141 : i32
    %add3A_143 = arith.constant 440 : i32
    %add3A_144 = arith.addi %mul3A_142, %add3A_143 : i32
    "tpu.region"() ({
      %run_scoped3A_376 = tpu.sem_alloc : memref<!tpu.dma_semaphore, #tpu.memory_space<semaphore_mem>>
      %dma_start3A_377 = arith.constant 0 : i32
      %dma_start3A_378 = tpu.memref_slice %arg12[%add3A_144, %dma_start3A_377] : memref<10240x128xf32, #tpu.memory_space<vmem_shared>> -> memref<40x128xf32, #tpu.memory_space<vmem_shared>>
      %dma_start3A_379 = arith.constant 0 : i32
      %dma_start3A_380 = tpu.memref_slice %arg12[%add3A_144, %dma_start3A_379] : memref<10240x128xf32, #tpu.memory_space<vmem_shared>> -> memref<40x128xf32, #tpu.memory_space<vmem_shared>>
      tpu.enqueue_dma source(%arg11 : memref<40x128xf32, #tpu.memory_space<vmem>>) target(%dma_start3A_380 : memref<40x128xf32, #tpu.memory_space<vmem_shared>>) target_semaphore(%run_scoped3A_376 : memref<!tpu.dma_semaphore, #tpu.memory_space<semaphore_mem>>)
      %dma_wait3A = arith.constant 0 : i32
      %dma_wait3A_381 = tpu.memref_slice %arg12[%add3A_144, %dma_wait3A] : memref<10240x128xf32, #tpu.memory_space<vmem_shared>> -> memref<40x128xf32, #tpu.memory_space<vmem_shared>>
      %dma_wait3A_382 = arith.constant 0 : i32
      %dma_wait3A_383 = tpu.memref_slice %arg12[%add3A_144, %dma_wait3A_382] : memref<10240x128xf32, #tpu.memory_space<vmem_shared>> -> memref<40x128xf32, #tpu.memory_space<vmem_shared>>
      tpu.wait_dma2 semaphore(%run_scoped3A_376 : memref<!tpu.dma_semaphore, #tpu.memory_space<semaphore_mem>>) src(%arg11 : memref<40x128xf32, #tpu.memory_space<vmem>>) dst(%dma_wait3A_383 : memref<40x128xf32, #tpu.memory_space<vmem_shared>>)
      tpu.yield
    }) : () -> ()
    %mul3A_145 = arith.constant 640 : i32
    %mul3A_146 = arith.muli %arg1, %mul3A_145 : i32
    %add3A_147 = arith.constant 480 : i32
    %add3A_148 = arith.addi %mul3A_146, %add3A_147 : i32
    "tpu.region"() ({
      %run_scoped3A_376 = tpu.sem_alloc : memref<!tpu.dma_semaphore, #tpu.memory_space<semaphore_mem>>
      %dma_start3A_377 = arith.constant 0 : i32
      %dma_start3A_378 = tpu.memref_slice %arg12[%add3A_148, %dma_start3A_377] : memref<10240x128xf32, #tpu.memory_space<vmem_shared>> -> memref<40x128xf32, #tpu.memory_space<vmem_shared>>
      %dma_start3A_379 = arith.constant 0 : i32
      %dma_start3A_380 = tpu.memref_slice %arg12[%add3A_148, %dma_start3A_379] : memref<10240x128xf32, #tpu.memory_space<vmem_shared>> -> memref<40x128xf32, #tpu.memory_space<vmem_shared>>
      tpu.enqueue_dma source(%arg11 : memref<40x128xf32, #tpu.memory_space<vmem>>) target(%dma_start3A_380 : memref<40x128xf32, #tpu.memory_space<vmem_shared>>) target_semaphore(%run_scoped3A_376 : memref<!tpu.dma_semaphore, #tpu.memory_space<semaphore_mem>>)
      %dma_wait3A = arith.constant 0 : i32
      %dma_wait3A_381 = tpu.memref_slice %arg12[%add3A_148, %dma_wait3A] : memref<10240x128xf32, #tpu.memory_space<vmem_shared>> -> memref<40x128xf32, #tpu.memory_space<vmem_shared>>
      %dma_wait3A_382 = arith.constant 0 : i32
      %dma_wait3A_383 = tpu.memref_slice %arg12[%add3A_148, %dma_wait3A_382] : memref<10240x128xf32, #tpu.memory_space<vmem_shared>> -> memref<40x128xf32, #tpu.memory_space<vmem_shared>>
      tpu.wait_dma2 semaphore(%run_scoped3A_376 : memref<!tpu.dma_semaphore, #tpu.memory_space<semaphore_mem>>) src(%arg11 : memref<40x128xf32, #tpu.memory_space<vmem>>) dst(%dma_wait3A_383 : memref<40x128xf32, #tpu.memory_space<vmem_shared>>)
      tpu.yield
    }) : () -> ()
    %mul3A_149 = arith.constant 640 : i32
    %mul3A_150 = arith.muli %arg1, %mul3A_149 : i32
    %add3A_151 = arith.constant 520 : i32
    %add3A_152 = arith.addi %mul3A_150, %add3A_151 : i32
    "tpu.region"() ({
      %run_scoped3A_376 = tpu.sem_alloc : memref<!tpu.dma_semaphore, #tpu.memory_space<semaphore_mem>>
      %dma_start3A_377 = arith.constant 0 : i32
      %dma_start3A_378 = tpu.memref_slice %arg12[%add3A_152, %dma_start3A_377] : memref<10240x128xf32, #tpu.memory_space<vmem_shared>> -> memref<40x128xf32, #tpu.memory_space<vmem_shared>>
      %dma_start3A_379 = arith.constant 0 : i32
      %dma_start3A_380 = tpu.memref_slice %arg12[%add3A_152, %dma_start3A_379] : memref<10240x128xf32, #tpu.memory_space<vmem_shared>> -> memref<40x128xf32, #tpu.memory_space<vmem_shared>>
      tpu.enqueue_dma source(%arg11 : memref<40x128xf32, #tpu.memory_space<vmem>>) target(%dma_start3A_380 : memref<40x128xf32, #tpu.memory_space<vmem_shared>>) target_semaphore(%run_scoped3A_376 : memref<!tpu.dma_semaphore, #tpu.memory_space<semaphore_mem>>)
      %dma_wait3A = arith.constant 0 : i32
      %dma_wait3A_381 = tpu.memref_slice %arg12[%add3A_152, %dma_wait3A] : memref<10240x128xf32, #tpu.memory_space<vmem_shared>> -> memref<40x128xf32, #tpu.memory_space<vmem_shared>>
      %dma_wait3A_382 = arith.constant 0 : i32
      %dma_wait3A_383 = tpu.memref_slice %arg12[%add3A_152, %dma_wait3A_382] : memref<10240x128xf32, #tpu.memory_space<vmem_shared>> -> memref<40x128xf32, #tpu.memory_space<vmem_shared>>
      tpu.wait_dma2 semaphore(%run_scoped3A_376 : memref<!tpu.dma_semaphore, #tpu.memory_space<semaphore_mem>>) src(%arg11 : memref<40x128xf32, #tpu.memory_space<vmem>>) dst(%dma_wait3A_383 : memref<40x128xf32, #tpu.memory_space<vmem_shared>>)
      tpu.yield
    }) : () -> ()
    %mul3A_153 = arith.constant 640 : i32
    %mul3A_154 = arith.muli %arg1, %mul3A_153 : i32
    %add3A_155 = arith.constant 560 : i32
    %add3A_156 = arith.addi %mul3A_154, %add3A_155 : i32
    "tpu.region"() ({
      %run_scoped3A_376 = tpu.sem_alloc : memref<!tpu.dma_semaphore, #tpu.memory_space<semaphore_mem>>
      %dma_start3A_377 = arith.constant 0 : i32
      %dma_start3A_378 = tpu.memref_slice %arg12[%add3A_156, %dma_start3A_377] : memref<10240x128xf32, #tpu.memory_space<vmem_shared>> -> memref<40x128xf32, #tpu.memory_space<vmem_shared>>
      %dma_start3A_379 = arith.constant 0 : i32
      %dma_start3A_380 = tpu.memref_slice %arg12[%add3A_156, %dma_start3A_379] : memref<10240x128xf32, #tpu.memory_space<vmem_shared>> -> memref<40x128xf32, #tpu.memory_space<vmem_shared>>
      tpu.enqueue_dma source(%arg11 : memref<40x128xf32, #tpu.memory_space<vmem>>) target(%dma_start3A_380 : memref<40x128xf32, #tpu.memory_space<vmem_shared>>) target_semaphore(%run_scoped3A_376 : memref<!tpu.dma_semaphore, #tpu.memory_space<semaphore_mem>>)
      %dma_wait3A = arith.constant 0 : i32
      %dma_wait3A_381 = tpu.memref_slice %arg12[%add3A_156, %dma_wait3A] : memref<10240x128xf32, #tpu.memory_space<vmem_shared>> -> memref<40x128xf32, #tpu.memory_space<vmem_shared>>
      %dma_wait3A_382 = arith.constant 0 : i32
      %dma_wait3A_383 = tpu.memref_slice %arg12[%add3A_156, %dma_wait3A_382] : memref<10240x128xf32, #tpu.memory_space<vmem_shared>> -> memref<40x128xf32, #tpu.memory_space<vmem_shared>>
      tpu.wait_dma2 semaphore(%run_scoped3A_376 : memref<!tpu.dma_semaphore, #tpu.memory_space<semaphore_mem>>) src(%arg11 : memref<40x128xf32, #tpu.memory_space<vmem>>) dst(%dma_wait3A_383 : memref<40x128xf32, #tpu.memory_space<vmem_shared>>)
      tpu.yield
    }) : () -> ()
    %mul3A_157 = arith.constant 640 : i32
    %mul3A_158 = arith.muli %arg1, %mul3A_157 : i32
    %add3A_159 = arith.constant 600 : i32
    %add3A_160 = arith.addi %mul3A_158, %add3A_159 : i32
    "tpu.region"() ({
      %run_scoped3A_376 = tpu.sem_alloc : memref<!tpu.dma_semaphore, #tpu.memory_space<semaphore_mem>>
      %dma_start3A_377 = arith.constant 0 : i32
      %dma_start3A_378 = tpu.memref_slice %arg12[%add3A_160, %dma_start3A_377] : memref<10240x128xf32, #tpu.memory_space<vmem_shared>> -> memref<40x128xf32, #tpu.memory_space<vmem_shared>>
      %dma_start3A_379 = arith.constant 0 : i32
      %dma_start3A_380 = tpu.memref_slice %arg12[%add3A_160, %dma_start3A_379] : memref<10240x128xf32, #tpu.memory_space<vmem_shared>> -> memref<40x128xf32, #tpu.memory_space<vmem_shared>>
      tpu.enqueue_dma source(%arg11 : memref<40x128xf32, #tpu.memory_space<vmem>>) target(%dma_start3A_380 : memref<40x128xf32, #tpu.memory_space<vmem_shared>>) target_semaphore(%run_scoped3A_376 : memref<!tpu.dma_semaphore, #tpu.memory_space<semaphore_mem>>)
      %dma_wait3A = arith.constant 0 : i32
      %dma_wait3A_381 = tpu.memref_slice %arg12[%add3A_160, %dma_wait3A] : memref<10240x128xf32, #tpu.memory_space<vmem_shared>> -> memref<40x128xf32, #tpu.memory_space<vmem_shared>>
      %dma_wait3A_382 = arith.constant 0 : i32
      %dma_wait3A_383 = tpu.memref_slice %arg12[%add3A_160, %dma_wait3A_382] : memref<10240x128xf32, #tpu.memory_space<vmem_shared>> -> memref<40x128xf32, #tpu.memory_space<vmem_shared>>
      tpu.wait_dma2 semaphore(%run_scoped3A_376 : memref<!tpu.dma_semaphore, #tpu.memory_space<semaphore_mem>>) src(%arg11 : memref<40x128xf32, #tpu.memory_space<vmem>>) dst(%dma_wait3A_383 : memref<40x128xf32, #tpu.memory_space<vmem_shared>>)
      tpu.yield
    }) : () -> ()
    %barrier3A_161 = arith.constant 0 : index
    tpu.barrier barrier_id(%barrier3A_161)
    %mul3A_162 = arith.constant 125 : i32
    %mul3A_163 = arith.muli %add3A, %mul3A_162 : i32
    %mul3A_164 = arith.constant 80 : i32
    %mul3A_165 = arith.muli %mul3A_163, %mul3A_164 : i32
    %add3A_166 = arith.constant 0 : i32
    %add3A_167 = arith.addi %mul3A_165, %add3A_166 : i32
    %dma_start3A_168 = arith.constant 0 : i32
    %dma_start3A_169 = tpu.memref_slice %arg3[%add3A_167, %dma_start3A_168] : memref<320000x128xf32, #tpu.memory_space<hbm>> -> memref<80x128xf32, #tpu.memory_space<hbm>>
    %dma_start3A_170 = arith.constant 0 : i32
    %dma_start3A_171 = tpu.memref_slice %arg3[%add3A_167, %dma_start3A_170] : memref<320000x128xf32, #tpu.memory_space<hbm>> -> memref<80x128xf32, #tpu.memory_space<hbm>>
    tpu.enqueue_dma source(%dma_start3A_171 : memref<80x128xf32, #tpu.memory_space<hbm>>) target(%arg9 : memref<80x128xf32, #tpu.memory_space<vmem>>) target_semaphore(%arg13 : memref<!tpu.dma_semaphore, #tpu.memory_space<semaphore_mem>>)
    %add3A_172 = arith.constant 80 : i32
    %add3A_173 = arith.addi %mul3A_165, %add3A_172 : i32
    %dma_start3A_174 = arith.constant 0 : i32
    %dma_start3A_175 = tpu.memref_slice %arg3[%add3A_173, %dma_start3A_174] : memref<320000x128xf32, #tpu.memory_space<hbm>> -> memref<80x128xf32, #tpu.memory_space<hbm>>
    %dma_start3A_176 = arith.constant 0 : i32
    %dma_start3A_177 = tpu.memref_slice %arg3[%add3A_173, %dma_start3A_176] : memref<320000x128xf32, #tpu.memory_space<hbm>> -> memref<80x128xf32, #tpu.memory_space<hbm>>
    tpu.enqueue_dma source(%dma_start3A_177 : memref<80x128xf32, #tpu.memory_space<hbm>>) target(%arg10 : memref<80x128xf32, #tpu.memory_space<vmem>>) target_semaphore(%arg14 : memref<!tpu.dma_semaphore, #tpu.memory_space<semaphore_mem>>)
    %scan3A_178 = arith.constant 0 : i32
    %scan3A_179 = arith.constant 63 : i32
    %scan3A_180 = arith.addi %scan3A_178, %scan3A_179 : i32
    %scan3A_181 = arith.constant 1 : i32
    scf.for %scan3A_376 = %scan3A_178 to %scan3A_180 step %scan3A_181  : i32 {
      %mul3A_377 = arith.constant 1 : i32
      %mul3A_378 = arith.muli %scan3A_376, %mul3A_377 : i32
      %add3A_379 = arith.constant 0 : i32
      %add3A_380 = arith.addi %add3A_379, %mul3A_378 : i32
      %mul3A_381 = arith.constant 2 : i32
      %mul3A_382 = arith.muli %add3A_380, %mul3A_381 : i32
      %add3A_383 = arith.constant 0 : i32
      %add3A_384 = arith.addi %mul3A_382, %add3A_383 : i32
      %lt3A = arith.constant 125 : i32
      %lt3A_385 = arith.cmpi slt, %add3A_384, %lt3A : i32
      %convert_element_type3A = arith.extui %lt3A_385 : i1 to i32
      %cond3A = arith.constant 0 : i32
      %cond3A_386 = arith.cmpi ne, %convert_element_type3A, %cond3A : i32
      scf.if %cond3A_386 {
        %mul3A_396 = arith.constant 80 : i32
        %mul3A_397 = arith.muli %add3A_384, %mul3A_396 : i32
        %add3A_398 = arith.addi %mul3A_165, %mul3A_397 : i32
        %dma_wait3A = arith.constant 0 : i32
        %dma_wait3A_399 = tpu.memref_slice %arg3[%add3A_398, %dma_wait3A] : memref<320000x128xf32, #tpu.memory_space<hbm>> -> memref<80x128xf32, #tpu.memory_space<hbm>>
        %dma_wait3A_400 = arith.constant 0 : i32
        %dma_wait3A_401 = tpu.memref_slice %arg3[%add3A_398, %dma_wait3A_400] : memref<320000x128xf32, #tpu.memory_space<hbm>> -> memref<80x128xf32, #tpu.memory_space<hbm>>
        tpu.wait_dma2 semaphore(%arg13 : memref<!tpu.dma_semaphore, #tpu.memory_space<semaphore_mem>>) src(%dma_wait3A_401 : memref<80x128xf32, #tpu.memory_space<hbm>>) dst(%arg9 : memref<80x128xf32, #tpu.memory_space<vmem>>)
        "tpu.region"() ({
          %run_scoped3A_409 = tpu.sem_alloc : memref<!tpu.dma_semaphore, #tpu.memory_space<semaphore_mem>>
          %dma_start3A_410 = arith.constant 0 : i32
          %dma_start3A_411 = tpu.memref_slice %arg8[%add3A_384, %dma_start3A_410] : memref<125x80xi32, #tpu.memory_space<vmem>> -> memref<1x80xi32, #tpu.memory_space<vmem>>
          %dma_start3A_412 = tpu.memref_squeeze %dma_start3A_411 : memref<1x80xi32, #tpu.memory_space<vmem>> -> memref<80xi32, #tpu.memory_space<vmem>>
          %dma_start3A_413 = arith.constant 0 : i32
          %dma_start3A_414 = arith.constant 0 : i32
          %dma_start3A_415 = tpu.memref_slice %arg12[%dma_start3A_413, %dma_start3A_414] : memref<10240x128xf32, #tpu.memory_space<vmem_shared>> -> memref<10240x128xf32, #tpu.memory_space<vmem_shared>>
          tpu.enqueue_indirect_dma source(%arg9 : memref<80x128xf32, #tpu.memory_space<vmem>>) target(%dma_start3A_415 : memref<10240x128xf32, #tpu.memory_space<vmem_shared>>) offsets(%dma_start3A_412 : memref<80xi32, #tpu.memory_space<vmem>>) semaphore(%run_scoped3A_409 : memref<!tpu.dma_semaphore, #tpu.memory_space<semaphore_mem>>) {add = true}
          %dma_wait3A_416 = arith.constant 0 : i32
          %dma_wait3A_417 = tpu.memref_slice %arg8[%add3A_384, %dma_wait3A_416] : memref<125x80xi32, #tpu.memory_space<vmem>> -> memref<1x80xi32, #tpu.memory_space<vmem>>
          %dma_wait3A_418 = tpu.memref_squeeze %dma_wait3A_417 : memref<1x80xi32, #tpu.memory_space<vmem>> -> memref<80xi32, #tpu.memory_space<vmem>>
          %dma_wait3A_419 = arith.constant 0 : i32
          %dma_wait3A_420 = arith.constant 0 : i32
          %dma_wait3A_421 = tpu.memref_slice %arg12[%dma_wait3A_419, %dma_wait3A_420] : memref<10240x128xf32, #tpu.memory_space<vmem_shared>> -> memref<10240x128xf32, #tpu.memory_space<vmem_shared>>
          tpu.wait_indirect_dma semaphore(%run_scoped3A_409 : memref<!tpu.dma_semaphore, #tpu.memory_space<semaphore_mem>>) src(%arg9 : memref<80x128xf32, #tpu.memory_space<vmem>>) dst(%dma_wait3A_421 : memref<10240x128xf32, #tpu.memory_space<vmem_shared>>)
          tpu.yield
        }) : () -> ()
        %add3A_402 = arith.constant 2 : i32
        %add3A_403 = arith.addi %add3A_384, %add3A_402 : i32
        %lt3A_404 = arith.constant 125 : i32
        %lt3A_405 = arith.cmpi slt, %add3A_403, %lt3A_404 : i32
        %convert_element_type3A_406 = arith.extui %lt3A_405 : i1 to i32
        %cond3A_407 = arith.constant 0 : i32
        %cond3A_408 = arith.cmpi ne, %convert_element_type3A_406, %cond3A_407 : i32
        scf.if %cond3A_408 {
          %add3A_409 = arith.constant 2 : i32
          %add3A_410 = arith.addi %add3A_384, %add3A_409 : i32
          %mul3A_411 = arith.constant 80 : i32
          %mul3A_412 = arith.muli %add3A_410, %mul3A_411 : i32
          %add3A_413 = arith.addi %mul3A_165, %mul3A_412 : i32
          %dma_start3A_414 = arith.constant 0 : i32
          %dma_start3A_415 = tpu.memref_slice %arg3[%add3A_413, %dma_start3A_414] : memref<320000x128xf32, #tpu.memory_space<hbm>> -> memref<80x128xf32, #tpu.memory_space<hbm>>
          %dma_start3A_416 = arith.constant 0 : i32
          %dma_start3A_417 = tpu.memref_slice %arg3[%add3A_413, %dma_start3A_416] : memref<320000x128xf32, #tpu.memory_space<hbm>> -> memref<80x128xf32, #tpu.memory_space<hbm>>
          tpu.enqueue_dma source(%dma_start3A_417 : memref<80x128xf32, #tpu.memory_space<hbm>>) target(%arg9 : memref<80x128xf32, #tpu.memory_space<vmem>>) target_semaphore(%arg13 : memref<!tpu.dma_semaphore, #tpu.memory_space<semaphore_mem>>)
        } else {
        }
      } else {
      }
      %mul3A_387 = arith.constant 2 : i32
      %mul3A_388 = arith.muli %add3A_380, %mul3A_387 : i32
      %add3A_389 = arith.constant 1 : i32
      %add3A_390 = arith.addi %mul3A_388, %add3A_389 : i32
      %lt3A_391 = arith.constant 125 : i32
      %lt3A_392 = arith.cmpi slt, %add3A_390, %lt3A_391 : i32
      %convert_element_type3A_393 = arith.extui %lt3A_392 : i1 to i32
      %cond3A_394 = arith.constant 0 : i32
      %cond3A_395 = arith.cmpi ne, %convert_element_type3A_393, %cond3A_394 : i32
      scf.if %cond3A_395 {
        %mul3A_396 = arith.constant 80 : i32
        %mul3A_397 = arith.muli %add3A_390, %mul3A_396 : i32
        %add3A_398 = arith.addi %mul3A_165, %mul3A_397 : i32
        %dma_wait3A = arith.constant 0 : i32
        %dma_wait3A_399 = tpu.memref_slice %arg3[%add3A_398, %dma_wait3A] : memref<320000x128xf32, #tpu.memory_space<hbm>> -> memref<80x128xf32, #tpu.memory_space<hbm>>
        %dma_wait3A_400 = arith.constant 0 : i32
        %dma_wait3A_401 = tpu.memref_slice %arg3[%add3A_398, %dma_wait3A_400] : memref<320000x128xf32, #tpu.memory_space<hbm>> -> memref<80x128xf32, #tpu.memory_space<hbm>>
        tpu.wait_dma2 semaphore(%arg14 : memref<!tpu.dma_semaphore, #tpu.memory_space<semaphore_mem>>) src(%dma_wait3A_401 : memref<80x128xf32, #tpu.memory_space<hbm>>) dst(%arg10 : memref<80x128xf32, #tpu.memory_space<vmem>>)
        "tpu.region"() ({
          %run_scoped3A_409 = tpu.sem_alloc : memref<!tpu.dma_semaphore, #tpu.memory_space<semaphore_mem>>
          %dma_start3A_410 = arith.constant 0 : i32
          %dma_start3A_411 = tpu.memref_slice %arg8[%add3A_390, %dma_start3A_410] : memref<125x80xi32, #tpu.memory_space<vmem>> -> memref<1x80xi32, #tpu.memory_space<vmem>>
          %dma_start3A_412 = tpu.memref_squeeze %dma_start3A_411 : memref<1x80xi32, #tpu.memory_space<vmem>> -> memref<80xi32, #tpu.memory_space<vmem>>
          %dma_start3A_413 = arith.constant 0 : i32
          %dma_start3A_414 = arith.constant 0 : i32
          %dma_start3A_415 = tpu.memref_slice %arg12[%dma_start3A_413, %dma_start3A_414] : memref<10240x128xf32, #tpu.memory_space<vmem_shared>> -> memref<10240x128xf32, #tpu.memory_space<vmem_shared>>
          tpu.enqueue_indirect_dma source(%arg10 : memref<80x128xf32, #tpu.memory_space<vmem>>) target(%dma_start3A_415 : memref<10240x128xf32, #tpu.memory_space<vmem_shared>>) offsets(%dma_start3A_412 : memref<80xi32, #tpu.memory_space<vmem>>) semaphore(%run_scoped3A_409 : memref<!tpu.dma_semaphore, #tpu.memory_space<semaphore_mem>>) {add = true}
          %dma_wait3A_416 = arith.constant 0 : i32
          %dma_wait3A_417 = tpu.memref_slice %arg8[%add3A_390, %dma_wait3A_416] : memref<125x80xi32, #tpu.memory_space<vmem>> -> memref<1x80xi32, #tpu.memory_space<vmem>>
          %dma_wait3A_418 = tpu.memref_squeeze %dma_wait3A_417 : memref<1x80xi32, #tpu.memory_space<vmem>> -> memref<80xi32, #tpu.memory_space<vmem>>
          %dma_wait3A_419 = arith.constant 0 : i32
          %dma_wait3A_420 = arith.constant 0 : i32
          %dma_wait3A_421 = tpu.memref_slice %arg12[%dma_wait3A_419, %dma_wait3A_420] : memref<10240x128xf32, #tpu.memory_space<vmem_shared>> -> memref<10240x128xf32, #tpu.memory_space<vmem_shared>>
          tpu.wait_indirect_dma semaphore(%run_scoped3A_409 : memref<!tpu.dma_semaphore, #tpu.memory_space<semaphore_mem>>) src(%arg10 : memref<80x128xf32, #tpu.memory_space<vmem>>) dst(%dma_wait3A_421 : memref<10240x128xf32, #tpu.memory_space<vmem_shared>>)
          tpu.yield
        }) : () -> ()
        %add3A_402 = arith.constant 2 : i32
        %add3A_403 = arith.addi %add3A_390, %add3A_402 : i32
        %lt3A_404 = arith.constant 125 : i32
        %lt3A_405 = arith.cmpi slt, %add3A_403, %lt3A_404 : i32
        %convert_element_type3A_406 = arith.extui %lt3A_405 : i1 to i32
        %cond3A_407 = arith.constant 0 : i32
        %cond3A_408 = arith.cmpi ne, %convert_element_type3A_406, %cond3A_407 : i32
        scf.if %cond3A_408 {
          %add3A_409 = arith.constant 2 : i32
          %add3A_410 = arith.addi %add3A_390, %add3A_409 : i32
          %mul3A_411 = arith.constant 80 : i32
          %mul3A_412 = arith.muli %add3A_410, %mul3A_411 : i32
          %add3A_413 = arith.addi %mul3A_165, %mul3A_412 : i32
          %dma_start3A_414 = arith.constant 0 : i32
          %dma_start3A_415 = tpu.memref_slice %arg3[%add3A_413, %dma_start3A_414] : memref<320000x128xf32, #tpu.memory_space<hbm>> -> memref<80x128xf32, #tpu.memory_space<hbm>>
          %dma_start3A_416 = arith.constant 0 : i32
          %dma_start3A_417 = tpu.memref_slice %arg3[%add3A_413, %dma_start3A_416] : memref<320000x128xf32, #tpu.memory_space<hbm>> -> memref<80x128xf32, #tpu.memory_space<hbm>>
          tpu.enqueue_dma source(%dma_start3A_417 : memref<80x128xf32, #tpu.memory_space<hbm>>) target(%arg10 : memref<80x128xf32, #tpu.memory_space<vmem>>) target_semaphore(%arg14 : memref<!tpu.dma_semaphore, #tpu.memory_space<semaphore_mem>>)
        } else {
        }
      } else {
      }
    }
    %scan3A_182 = arith.constant 63 : i32
    %barrier3A_183 = arith.constant 0 : index
    tpu.barrier barrier_id(%barrier3A_183)
    %mul3A_184 = arith.constant 640 : i32
    %mul3A_185 = arith.muli %arg1, %mul3A_184 : i32
    %mul3A_186 = arith.constant 640 : i32
    %mul3A_187 = arith.muli %arg1, %mul3A_186 : i32
    %run_scoped3A_188 = arith.constant 1 : i32
    "tpu.region"() ({
      %run_scoped3A_376 = tpu.sem_alloc : memref<!tpu.dma_semaphore, #tpu.memory_space<semaphore_mem>>
      %dma_start3A_377 = arith.constant 0 : i32
      %dma_start3A_378 = tpu.memref_slice %arg7[%arg0, %run_scoped3A_188, %mul3A_187, %dma_start3A_377] : memref<2x4x10240x128xf32, #tpu.memory_space<hbm>> -> memref<1x1x640x128xf32, #tpu.memory_space<hbm>>
      %dma_start3A_379 = tpu.memref_squeeze %dma_start3A_378 : memref<1x1x640x128xf32, #tpu.memory_space<hbm>> -> memref<640x128xf32, #tpu.memory_space<hbm>>
      %dma_start3A_380 = arith.constant 0 : i32
      %dma_start3A_381 = tpu.memref_slice %arg12[%mul3A_185, %dma_start3A_380] : memref<10240x128xf32, #tpu.memory_space<vmem_shared>> -> memref<640x128xf32, #tpu.memory_space<vmem_shared>>
      tpu.enqueue_dma source(%dma_start3A_381 : memref<640x128xf32, #tpu.memory_space<vmem_shared>>) target(%dma_start3A_379 : memref<640x128xf32, #tpu.memory_space<hbm>>) target_semaphore(%run_scoped3A_376 : memref<!tpu.dma_semaphore, #tpu.memory_space<semaphore_mem>>)
      %dma_wait3A = arith.constant 0 : i32
      %dma_wait3A_382 = tpu.memref_slice %arg7[%arg0, %run_scoped3A_188, %mul3A_187, %dma_wait3A] : memref<2x4x10240x128xf32, #tpu.memory_space<hbm>> -> memref<1x1x640x128xf32, #tpu.memory_space<hbm>>
      %dma_wait3A_383 = tpu.memref_squeeze %dma_wait3A_382 : memref<1x1x640x128xf32, #tpu.memory_space<hbm>> -> memref<640x128xf32, #tpu.memory_space<hbm>>
      %dma_wait3A_384 = arith.constant 0 : i32
      %dma_wait3A_385 = tpu.memref_slice %arg12[%mul3A_185, %dma_wait3A_384] : memref<10240x128xf32, #tpu.memory_space<vmem_shared>> -> memref<640x128xf32, #tpu.memory_space<vmem_shared>>
      tpu.wait_dma2 semaphore(%run_scoped3A_376 : memref<!tpu.dma_semaphore, #tpu.memory_space<semaphore_mem>>) src(%dma_wait3A_385 : memref<640x128xf32, #tpu.memory_space<vmem_shared>>) dst(%dma_wait3A_383 : memref<640x128xf32, #tpu.memory_space<hbm>>)
      tpu.yield
    }) : () -> ()
    %barrier3A_189 = arith.constant 0 : index
    tpu.barrier barrier_id(%barrier3A_189)
    %mul3A_190 = arith.constant 640 : i32
    %mul3A_191 = arith.muli %arg1, %mul3A_190 : i32
    %add3A_192 = arith.constant 0 : i32
    %add3A_193 = arith.addi %mul3A_191, %add3A_192 : i32
    "tpu.region"() ({
      %run_scoped3A_376 = tpu.sem_alloc : memref<!tpu.dma_semaphore, #tpu.memory_space<semaphore_mem>>
      %dma_start3A_377 = arith.constant 0 : i32
      %dma_start3A_378 = tpu.memref_slice %arg12[%add3A_193, %dma_start3A_377] : memref<10240x128xf32, #tpu.memory_space<vmem_shared>> -> memref<40x128xf32, #tpu.memory_space<vmem_shared>>
      %dma_start3A_379 = arith.constant 0 : i32
      %dma_start3A_380 = tpu.memref_slice %arg12[%add3A_193, %dma_start3A_379] : memref<10240x128xf32, #tpu.memory_space<vmem_shared>> -> memref<40x128xf32, #tpu.memory_space<vmem_shared>>
      tpu.enqueue_dma source(%arg11 : memref<40x128xf32, #tpu.memory_space<vmem>>) target(%dma_start3A_380 : memref<40x128xf32, #tpu.memory_space<vmem_shared>>) target_semaphore(%run_scoped3A_376 : memref<!tpu.dma_semaphore, #tpu.memory_space<semaphore_mem>>)
      %dma_wait3A = arith.constant 0 : i32
      %dma_wait3A_381 = tpu.memref_slice %arg12[%add3A_193, %dma_wait3A] : memref<10240x128xf32, #tpu.memory_space<vmem_shared>> -> memref<40x128xf32, #tpu.memory_space<vmem_shared>>
      %dma_wait3A_382 = arith.constant 0 : i32
      %dma_wait3A_383 = tpu.memref_slice %arg12[%add3A_193, %dma_wait3A_382] : memref<10240x128xf32, #tpu.memory_space<vmem_shared>> -> memref<40x128xf32, #tpu.memory_space<vmem_shared>>
      tpu.wait_dma2 semaphore(%run_scoped3A_376 : memref<!tpu.dma_semaphore, #tpu.memory_space<semaphore_mem>>) src(%arg11 : memref<40x128xf32, #tpu.memory_space<vmem>>) dst(%dma_wait3A_383 : memref<40x128xf32, #tpu.memory_space<vmem_shared>>)
      tpu.yield
    }) : () -> ()
    %mul3A_194 = arith.constant 640 : i32
    %mul3A_195 = arith.muli %arg1, %mul3A_194 : i32
    %add3A_196 = arith.constant 40 : i32
    %add3A_197 = arith.addi %mul3A_195, %add3A_196 : i32
    "tpu.region"() ({
      %run_scoped3A_376 = tpu.sem_alloc : memref<!tpu.dma_semaphore, #tpu.memory_space<semaphore_mem>>
      %dma_start3A_377 = arith.constant 0 : i32
      %dma_start3A_378 = tpu.memref_slice %arg12[%add3A_197, %dma_start3A_377] : memref<10240x128xf32, #tpu.memory_space<vmem_shared>> -> memref<40x128xf32, #tpu.memory_space<vmem_shared>>
      %dma_start3A_379 = arith.constant 0 : i32
      %dma_start3A_380 = tpu.memref_slice %arg12[%add3A_197, %dma_start3A_379] : memref<10240x128xf32, #tpu.memory_space<vmem_shared>> -> memref<40x128xf32, #tpu.memory_space<vmem_shared>>
      tpu.enqueue_dma source(%arg11 : memref<40x128xf32, #tpu.memory_space<vmem>>) target(%dma_start3A_380 : memref<40x128xf32, #tpu.memory_space<vmem_shared>>) target_semaphore(%run_scoped3A_376 : memref<!tpu.dma_semaphore, #tpu.memory_space<semaphore_mem>>)
      %dma_wait3A = arith.constant 0 : i32
      %dma_wait3A_381 = tpu.memref_slice %arg12[%add3A_197, %dma_wait3A] : memref<10240x128xf32, #tpu.memory_space<vmem_shared>> -> memref<40x128xf32, #tpu.memory_space<vmem_shared>>
      %dma_wait3A_382 = arith.constant 0 : i32
      %dma_wait3A_383 = tpu.memref_slice %arg12[%add3A_197, %dma_wait3A_382] : memref<10240x128xf32, #tpu.memory_space<vmem_shared>> -> memref<40x128xf32, #tpu.memory_space<vmem_shared>>
      tpu.wait_dma2 semaphore(%run_scoped3A_376 : memref<!tpu.dma_semaphore, #tpu.memory_space<semaphore_mem>>) src(%arg11 : memref<40x128xf32, #tpu.memory_space<vmem>>) dst(%dma_wait3A_383 : memref<40x128xf32, #tpu.memory_space<vmem_shared>>)
      tpu.yield
    }) : () -> ()
    %mul3A_198 = arith.constant 640 : i32
    %mul3A_199 = arith.muli %arg1, %mul3A_198 : i32
    %add3A_200 = arith.constant 80 : i32
    %add3A_201 = arith.addi %mul3A_199, %add3A_200 : i32
    "tpu.region"() ({
      %run_scoped3A_376 = tpu.sem_alloc : memref<!tpu.dma_semaphore, #tpu.memory_space<semaphore_mem>>
      %dma_start3A_377 = arith.constant 0 : i32
      %dma_start3A_378 = tpu.memref_slice %arg12[%add3A_201, %dma_start3A_377] : memref<10240x128xf32, #tpu.memory_space<vmem_shared>> -> memref<40x128xf32, #tpu.memory_space<vmem_shared>>
      %dma_start3A_379 = arith.constant 0 : i32
      %dma_start3A_380 = tpu.memref_slice %arg12[%add3A_201, %dma_start3A_379] : memref<10240x128xf32, #tpu.memory_space<vmem_shared>> -> memref<40x128xf32, #tpu.memory_space<vmem_shared>>
      tpu.enqueue_dma source(%arg11 : memref<40x128xf32, #tpu.memory_space<vmem>>) target(%dma_start3A_380 : memref<40x128xf32, #tpu.memory_space<vmem_shared>>) target_semaphore(%run_scoped3A_376 : memref<!tpu.dma_semaphore, #tpu.memory_space<semaphore_mem>>)
      %dma_wait3A = arith.constant 0 : i32
      %dma_wait3A_381 = tpu.memref_slice %arg12[%add3A_201, %dma_wait3A] : memref<10240x128xf32, #tpu.memory_space<vmem_shared>> -> memref<40x128xf32, #tpu.memory_space<vmem_shared>>
      %dma_wait3A_382 = arith.constant 0 : i32
      %dma_wait3A_383 = tpu.memref_slice %arg12[%add3A_201, %dma_wait3A_382] : memref<10240x128xf32, #tpu.memory_space<vmem_shared>> -> memref<40x128xf32, #tpu.memory_space<vmem_shared>>
      tpu.wait_dma2 semaphore(%run_scoped3A_376 : memref<!tpu.dma_semaphore, #tpu.memory_space<semaphore_mem>>) src(%arg11 : memref<40x128xf32, #tpu.memory_space<vmem>>) dst(%dma_wait3A_383 : memref<40x128xf32, #tpu.memory_space<vmem_shared>>)
      tpu.yield
    }) : () -> ()
    %mul3A_202 = arith.constant 640 : i32
    %mul3A_203 = arith.muli %arg1, %mul3A_202 : i32
    %add3A_204 = arith.constant 120 : i32
    %add3A_205 = arith.addi %mul3A_203, %add3A_204 : i32
    "tpu.region"() ({
      %run_scoped3A_376 = tpu.sem_alloc : memref<!tpu.dma_semaphore, #tpu.memory_space<semaphore_mem>>
      %dma_start3A_377 = arith.constant 0 : i32
      %dma_start3A_378 = tpu.memref_slice %arg12[%add3A_205, %dma_start3A_377] : memref<10240x128xf32, #tpu.memory_space<vmem_shared>> -> memref<40x128xf32, #tpu.memory_space<vmem_shared>>
      %dma_start3A_379 = arith.constant 0 : i32
      %dma_start3A_380 = tpu.memref_slice %arg12[%add3A_205, %dma_start3A_379] : memref<10240x128xf32, #tpu.memory_space<vmem_shared>> -> memref<40x128xf32, #tpu.memory_space<vmem_shared>>
      tpu.enqueue_dma source(%arg11 : memref<40x128xf32, #tpu.memory_space<vmem>>) target(%dma_start3A_380 : memref<40x128xf32, #tpu.memory_space<vmem_shared>>) target_semaphore(%run_scoped3A_376 : memref<!tpu.dma_semaphore, #tpu.memory_space<semaphore_mem>>)
      %dma_wait3A = arith.constant 0 : i32
      %dma_wait3A_381 = tpu.memref_slice %arg12[%add3A_205, %dma_wait3A] : memref<10240x128xf32, #tpu.memory_space<vmem_shared>> -> memref<40x128xf32, #tpu.memory_space<vmem_shared>>
      %dma_wait3A_382 = arith.constant 0 : i32
      %dma_wait3A_383 = tpu.memref_slice %arg12[%add3A_205, %dma_wait3A_382] : memref<10240x128xf32, #tpu.memory_space<vmem_shared>> -> memref<40x128xf32, #tpu.memory_space<vmem_shared>>
      tpu.wait_dma2 semaphore(%run_scoped3A_376 : memref<!tpu.dma_semaphore, #tpu.memory_space<semaphore_mem>>) src(%arg11 : memref<40x128xf32, #tpu.memory_space<vmem>>) dst(%dma_wait3A_383 : memref<40x128xf32, #tpu.memory_space<vmem_shared>>)
      tpu.yield
    }) : () -> ()
    %mul3A_206 = arith.constant 640 : i32
    %mul3A_207 = arith.muli %arg1, %mul3A_206 : i32
    %add3A_208 = arith.constant 160 : i32
    %add3A_209 = arith.addi %mul3A_207, %add3A_208 : i32
    "tpu.region"() ({
      %run_scoped3A_376 = tpu.sem_alloc : memref<!tpu.dma_semaphore, #tpu.memory_space<semaphore_mem>>
      %dma_start3A_377 = arith.constant 0 : i32
      %dma_start3A_378 = tpu.memref_slice %arg12[%add3A_209, %dma_start3A_377] : memref<10240x128xf32, #tpu.memory_space<vmem_shared>> -> memref<40x128xf32, #tpu.memory_space<vmem_shared>>
      %dma_start3A_379 = arith.constant 0 : i32
      %dma_start3A_380 = tpu.memref_slice %arg12[%add3A_209, %dma_start3A_379] : memref<10240x128xf32, #tpu.memory_space<vmem_shared>> -> memref<40x128xf32, #tpu.memory_space<vmem_shared>>
      tpu.enqueue_dma source(%arg11 : memref<40x128xf32, #tpu.memory_space<vmem>>) target(%dma_start3A_380 : memref<40x128xf32, #tpu.memory_space<vmem_shared>>) target_semaphore(%run_scoped3A_376 : memref<!tpu.dma_semaphore, #tpu.memory_space<semaphore_mem>>)
      %dma_wait3A = arith.constant 0 : i32
      %dma_wait3A_381 = tpu.memref_slice %arg12[%add3A_209, %dma_wait3A] : memref<10240x128xf32, #tpu.memory_space<vmem_shared>> -> memref<40x128xf32, #tpu.memory_space<vmem_shared>>
      %dma_wait3A_382 = arith.constant 0 : i32
      %dma_wait3A_383 = tpu.memref_slice %arg12[%add3A_209, %dma_wait3A_382] : memref<10240x128xf32, #tpu.memory_space<vmem_shared>> -> memref<40x128xf32, #tpu.memory_space<vmem_shared>>
      tpu.wait_dma2 semaphore(%run_scoped3A_376 : memref<!tpu.dma_semaphore, #tpu.memory_space<semaphore_mem>>) src(%arg11 : memref<40x128xf32, #tpu.memory_space<vmem>>) dst(%dma_wait3A_383 : memref<40x128xf32, #tpu.memory_space<vmem_shared>>)
      tpu.yield
    }) : () -> ()
    %mul3A_210 = arith.constant 640 : i32
    %mul3A_211 = arith.muli %arg1, %mul3A_210 : i32
    %add3A_212 = arith.constant 200 : i32
    %add3A_213 = arith.addi %mul3A_211, %add3A_212 : i32
    "tpu.region"() ({
      %run_scoped3A_376 = tpu.sem_alloc : memref<!tpu.dma_semaphore, #tpu.memory_space<semaphore_mem>>
      %dma_start3A_377 = arith.constant 0 : i32
      %dma_start3A_378 = tpu.memref_slice %arg12[%add3A_213, %dma_start3A_377] : memref<10240x128xf32, #tpu.memory_space<vmem_shared>> -> memref<40x128xf32, #tpu.memory_space<vmem_shared>>
      %dma_start3A_379 = arith.constant 0 : i32
      %dma_start3A_380 = tpu.memref_slice %arg12[%add3A_213, %dma_start3A_379] : memref<10240x128xf32, #tpu.memory_space<vmem_shared>> -> memref<40x128xf32, #tpu.memory_space<vmem_shared>>
      tpu.enqueue_dma source(%arg11 : memref<40x128xf32, #tpu.memory_space<vmem>>) target(%dma_start3A_380 : memref<40x128xf32, #tpu.memory_space<vmem_shared>>) target_semaphore(%run_scoped3A_376 : memref<!tpu.dma_semaphore, #tpu.memory_space<semaphore_mem>>)
      %dma_wait3A = arith.constant 0 : i32
      %dma_wait3A_381 = tpu.memref_slice %arg12[%add3A_213, %dma_wait3A] : memref<10240x128xf32, #tpu.memory_space<vmem_shared>> -> memref<40x128xf32, #tpu.memory_space<vmem_shared>>
      %dma_wait3A_382 = arith.constant 0 : i32
      %dma_wait3A_383 = tpu.memref_slice %arg12[%add3A_213, %dma_wait3A_382] : memref<10240x128xf32, #tpu.memory_space<vmem_shared>> -> memref<40x128xf32, #tpu.memory_space<vmem_shared>>
      tpu.wait_dma2 semaphore(%run_scoped3A_376 : memref<!tpu.dma_semaphore, #tpu.memory_space<semaphore_mem>>) src(%arg11 : memref<40x128xf32, #tpu.memory_space<vmem>>) dst(%dma_wait3A_383 : memref<40x128xf32, #tpu.memory_space<vmem_shared>>)
      tpu.yield
    }) : () -> ()
    %mul3A_214 = arith.constant 640 : i32
    %mul3A_215 = arith.muli %arg1, %mul3A_214 : i32
    %add3A_216 = arith.constant 240 : i32
    %add3A_217 = arith.addi %mul3A_215, %add3A_216 : i32
    "tpu.region"() ({
      %run_scoped3A_376 = tpu.sem_alloc : memref<!tpu.dma_semaphore, #tpu.memory_space<semaphore_mem>>
      %dma_start3A_377 = arith.constant 0 : i32
      %dma_start3A_378 = tpu.memref_slice %arg12[%add3A_217, %dma_start3A_377] : memref<10240x128xf32, #tpu.memory_space<vmem_shared>> -> memref<40x128xf32, #tpu.memory_space<vmem_shared>>
      %dma_start3A_379 = arith.constant 0 : i32
      %dma_start3A_380 = tpu.memref_slice %arg12[%add3A_217, %dma_start3A_379] : memref<10240x128xf32, #tpu.memory_space<vmem_shared>> -> memref<40x128xf32, #tpu.memory_space<vmem_shared>>
      tpu.enqueue_dma source(%arg11 : memref<40x128xf32, #tpu.memory_space<vmem>>) target(%dma_start3A_380 : memref<40x128xf32, #tpu.memory_space<vmem_shared>>) target_semaphore(%run_scoped3A_376 : memref<!tpu.dma_semaphore, #tpu.memory_space<semaphore_mem>>)
      %dma_wait3A = arith.constant 0 : i32
      %dma_wait3A_381 = tpu.memref_slice %arg12[%add3A_217, %dma_wait3A] : memref<10240x128xf32, #tpu.memory_space<vmem_shared>> -> memref<40x128xf32, #tpu.memory_space<vmem_shared>>
      %dma_wait3A_382 = arith.constant 0 : i32
      %dma_wait3A_383 = tpu.memref_slice %arg12[%add3A_217, %dma_wait3A_382] : memref<10240x128xf32, #tpu.memory_space<vmem_shared>> -> memref<40x128xf32, #tpu.memory_space<vmem_shared>>
      tpu.wait_dma2 semaphore(%run_scoped3A_376 : memref<!tpu.dma_semaphore, #tpu.memory_space<semaphore_mem>>) src(%arg11 : memref<40x128xf32, #tpu.memory_space<vmem>>) dst(%dma_wait3A_383 : memref<40x128xf32, #tpu.memory_space<vmem_shared>>)
      tpu.yield
    }) : () -> ()
    %mul3A_218 = arith.constant 640 : i32
    %mul3A_219 = arith.muli %arg1, %mul3A_218 : i32
    %add3A_220 = arith.constant 280 : i32
    %add3A_221 = arith.addi %mul3A_219, %add3A_220 : i32
    "tpu.region"() ({
      %run_scoped3A_376 = tpu.sem_alloc : memref<!tpu.dma_semaphore, #tpu.memory_space<semaphore_mem>>
      %dma_start3A_377 = arith.constant 0 : i32
      %dma_start3A_378 = tpu.memref_slice %arg12[%add3A_221, %dma_start3A_377] : memref<10240x128xf32, #tpu.memory_space<vmem_shared>> -> memref<40x128xf32, #tpu.memory_space<vmem_shared>>
      %dma_start3A_379 = arith.constant 0 : i32
      %dma_start3A_380 = tpu.memref_slice %arg12[%add3A_221, %dma_start3A_379] : memref<10240x128xf32, #tpu.memory_space<vmem_shared>> -> memref<40x128xf32, #tpu.memory_space<vmem_shared>>
      tpu.enqueue_dma source(%arg11 : memref<40x128xf32, #tpu.memory_space<vmem>>) target(%dma_start3A_380 : memref<40x128xf32, #tpu.memory_space<vmem_shared>>) target_semaphore(%run_scoped3A_376 : memref<!tpu.dma_semaphore, #tpu.memory_space<semaphore_mem>>)
      %dma_wait3A = arith.constant 0 : i32
      %dma_wait3A_381 = tpu.memref_slice %arg12[%add3A_221, %dma_wait3A] : memref<10240x128xf32, #tpu.memory_space<vmem_shared>> -> memref<40x128xf32, #tpu.memory_space<vmem_shared>>
      %dma_wait3A_382 = arith.constant 0 : i32
      %dma_wait3A_383 = tpu.memref_slice %arg12[%add3A_221, %dma_wait3A_382] : memref<10240x128xf32, #tpu.memory_space<vmem_shared>> -> memref<40x128xf32, #tpu.memory_space<vmem_shared>>
      tpu.wait_dma2 semaphore(%run_scoped3A_376 : memref<!tpu.dma_semaphore, #tpu.memory_space<semaphore_mem>>) src(%arg11 : memref<40x128xf32, #tpu.memory_space<vmem>>) dst(%dma_wait3A_383 : memref<40x128xf32, #tpu.memory_space<vmem_shared>>)
      tpu.yield
    }) : () -> ()
    %mul3A_222 = arith.constant 640 : i32
    %mul3A_223 = arith.muli %arg1, %mul3A_222 : i32
    %add3A_224 = arith.constant 320 : i32
    %add3A_225 = arith.addi %mul3A_223, %add3A_224 : i32
    "tpu.region"() ({
      %run_scoped3A_376 = tpu.sem_alloc : memref<!tpu.dma_semaphore, #tpu.memory_space<semaphore_mem>>
      %dma_start3A_377 = arith.constant 0 : i32
      %dma_start3A_378 = tpu.memref_slice %arg12[%add3A_225, %dma_start3A_377] : memref<10240x128xf32, #tpu.memory_space<vmem_shared>> -> memref<40x128xf32, #tpu.memory_space<vmem_shared>>
      %dma_start3A_379 = arith.constant 0 : i32
      %dma_start3A_380 = tpu.memref_slice %arg12[%add3A_225, %dma_start3A_379] : memref<10240x128xf32, #tpu.memory_space<vmem_shared>> -> memref<40x128xf32, #tpu.memory_space<vmem_shared>>
      tpu.enqueue_dma source(%arg11 : memref<40x128xf32, #tpu.memory_space<vmem>>) target(%dma_start3A_380 : memref<40x128xf32, #tpu.memory_space<vmem_shared>>) target_semaphore(%run_scoped3A_376 : memref<!tpu.dma_semaphore, #tpu.memory_space<semaphore_mem>>)
      %dma_wait3A = arith.constant 0 : i32
      %dma_wait3A_381 = tpu.memref_slice %arg12[%add3A_225, %dma_wait3A] : memref<10240x128xf32, #tpu.memory_space<vmem_shared>> -> memref<40x128xf32, #tpu.memory_space<vmem_shared>>
      %dma_wait3A_382 = arith.constant 0 : i32
      %dma_wait3A_383 = tpu.memref_slice %arg12[%add3A_225, %dma_wait3A_382] : memref<10240x128xf32, #tpu.memory_space<vmem_shared>> -> memref<40x128xf32, #tpu.memory_space<vmem_shared>>
      tpu.wait_dma2 semaphore(%run_scoped3A_376 : memref<!tpu.dma_semaphore, #tpu.memory_space<semaphore_mem>>) src(%arg11 : memref<40x128xf32, #tpu.memory_space<vmem>>) dst(%dma_wait3A_383 : memref<40x128xf32, #tpu.memory_space<vmem_shared>>)
      tpu.yield
    }) : () -> ()
    %mul3A_226 = arith.constant 640 : i32
    %mul3A_227 = arith.muli %arg1, %mul3A_226 : i32
    %add3A_228 = arith.constant 360 : i32
    %add3A_229 = arith.addi %mul3A_227, %add3A_228 : i32
    "tpu.region"() ({
      %run_scoped3A_376 = tpu.sem_alloc : memref<!tpu.dma_semaphore, #tpu.memory_space<semaphore_mem>>
      %dma_start3A_377 = arith.constant 0 : i32
      %dma_start3A_378 = tpu.memref_slice %arg12[%add3A_229, %dma_start3A_377] : memref<10240x128xf32, #tpu.memory_space<vmem_shared>> -> memref<40x128xf32, #tpu.memory_space<vmem_shared>>
      %dma_start3A_379 = arith.constant 0 : i32
      %dma_start3A_380 = tpu.memref_slice %arg12[%add3A_229, %dma_start3A_379] : memref<10240x128xf32, #tpu.memory_space<vmem_shared>> -> memref<40x128xf32, #tpu.memory_space<vmem_shared>>
      tpu.enqueue_dma source(%arg11 : memref<40x128xf32, #tpu.memory_space<vmem>>) target(%dma_start3A_380 : memref<40x128xf32, #tpu.memory_space<vmem_shared>>) target_semaphore(%run_scoped3A_376 : memref<!tpu.dma_semaphore, #tpu.memory_space<semaphore_mem>>)
      %dma_wait3A = arith.constant 0 : i32
      %dma_wait3A_381 = tpu.memref_slice %arg12[%add3A_229, %dma_wait3A] : memref<10240x128xf32, #tpu.memory_space<vmem_shared>> -> memref<40x128xf32, #tpu.memory_space<vmem_shared>>
      %dma_wait3A_382 = arith.constant 0 : i32
      %dma_wait3A_383 = tpu.memref_slice %arg12[%add3A_229, %dma_wait3A_382] : memref<10240x128xf32, #tpu.memory_space<vmem_shared>> -> memref<40x128xf32, #tpu.memory_space<vmem_shared>>
      tpu.wait_dma2 semaphore(%run_scoped3A_376 : memref<!tpu.dma_semaphore, #tpu.memory_space<semaphore_mem>>) src(%arg11 : memref<40x128xf32, #tpu.memory_space<vmem>>) dst(%dma_wait3A_383 : memref<40x128xf32, #tpu.memory_space<vmem_shared>>)
      tpu.yield
    }) : () -> ()
    %mul3A_230 = arith.constant 640 : i32
    %mul3A_231 = arith.muli %arg1, %mul3A_230 : i32
    %add3A_232 = arith.constant 400 : i32
    %add3A_233 = arith.addi %mul3A_231, %add3A_232 : i32
    "tpu.region"() ({
      %run_scoped3A_376 = tpu.sem_alloc : memref<!tpu.dma_semaphore, #tpu.memory_space<semaphore_mem>>
      %dma_start3A_377 = arith.constant 0 : i32
      %dma_start3A_378 = tpu.memref_slice %arg12[%add3A_233, %dma_start3A_377] : memref<10240x128xf32, #tpu.memory_space<vmem_shared>> -> memref<40x128xf32, #tpu.memory_space<vmem_shared>>
      %dma_start3A_379 = arith.constant 0 : i32
      %dma_start3A_380 = tpu.memref_slice %arg12[%add3A_233, %dma_start3A_379] : memref<10240x128xf32, #tpu.memory_space<vmem_shared>> -> memref<40x128xf32, #tpu.memory_space<vmem_shared>>
      tpu.enqueue_dma source(%arg11 : memref<40x128xf32, #tpu.memory_space<vmem>>) target(%dma_start3A_380 : memref<40x128xf32, #tpu.memory_space<vmem_shared>>) target_semaphore(%run_scoped3A_376 : memref<!tpu.dma_semaphore, #tpu.memory_space<semaphore_mem>>)
      %dma_wait3A = arith.constant 0 : i32
      %dma_wait3A_381 = tpu.memref_slice %arg12[%add3A_233, %dma_wait3A] : memref<10240x128xf32, #tpu.memory_space<vmem_shared>> -> memref<40x128xf32, #tpu.memory_space<vmem_shared>>
      %dma_wait3A_382 = arith.constant 0 : i32
      %dma_wait3A_383 = tpu.memref_slice %arg12[%add3A_233, %dma_wait3A_382] : memref<10240x128xf32, #tpu.memory_space<vmem_shared>> -> memref<40x128xf32, #tpu.memory_space<vmem_shared>>
      tpu.wait_dma2 semaphore(%run_scoped3A_376 : memref<!tpu.dma_semaphore, #tpu.memory_space<semaphore_mem>>) src(%arg11 : memref<40x128xf32, #tpu.memory_space<vmem>>) dst(%dma_wait3A_383 : memref<40x128xf32, #tpu.memory_space<vmem_shared>>)
      tpu.yield
    }) : () -> ()
    %mul3A_234 = arith.constant 640 : i32
    %mul3A_235 = arith.muli %arg1, %mul3A_234 : i32
    %add3A_236 = arith.constant 440 : i32
    %add3A_237 = arith.addi %mul3A_235, %add3A_236 : i32
    "tpu.region"() ({
      %run_scoped3A_376 = tpu.sem_alloc : memref<!tpu.dma_semaphore, #tpu.memory_space<semaphore_mem>>
      %dma_start3A_377 = arith.constant 0 : i32
      %dma_start3A_378 = tpu.memref_slice %arg12[%add3A_237, %dma_start3A_377] : memref<10240x128xf32, #tpu.memory_space<vmem_shared>> -> memref<40x128xf32, #tpu.memory_space<vmem_shared>>
      %dma_start3A_379 = arith.constant 0 : i32
      %dma_start3A_380 = tpu.memref_slice %arg12[%add3A_237, %dma_start3A_379] : memref<10240x128xf32, #tpu.memory_space<vmem_shared>> -> memref<40x128xf32, #tpu.memory_space<vmem_shared>>
      tpu.enqueue_dma source(%arg11 : memref<40x128xf32, #tpu.memory_space<vmem>>) target(%dma_start3A_380 : memref<40x128xf32, #tpu.memory_space<vmem_shared>>) target_semaphore(%run_scoped3A_376 : memref<!tpu.dma_semaphore, #tpu.memory_space<semaphore_mem>>)
      %dma_wait3A = arith.constant 0 : i32
      %dma_wait3A_381 = tpu.memref_slice %arg12[%add3A_237, %dma_wait3A] : memref<10240x128xf32, #tpu.memory_space<vmem_shared>> -> memref<40x128xf32, #tpu.memory_space<vmem_shared>>
      %dma_wait3A_382 = arith.constant 0 : i32
      %dma_wait3A_383 = tpu.memref_slice %arg12[%add3A_237, %dma_wait3A_382] : memref<10240x128xf32, #tpu.memory_space<vmem_shared>> -> memref<40x128xf32, #tpu.memory_space<vmem_shared>>
      tpu.wait_dma2 semaphore(%run_scoped3A_376 : memref<!tpu.dma_semaphore, #tpu.memory_space<semaphore_mem>>) src(%arg11 : memref<40x128xf32, #tpu.memory_space<vmem>>) dst(%dma_wait3A_383 : memref<40x128xf32, #tpu.memory_space<vmem_shared>>)
      tpu.yield
    }) : () -> ()
    %mul3A_238 = arith.constant 640 : i32
    %mul3A_239 = arith.muli %arg1, %mul3A_238 : i32
    %add3A_240 = arith.constant 480 : i32
    %add3A_241 = arith.addi %mul3A_239, %add3A_240 : i32
    "tpu.region"() ({
      %run_scoped3A_376 = tpu.sem_alloc : memref<!tpu.dma_semaphore, #tpu.memory_space<semaphore_mem>>
      %dma_start3A_377 = arith.constant 0 : i32
      %dma_start3A_378 = tpu.memref_slice %arg12[%add3A_241, %dma_start3A_377] : memref<10240x128xf32, #tpu.memory_space<vmem_shared>> -> memref<40x128xf32, #tpu.memory_space<vmem_shared>>
      %dma_start3A_379 = arith.constant 0 : i32
      %dma_start3A_380 = tpu.memref_slice %arg12[%add3A_241, %dma_start3A_379] : memref<10240x128xf32, #tpu.memory_space<vmem_shared>> -> memref<40x128xf32, #tpu.memory_space<vmem_shared>>
      tpu.enqueue_dma source(%arg11 : memref<40x128xf32, #tpu.memory_space<vmem>>) target(%dma_start3A_380 : memref<40x128xf32, #tpu.memory_space<vmem_shared>>) target_semaphore(%run_scoped3A_376 : memref<!tpu.dma_semaphore, #tpu.memory_space<semaphore_mem>>)
      %dma_wait3A = arith.constant 0 : i32
      %dma_wait3A_381 = tpu.memref_slice %arg12[%add3A_241, %dma_wait3A] : memref<10240x128xf32, #tpu.memory_space<vmem_shared>> -> memref<40x128xf32, #tpu.memory_space<vmem_shared>>
      %dma_wait3A_382 = arith.constant 0 : i32
      %dma_wait3A_383 = tpu.memref_slice %arg12[%add3A_241, %dma_wait3A_382] : memref<10240x128xf32, #tpu.memory_space<vmem_shared>> -> memref<40x128xf32, #tpu.memory_space<vmem_shared>>
      tpu.wait_dma2 semaphore(%run_scoped3A_376 : memref<!tpu.dma_semaphore, #tpu.memory_space<semaphore_mem>>) src(%arg11 : memref<40x128xf32, #tpu.memory_space<vmem>>) dst(%dma_wait3A_383 : memref<40x128xf32, #tpu.memory_space<vmem_shared>>)
      tpu.yield
    }) : () -> ()
    %mul3A_242 = arith.constant 640 : i32
    %mul3A_243 = arith.muli %arg1, %mul3A_242 : i32
    %add3A_244 = arith.constant 520 : i32
    %add3A_245 = arith.addi %mul3A_243, %add3A_244 : i32
    "tpu.region"() ({
      %run_scoped3A_376 = tpu.sem_alloc : memref<!tpu.dma_semaphore, #tpu.memory_space<semaphore_mem>>
      %dma_start3A_377 = arith.constant 0 : i32
      %dma_start3A_378 = tpu.memref_slice %arg12[%add3A_245, %dma_start3A_377] : memref<10240x128xf32, #tpu.memory_space<vmem_shared>> -> memref<40x128xf32, #tpu.memory_space<vmem_shared>>
      %dma_start3A_379 = arith.constant 0 : i32
      %dma_start3A_380 = tpu.memref_slice %arg12[%add3A_245, %dma_start3A_379] : memref<10240x128xf32, #tpu.memory_space<vmem_shared>> -> memref<40x128xf32, #tpu.memory_space<vmem_shared>>
      tpu.enqueue_dma source(%arg11 : memref<40x128xf32, #tpu.memory_space<vmem>>) target(%dma_start3A_380 : memref<40x128xf32, #tpu.memory_space<vmem_shared>>) target_semaphore(%run_scoped3A_376 : memref<!tpu.dma_semaphore, #tpu.memory_space<semaphore_mem>>)
      %dma_wait3A = arith.constant 0 : i32
      %dma_wait3A_381 = tpu.memref_slice %arg12[%add3A_245, %dma_wait3A] : memref<10240x128xf32, #tpu.memory_space<vmem_shared>> -> memref<40x128xf32, #tpu.memory_space<vmem_shared>>
      %dma_wait3A_382 = arith.constant 0 : i32
      %dma_wait3A_383 = tpu.memref_slice %arg12[%add3A_245, %dma_wait3A_382] : memref<10240x128xf32, #tpu.memory_space<vmem_shared>> -> memref<40x128xf32, #tpu.memory_space<vmem_shared>>
      tpu.wait_dma2 semaphore(%run_scoped3A_376 : memref<!tpu.dma_semaphore, #tpu.memory_space<semaphore_mem>>) src(%arg11 : memref<40x128xf32, #tpu.memory_space<vmem>>) dst(%dma_wait3A_383 : memref<40x128xf32, #tpu.memory_space<vmem_shared>>)
      tpu.yield
    }) : () -> ()
    %mul3A_246 = arith.constant 640 : i32
    %mul3A_247 = arith.muli %arg1, %mul3A_246 : i32
    %add3A_248 = arith.constant 560 : i32
    %add3A_249 = arith.addi %mul3A_247, %add3A_248 : i32
    "tpu.region"() ({
      %run_scoped3A_376 = tpu.sem_alloc : memref<!tpu.dma_semaphore, #tpu.memory_space<semaphore_mem>>
      %dma_start3A_377 = arith.constant 0 : i32
      %dma_start3A_378 = tpu.memref_slice %arg12[%add3A_249, %dma_start3A_377] : memref<10240x128xf32, #tpu.memory_space<vmem_shared>> -> memref<40x128xf32, #tpu.memory_space<vmem_shared>>
      %dma_start3A_379 = arith.constant 0 : i32
      %dma_start3A_380 = tpu.memref_slice %arg12[%add3A_249, %dma_start3A_379] : memref<10240x128xf32, #tpu.memory_space<vmem_shared>> -> memref<40x128xf32, #tpu.memory_space<vmem_shared>>
      tpu.enqueue_dma source(%arg11 : memref<40x128xf32, #tpu.memory_space<vmem>>) target(%dma_start3A_380 : memref<40x128xf32, #tpu.memory_space<vmem_shared>>) target_semaphore(%run_scoped3A_376 : memref<!tpu.dma_semaphore, #tpu.memory_space<semaphore_mem>>)
      %dma_wait3A = arith.constant 0 : i32
      %dma_wait3A_381 = tpu.memref_slice %arg12[%add3A_249, %dma_wait3A] : memref<10240x128xf32, #tpu.memory_space<vmem_shared>> -> memref<40x128xf32, #tpu.memory_space<vmem_shared>>
      %dma_wait3A_382 = arith.constant 0 : i32
      %dma_wait3A_383 = tpu.memref_slice %arg12[%add3A_249, %dma_wait3A_382] : memref<10240x128xf32, #tpu.memory_space<vmem_shared>> -> memref<40x128xf32, #tpu.memory_space<vmem_shared>>
      tpu.wait_dma2 semaphore(%run_scoped3A_376 : memref<!tpu.dma_semaphore, #tpu.memory_space<semaphore_mem>>) src(%arg11 : memref<40x128xf32, #tpu.memory_space<vmem>>) dst(%dma_wait3A_383 : memref<40x128xf32, #tpu.memory_space<vmem_shared>>)
      tpu.yield
    }) : () -> ()
    %mul3A_250 = arith.constant 640 : i32
    %mul3A_251 = arith.muli %arg1, %mul3A_250 : i32
    %add3A_252 = arith.constant 600 : i32
    %add3A_253 = arith.addi %mul3A_251, %add3A_252 : i32
    "tpu.region"() ({
      %run_scoped3A_376 = tpu.sem_alloc : memref<!tpu.dma_semaphore, #tpu.memory_space<semaphore_mem>>
      %dma_start3A_377 = arith.constant 0 : i32
      %dma_start3A_378 = tpu.memref_slice %arg12[%add3A_253, %dma_start3A_377] : memref<10240x128xf32, #tpu.memory_space<vmem_shared>> -> memref<40x128xf32, #tpu.memory_space<vmem_shared>>
      %dma_start3A_379 = arith.constant 0 : i32
      %dma_start3A_380 = tpu.memref_slice %arg12[%add3A_253, %dma_start3A_379] : memref<10240x128xf32, #tpu.memory_space<vmem_shared>> -> memref<40x128xf32, #tpu.memory_space<vmem_shared>>
      tpu.enqueue_dma source(%arg11 : memref<40x128xf32, #tpu.memory_space<vmem>>) target(%dma_start3A_380 : memref<40x128xf32, #tpu.memory_space<vmem_shared>>) target_semaphore(%run_scoped3A_376 : memref<!tpu.dma_semaphore, #tpu.memory_space<semaphore_mem>>)
      %dma_wait3A = arith.constant 0 : i32
      %dma_wait3A_381 = tpu.memref_slice %arg12[%add3A_253, %dma_wait3A] : memref<10240x128xf32, #tpu.memory_space<vmem_shared>> -> memref<40x128xf32, #tpu.memory_space<vmem_shared>>
      %dma_wait3A_382 = arith.constant 0 : i32
      %dma_wait3A_383 = tpu.memref_slice %arg12[%add3A_253, %dma_wait3A_382] : memref<10240x128xf32, #tpu.memory_space<vmem_shared>> -> memref<40x128xf32, #tpu.memory_space<vmem_shared>>
      tpu.wait_dma2 semaphore(%run_scoped3A_376 : memref<!tpu.dma_semaphore, #tpu.memory_space<semaphore_mem>>) src(%arg11 : memref<40x128xf32, #tpu.memory_space<vmem>>) dst(%dma_wait3A_383 : memref<40x128xf32, #tpu.memory_space<vmem_shared>>)
      tpu.yield
    }) : () -> ()
    %barrier3A_254 = arith.constant 0 : index
    tpu.barrier barrier_id(%barrier3A_254)
    %mul3A_255 = arith.constant 125 : i32
    %mul3A_256 = arith.muli %add3A, %mul3A_255 : i32
    %mul3A_257 = arith.constant 80 : i32
    %mul3A_258 = arith.muli %mul3A_256, %mul3A_257 : i32
    %add3A_259 = arith.constant 0 : i32
    %add3A_260 = arith.addi %mul3A_258, %add3A_259 : i32
    %dma_start3A_261 = arith.constant 0 : i32
    %dma_start3A_262 = tpu.memref_slice %arg4[%add3A_260, %dma_start3A_261] : memref<320000x128xf32, #tpu.memory_space<hbm>> -> memref<80x128xf32, #tpu.memory_space<hbm>>
    %dma_start3A_263 = arith.constant 0 : i32
    %dma_start3A_264 = tpu.memref_slice %arg4[%add3A_260, %dma_start3A_263] : memref<320000x128xf32, #tpu.memory_space<hbm>> -> memref<80x128xf32, #tpu.memory_space<hbm>>
    tpu.enqueue_dma source(%dma_start3A_264 : memref<80x128xf32, #tpu.memory_space<hbm>>) target(%arg9 : memref<80x128xf32, #tpu.memory_space<vmem>>) target_semaphore(%arg13 : memref<!tpu.dma_semaphore, #tpu.memory_space<semaphore_mem>>)
    %add3A_265 = arith.constant 80 : i32
    %add3A_266 = arith.addi %mul3A_258, %add3A_265 : i32
    %dma_start3A_267 = arith.constant 0 : i32
    %dma_start3A_268 = tpu.memref_slice %arg4[%add3A_266, %dma_start3A_267] : memref<320000x128xf32, #tpu.memory_space<hbm>> -> memref<80x128xf32, #tpu.memory_space<hbm>>
    %dma_start3A_269 = arith.constant 0 : i32
    %dma_start3A_270 = tpu.memref_slice %arg4[%add3A_266, %dma_start3A_269] : memref<320000x128xf32, #tpu.memory_space<hbm>> -> memref<80x128xf32, #tpu.memory_space<hbm>>
    tpu.enqueue_dma source(%dma_start3A_270 : memref<80x128xf32, #tpu.memory_space<hbm>>) target(%arg10 : memref<80x128xf32, #tpu.memory_space<vmem>>) target_semaphore(%arg14 : memref<!tpu.dma_semaphore, #tpu.memory_space<semaphore_mem>>)
    %scan3A_271 = arith.constant 0 : i32
    %scan3A_272 = arith.constant 63 : i32
    %scan3A_273 = arith.addi %scan3A_271, %scan3A_272 : i32
    %scan3A_274 = arith.constant 1 : i32
    scf.for %scan3A_376 = %scan3A_271 to %scan3A_273 step %scan3A_274  : i32 {
      %mul3A_377 = arith.constant 1 : i32
      %mul3A_378 = arith.muli %scan3A_376, %mul3A_377 : i32
      %add3A_379 = arith.constant 0 : i32
      %add3A_380 = arith.addi %add3A_379, %mul3A_378 : i32
      %mul3A_381 = arith.constant 2 : i32
      %mul3A_382 = arith.muli %add3A_380, %mul3A_381 : i32
      %add3A_383 = arith.constant 0 : i32
      %add3A_384 = arith.addi %mul3A_382, %add3A_383 : i32
      %lt3A = arith.constant 125 : i32
      %lt3A_385 = arith.cmpi slt, %add3A_384, %lt3A : i32
      %convert_element_type3A = arith.extui %lt3A_385 : i1 to i32
      %cond3A = arith.constant 0 : i32
      %cond3A_386 = arith.cmpi ne, %convert_element_type3A, %cond3A : i32
      scf.if %cond3A_386 {
        %mul3A_396 = arith.constant 80 : i32
        %mul3A_397 = arith.muli %add3A_384, %mul3A_396 : i32
        %add3A_398 = arith.addi %mul3A_258, %mul3A_397 : i32
        %dma_wait3A = arith.constant 0 : i32
        %dma_wait3A_399 = tpu.memref_slice %arg4[%add3A_398, %dma_wait3A] : memref<320000x128xf32, #tpu.memory_space<hbm>> -> memref<80x128xf32, #tpu.memory_space<hbm>>
        %dma_wait3A_400 = arith.constant 0 : i32
        %dma_wait3A_401 = tpu.memref_slice %arg4[%add3A_398, %dma_wait3A_400] : memref<320000x128xf32, #tpu.memory_space<hbm>> -> memref<80x128xf32, #tpu.memory_space<hbm>>
        tpu.wait_dma2 semaphore(%arg13 : memref<!tpu.dma_semaphore, #tpu.memory_space<semaphore_mem>>) src(%dma_wait3A_401 : memref<80x128xf32, #tpu.memory_space<hbm>>) dst(%arg9 : memref<80x128xf32, #tpu.memory_space<vmem>>)
        "tpu.region"() ({
          %run_scoped3A_409 = tpu.sem_alloc : memref<!tpu.dma_semaphore, #tpu.memory_space<semaphore_mem>>
          %dma_start3A_410 = arith.constant 0 : i32
          %dma_start3A_411 = tpu.memref_slice %arg8[%add3A_384, %dma_start3A_410] : memref<125x80xi32, #tpu.memory_space<vmem>> -> memref<1x80xi32, #tpu.memory_space<vmem>>
          %dma_start3A_412 = tpu.memref_squeeze %dma_start3A_411 : memref<1x80xi32, #tpu.memory_space<vmem>> -> memref<80xi32, #tpu.memory_space<vmem>>
          %dma_start3A_413 = arith.constant 0 : i32
          %dma_start3A_414 = arith.constant 0 : i32
          %dma_start3A_415 = tpu.memref_slice %arg12[%dma_start3A_413, %dma_start3A_414] : memref<10240x128xf32, #tpu.memory_space<vmem_shared>> -> memref<10240x128xf32, #tpu.memory_space<vmem_shared>>
          tpu.enqueue_indirect_dma source(%arg9 : memref<80x128xf32, #tpu.memory_space<vmem>>) target(%dma_start3A_415 : memref<10240x128xf32, #tpu.memory_space<vmem_shared>>) offsets(%dma_start3A_412 : memref<80xi32, #tpu.memory_space<vmem>>) semaphore(%run_scoped3A_409 : memref<!tpu.dma_semaphore, #tpu.memory_space<semaphore_mem>>) {add = true}
          %dma_wait3A_416 = arith.constant 0 : i32
          %dma_wait3A_417 = tpu.memref_slice %arg8[%add3A_384, %dma_wait3A_416] : memref<125x80xi32, #tpu.memory_space<vmem>> -> memref<1x80xi32, #tpu.memory_space<vmem>>
          %dma_wait3A_418 = tpu.memref_squeeze %dma_wait3A_417 : memref<1x80xi32, #tpu.memory_space<vmem>> -> memref<80xi32, #tpu.memory_space<vmem>>
          %dma_wait3A_419 = arith.constant 0 : i32
          %dma_wait3A_420 = arith.constant 0 : i32
          %dma_wait3A_421 = tpu.memref_slice %arg12[%dma_wait3A_419, %dma_wait3A_420] : memref<10240x128xf32, #tpu.memory_space<vmem_shared>> -> memref<10240x128xf32, #tpu.memory_space<vmem_shared>>
          tpu.wait_indirect_dma semaphore(%run_scoped3A_409 : memref<!tpu.dma_semaphore, #tpu.memory_space<semaphore_mem>>) src(%arg9 : memref<80x128xf32, #tpu.memory_space<vmem>>) dst(%dma_wait3A_421 : memref<10240x128xf32, #tpu.memory_space<vmem_shared>>)
          tpu.yield
        }) : () -> ()
        %add3A_402 = arith.constant 2 : i32
        %add3A_403 = arith.addi %add3A_384, %add3A_402 : i32
        %lt3A_404 = arith.constant 125 : i32
        %lt3A_405 = arith.cmpi slt, %add3A_403, %lt3A_404 : i32
        %convert_element_type3A_406 = arith.extui %lt3A_405 : i1 to i32
        %cond3A_407 = arith.constant 0 : i32
        %cond3A_408 = arith.cmpi ne, %convert_element_type3A_406, %cond3A_407 : i32
        scf.if %cond3A_408 {
          %add3A_409 = arith.constant 2 : i32
          %add3A_410 = arith.addi %add3A_384, %add3A_409 : i32
          %mul3A_411 = arith.constant 80 : i32
          %mul3A_412 = arith.muli %add3A_410, %mul3A_411 : i32
          %add3A_413 = arith.addi %mul3A_258, %mul3A_412 : i32
          %dma_start3A_414 = arith.constant 0 : i32
          %dma_start3A_415 = tpu.memref_slice %arg4[%add3A_413, %dma_start3A_414] : memref<320000x128xf32, #tpu.memory_space<hbm>> -> memref<80x128xf32, #tpu.memory_space<hbm>>
          %dma_start3A_416 = arith.constant 0 : i32
          %dma_start3A_417 = tpu.memref_slice %arg4[%add3A_413, %dma_start3A_416] : memref<320000x128xf32, #tpu.memory_space<hbm>> -> memref<80x128xf32, #tpu.memory_space<hbm>>
          tpu.enqueue_dma source(%dma_start3A_417 : memref<80x128xf32, #tpu.memory_space<hbm>>) target(%arg9 : memref<80x128xf32, #tpu.memory_space<vmem>>) target_semaphore(%arg13 : memref<!tpu.dma_semaphore, #tpu.memory_space<semaphore_mem>>)
        } else {
        }
      } else {
      }
      %mul3A_387 = arith.constant 2 : i32
      %mul3A_388 = arith.muli %add3A_380, %mul3A_387 : i32
      %add3A_389 = arith.constant 1 : i32
      %add3A_390 = arith.addi %mul3A_388, %add3A_389 : i32
      %lt3A_391 = arith.constant 125 : i32
      %lt3A_392 = arith.cmpi slt, %add3A_390, %lt3A_391 : i32
      %convert_element_type3A_393 = arith.extui %lt3A_392 : i1 to i32
      %cond3A_394 = arith.constant 0 : i32
      %cond3A_395 = arith.cmpi ne, %convert_element_type3A_393, %cond3A_394 : i32
      scf.if %cond3A_395 {
        %mul3A_396 = arith.constant 80 : i32
        %mul3A_397 = arith.muli %add3A_390, %mul3A_396 : i32
        %add3A_398 = arith.addi %mul3A_258, %mul3A_397 : i32
        %dma_wait3A = arith.constant 0 : i32
        %dma_wait3A_399 = tpu.memref_slice %arg4[%add3A_398, %dma_wait3A] : memref<320000x128xf32, #tpu.memory_space<hbm>> -> memref<80x128xf32, #tpu.memory_space<hbm>>
        %dma_wait3A_400 = arith.constant 0 : i32
        %dma_wait3A_401 = tpu.memref_slice %arg4[%add3A_398, %dma_wait3A_400] : memref<320000x128xf32, #tpu.memory_space<hbm>> -> memref<80x128xf32, #tpu.memory_space<hbm>>
        tpu.wait_dma2 semaphore(%arg14 : memref<!tpu.dma_semaphore, #tpu.memory_space<semaphore_mem>>) src(%dma_wait3A_401 : memref<80x128xf32, #tpu.memory_space<hbm>>) dst(%arg10 : memref<80x128xf32, #tpu.memory_space<vmem>>)
        "tpu.region"() ({
          %run_scoped3A_409 = tpu.sem_alloc : memref<!tpu.dma_semaphore, #tpu.memory_space<semaphore_mem>>
          %dma_start3A_410 = arith.constant 0 : i32
          %dma_start3A_411 = tpu.memref_slice %arg8[%add3A_390, %dma_start3A_410] : memref<125x80xi32, #tpu.memory_space<vmem>> -> memref<1x80xi32, #tpu.memory_space<vmem>>
          %dma_start3A_412 = tpu.memref_squeeze %dma_start3A_411 : memref<1x80xi32, #tpu.memory_space<vmem>> -> memref<80xi32, #tpu.memory_space<vmem>>
          %dma_start3A_413 = arith.constant 0 : i32
          %dma_start3A_414 = arith.constant 0 : i32
          %dma_start3A_415 = tpu.memref_slice %arg12[%dma_start3A_413, %dma_start3A_414] : memref<10240x128xf32, #tpu.memory_space<vmem_shared>> -> memref<10240x128xf32, #tpu.memory_space<vmem_shared>>
          tpu.enqueue_indirect_dma source(%arg10 : memref<80x128xf32, #tpu.memory_space<vmem>>) target(%dma_start3A_415 : memref<10240x128xf32, #tpu.memory_space<vmem_shared>>) offsets(%dma_start3A_412 : memref<80xi32, #tpu.memory_space<vmem>>) semaphore(%run_scoped3A_409 : memref<!tpu.dma_semaphore, #tpu.memory_space<semaphore_mem>>) {add = true}
          %dma_wait3A_416 = arith.constant 0 : i32
          %dma_wait3A_417 = tpu.memref_slice %arg8[%add3A_390, %dma_wait3A_416] : memref<125x80xi32, #tpu.memory_space<vmem>> -> memref<1x80xi32, #tpu.memory_space<vmem>>
          %dma_wait3A_418 = tpu.memref_squeeze %dma_wait3A_417 : memref<1x80xi32, #tpu.memory_space<vmem>> -> memref<80xi32, #tpu.memory_space<vmem>>
          %dma_wait3A_419 = arith.constant 0 : i32
          %dma_wait3A_420 = arith.constant 0 : i32
          %dma_wait3A_421 = tpu.memref_slice %arg12[%dma_wait3A_419, %dma_wait3A_420] : memref<10240x128xf32, #tpu.memory_space<vmem_shared>> -> memref<10240x128xf32, #tpu.memory_space<vmem_shared>>
          tpu.wait_indirect_dma semaphore(%run_scoped3A_409 : memref<!tpu.dma_semaphore, #tpu.memory_space<semaphore_mem>>) src(%arg10 : memref<80x128xf32, #tpu.memory_space<vmem>>) dst(%dma_wait3A_421 : memref<10240x128xf32, #tpu.memory_space<vmem_shared>>)
          tpu.yield
        }) : () -> ()
        %add3A_402 = arith.constant 2 : i32
        %add3A_403 = arith.addi %add3A_390, %add3A_402 : i32
        %lt3A_404 = arith.constant 125 : i32
        %lt3A_405 = arith.cmpi slt, %add3A_403, %lt3A_404 : i32
        %convert_element_type3A_406 = arith.extui %lt3A_405 : i1 to i32
        %cond3A_407 = arith.constant 0 : i32
        %cond3A_408 = arith.cmpi ne, %convert_element_type3A_406, %cond3A_407 : i32
        scf.if %cond3A_408 {
          %add3A_409 = arith.constant 2 : i32
          %add3A_410 = arith.addi %add3A_390, %add3A_409 : i32
          %mul3A_411 = arith.constant 80 : i32
          %mul3A_412 = arith.muli %add3A_410, %mul3A_411 : i32
          %add3A_413 = arith.addi %mul3A_258, %mul3A_412 : i32
          %dma_start3A_414 = arith.constant 0 : i32
          %dma_start3A_415 = tpu.memref_slice %arg4[%add3A_413, %dma_start3A_414] : memref<320000x128xf32, #tpu.memory_space<hbm>> -> memref<80x128xf32, #tpu.memory_space<hbm>>
          %dma_start3A_416 = arith.constant 0 : i32
          %dma_start3A_417 = tpu.memref_slice %arg4[%add3A_413, %dma_start3A_416] : memref<320000x128xf32, #tpu.memory_space<hbm>> -> memref<80x128xf32, #tpu.memory_space<hbm>>
          tpu.enqueue_dma source(%dma_start3A_417 : memref<80x128xf32, #tpu.memory_space<hbm>>) target(%arg10 : memref<80x128xf32, #tpu.memory_space<vmem>>) target_semaphore(%arg14 : memref<!tpu.dma_semaphore, #tpu.memory_space<semaphore_mem>>)
        } else {
        }
      } else {
      }
    }
    %scan3A_275 = arith.constant 63 : i32
    %barrier3A_276 = arith.constant 0 : index
    tpu.barrier barrier_id(%barrier3A_276)
    %mul3A_277 = arith.constant 640 : i32
    %mul3A_278 = arith.muli %arg1, %mul3A_277 : i32
    %mul3A_279 = arith.constant 640 : i32
    %mul3A_280 = arith.muli %arg1, %mul3A_279 : i32
    %run_scoped3A_281 = arith.constant 2 : i32
    "tpu.region"() ({
      %run_scoped3A_376 = tpu.sem_alloc : memref<!tpu.dma_semaphore, #tpu.memory_space<semaphore_mem>>
      %dma_start3A_377 = arith.constant 0 : i32
      %dma_start3A_378 = tpu.memref_slice %arg7[%arg0, %run_scoped3A_281, %mul3A_280, %dma_start3A_377] : memref<2x4x10240x128xf32, #tpu.memory_space<hbm>> -> memref<1x1x640x128xf32, #tpu.memory_space<hbm>>
      %dma_start3A_379 = tpu.memref_squeeze %dma_start3A_378 : memref<1x1x640x128xf32, #tpu.memory_space<hbm>> -> memref<640x128xf32, #tpu.memory_space<hbm>>
      %dma_start3A_380 = arith.constant 0 : i32
      %dma_start3A_381 = tpu.memref_slice %arg12[%mul3A_278, %dma_start3A_380] : memref<10240x128xf32, #tpu.memory_space<vmem_shared>> -> memref<640x128xf32, #tpu.memory_space<vmem_shared>>
      tpu.enqueue_dma source(%dma_start3A_381 : memref<640x128xf32, #tpu.memory_space<vmem_shared>>) target(%dma_start3A_379 : memref<640x128xf32, #tpu.memory_space<hbm>>) target_semaphore(%run_scoped3A_376 : memref<!tpu.dma_semaphore, #tpu.memory_space<semaphore_mem>>)
      %dma_wait3A = arith.constant 0 : i32
      %dma_wait3A_382 = tpu.memref_slice %arg7[%arg0, %run_scoped3A_281, %mul3A_280, %dma_wait3A] : memref<2x4x10240x128xf32, #tpu.memory_space<hbm>> -> memref<1x1x640x128xf32, #tpu.memory_space<hbm>>
      %dma_wait3A_383 = tpu.memref_squeeze %dma_wait3A_382 : memref<1x1x640x128xf32, #tpu.memory_space<hbm>> -> memref<640x128xf32, #tpu.memory_space<hbm>>
      %dma_wait3A_384 = arith.constant 0 : i32
      %dma_wait3A_385 = tpu.memref_slice %arg12[%mul3A_278, %dma_wait3A_384] : memref<10240x128xf32, #tpu.memory_space<vmem_shared>> -> memref<640x128xf32, #tpu.memory_space<vmem_shared>>
      tpu.wait_dma2 semaphore(%run_scoped3A_376 : memref<!tpu.dma_semaphore, #tpu.memory_space<semaphore_mem>>) src(%dma_wait3A_385 : memref<640x128xf32, #tpu.memory_space<vmem_shared>>) dst(%dma_wait3A_383 : memref<640x128xf32, #tpu.memory_space<hbm>>)
      tpu.yield
    }) : () -> ()
    %barrier3A_282 = arith.constant 0 : index
    tpu.barrier barrier_id(%barrier3A_282)
    %mul3A_283 = arith.constant 640 : i32
    %mul3A_284 = arith.muli %arg1, %mul3A_283 : i32
    %add3A_285 = arith.constant 0 : i32
    %add3A_286 = arith.addi %mul3A_284, %add3A_285 : i32
    "tpu.region"() ({
      %run_scoped3A_376 = tpu.sem_alloc : memref<!tpu.dma_semaphore, #tpu.memory_space<semaphore_mem>>
      %dma_start3A_377 = arith.constant 0 : i32
      %dma_start3A_378 = tpu.memref_slice %arg12[%add3A_286, %dma_start3A_377] : memref<10240x128xf32, #tpu.memory_space<vmem_shared>> -> memref<40x128xf32, #tpu.memory_space<vmem_shared>>
      %dma_start3A_379 = arith.constant 0 : i32
      %dma_start3A_380 = tpu.memref_slice %arg12[%add3A_286, %dma_start3A_379] : memref<10240x128xf32, #tpu.memory_space<vmem_shared>> -> memref<40x128xf32, #tpu.memory_space<vmem_shared>>
      tpu.enqueue_dma source(%arg11 : memref<40x128xf32, #tpu.memory_space<vmem>>) target(%dma_start3A_380 : memref<40x128xf32, #tpu.memory_space<vmem_shared>>) target_semaphore(%run_scoped3A_376 : memref<!tpu.dma_semaphore, #tpu.memory_space<semaphore_mem>>)
      %dma_wait3A = arith.constant 0 : i32
      %dma_wait3A_381 = tpu.memref_slice %arg12[%add3A_286, %dma_wait3A] : memref<10240x128xf32, #tpu.memory_space<vmem_shared>> -> memref<40x128xf32, #tpu.memory_space<vmem_shared>>
      %dma_wait3A_382 = arith.constant 0 : i32
      %dma_wait3A_383 = tpu.memref_slice %arg12[%add3A_286, %dma_wait3A_382] : memref<10240x128xf32, #tpu.memory_space<vmem_shared>> -> memref<40x128xf32, #tpu.memory_space<vmem_shared>>
      tpu.wait_dma2 semaphore(%run_scoped3A_376 : memref<!tpu.dma_semaphore, #tpu.memory_space<semaphore_mem>>) src(%arg11 : memref<40x128xf32, #tpu.memory_space<vmem>>) dst(%dma_wait3A_383 : memref<40x128xf32, #tpu.memory_space<vmem_shared>>)
      tpu.yield
    }) : () -> ()
    %mul3A_287 = arith.constant 640 : i32
    %mul3A_288 = arith.muli %arg1, %mul3A_287 : i32
    %add3A_289 = arith.constant 40 : i32
    %add3A_290 = arith.addi %mul3A_288, %add3A_289 : i32
    "tpu.region"() ({
      %run_scoped3A_376 = tpu.sem_alloc : memref<!tpu.dma_semaphore, #tpu.memory_space<semaphore_mem>>
      %dma_start3A_377 = arith.constant 0 : i32
      %dma_start3A_378 = tpu.memref_slice %arg12[%add3A_290, %dma_start3A_377] : memref<10240x128xf32, #tpu.memory_space<vmem_shared>> -> memref<40x128xf32, #tpu.memory_space<vmem_shared>>
      %dma_start3A_379 = arith.constant 0 : i32
      %dma_start3A_380 = tpu.memref_slice %arg12[%add3A_290, %dma_start3A_379] : memref<10240x128xf32, #tpu.memory_space<vmem_shared>> -> memref<40x128xf32, #tpu.memory_space<vmem_shared>>
      tpu.enqueue_dma source(%arg11 : memref<40x128xf32, #tpu.memory_space<vmem>>) target(%dma_start3A_380 : memref<40x128xf32, #tpu.memory_space<vmem_shared>>) target_semaphore(%run_scoped3A_376 : memref<!tpu.dma_semaphore, #tpu.memory_space<semaphore_mem>>)
      %dma_wait3A = arith.constant 0 : i32
      %dma_wait3A_381 = tpu.memref_slice %arg12[%add3A_290, %dma_wait3A] : memref<10240x128xf32, #tpu.memory_space<vmem_shared>> -> memref<40x128xf32, #tpu.memory_space<vmem_shared>>
      %dma_wait3A_382 = arith.constant 0 : i32
      %dma_wait3A_383 = tpu.memref_slice %arg12[%add3A_290, %dma_wait3A_382] : memref<10240x128xf32, #tpu.memory_space<vmem_shared>> -> memref<40x128xf32, #tpu.memory_space<vmem_shared>>
      tpu.wait_dma2 semaphore(%run_scoped3A_376 : memref<!tpu.dma_semaphore, #tpu.memory_space<semaphore_mem>>) src(%arg11 : memref<40x128xf32, #tpu.memory_space<vmem>>) dst(%dma_wait3A_383 : memref<40x128xf32, #tpu.memory_space<vmem_shared>>)
      tpu.yield
    }) : () -> ()
    %mul3A_291 = arith.constant 640 : i32
    %mul3A_292 = arith.muli %arg1, %mul3A_291 : i32
    %add3A_293 = arith.constant 80 : i32
    %add3A_294 = arith.addi %mul3A_292, %add3A_293 : i32
    "tpu.region"() ({
      %run_scoped3A_376 = tpu.sem_alloc : memref<!tpu.dma_semaphore, #tpu.memory_space<semaphore_mem>>
      %dma_start3A_377 = arith.constant 0 : i32
      %dma_start3A_378 = tpu.memref_slice %arg12[%add3A_294, %dma_start3A_377] : memref<10240x128xf32, #tpu.memory_space<vmem_shared>> -> memref<40x128xf32, #tpu.memory_space<vmem_shared>>
      %dma_start3A_379 = arith.constant 0 : i32
      %dma_start3A_380 = tpu.memref_slice %arg12[%add3A_294, %dma_start3A_379] : memref<10240x128xf32, #tpu.memory_space<vmem_shared>> -> memref<40x128xf32, #tpu.memory_space<vmem_shared>>
      tpu.enqueue_dma source(%arg11 : memref<40x128xf32, #tpu.memory_space<vmem>>) target(%dma_start3A_380 : memref<40x128xf32, #tpu.memory_space<vmem_shared>>) target_semaphore(%run_scoped3A_376 : memref<!tpu.dma_semaphore, #tpu.memory_space<semaphore_mem>>)
      %dma_wait3A = arith.constant 0 : i32
      %dma_wait3A_381 = tpu.memref_slice %arg12[%add3A_294, %dma_wait3A] : memref<10240x128xf32, #tpu.memory_space<vmem_shared>> -> memref<40x128xf32, #tpu.memory_space<vmem_shared>>
      %dma_wait3A_382 = arith.constant 0 : i32
      %dma_wait3A_383 = tpu.memref_slice %arg12[%add3A_294, %dma_wait3A_382] : memref<10240x128xf32, #tpu.memory_space<vmem_shared>> -> memref<40x128xf32, #tpu.memory_space<vmem_shared>>
      tpu.wait_dma2 semaphore(%run_scoped3A_376 : memref<!tpu.dma_semaphore, #tpu.memory_space<semaphore_mem>>) src(%arg11 : memref<40x128xf32, #tpu.memory_space<vmem>>) dst(%dma_wait3A_383 : memref<40x128xf32, #tpu.memory_space<vmem_shared>>)
      tpu.yield
    }) : () -> ()
    %mul3A_295 = arith.constant 640 : i32
    %mul3A_296 = arith.muli %arg1, %mul3A_295 : i32
    %add3A_297 = arith.constant 120 : i32
    %add3A_298 = arith.addi %mul3A_296, %add3A_297 : i32
    "tpu.region"() ({
      %run_scoped3A_376 = tpu.sem_alloc : memref<!tpu.dma_semaphore, #tpu.memory_space<semaphore_mem>>
      %dma_start3A_377 = arith.constant 0 : i32
      %dma_start3A_378 = tpu.memref_slice %arg12[%add3A_298, %dma_start3A_377] : memref<10240x128xf32, #tpu.memory_space<vmem_shared>> -> memref<40x128xf32, #tpu.memory_space<vmem_shared>>
      %dma_start3A_379 = arith.constant 0 : i32
      %dma_start3A_380 = tpu.memref_slice %arg12[%add3A_298, %dma_start3A_379] : memref<10240x128xf32, #tpu.memory_space<vmem_shared>> -> memref<40x128xf32, #tpu.memory_space<vmem_shared>>
      tpu.enqueue_dma source(%arg11 : memref<40x128xf32, #tpu.memory_space<vmem>>) target(%dma_start3A_380 : memref<40x128xf32, #tpu.memory_space<vmem_shared>>) target_semaphore(%run_scoped3A_376 : memref<!tpu.dma_semaphore, #tpu.memory_space<semaphore_mem>>)
      %dma_wait3A = arith.constant 0 : i32
      %dma_wait3A_381 = tpu.memref_slice %arg12[%add3A_298, %dma_wait3A] : memref<10240x128xf32, #tpu.memory_space<vmem_shared>> -> memref<40x128xf32, #tpu.memory_space<vmem_shared>>
      %dma_wait3A_382 = arith.constant 0 : i32
      %dma_wait3A_383 = tpu.memref_slice %arg12[%add3A_298, %dma_wait3A_382] : memref<10240x128xf32, #tpu.memory_space<vmem_shared>> -> memref<40x128xf32, #tpu.memory_space<vmem_shared>>
      tpu.wait_dma2 semaphore(%run_scoped3A_376 : memref<!tpu.dma_semaphore, #tpu.memory_space<semaphore_mem>>) src(%arg11 : memref<40x128xf32, #tpu.memory_space<vmem>>) dst(%dma_wait3A_383 : memref<40x128xf32, #tpu.memory_space<vmem_shared>>)
      tpu.yield
    }) : () -> ()
    %mul3A_299 = arith.constant 640 : i32
    %mul3A_300 = arith.muli %arg1, %mul3A_299 : i32
    %add3A_301 = arith.constant 160 : i32
    %add3A_302 = arith.addi %mul3A_300, %add3A_301 : i32
    "tpu.region"() ({
      %run_scoped3A_376 = tpu.sem_alloc : memref<!tpu.dma_semaphore, #tpu.memory_space<semaphore_mem>>
      %dma_start3A_377 = arith.constant 0 : i32
      %dma_start3A_378 = tpu.memref_slice %arg12[%add3A_302, %dma_start3A_377] : memref<10240x128xf32, #tpu.memory_space<vmem_shared>> -> memref<40x128xf32, #tpu.memory_space<vmem_shared>>
      %dma_start3A_379 = arith.constant 0 : i32
      %dma_start3A_380 = tpu.memref_slice %arg12[%add3A_302, %dma_start3A_379] : memref<10240x128xf32, #tpu.memory_space<vmem_shared>> -> memref<40x128xf32, #tpu.memory_space<vmem_shared>>
      tpu.enqueue_dma source(%arg11 : memref<40x128xf32, #tpu.memory_space<vmem>>) target(%dma_start3A_380 : memref<40x128xf32, #tpu.memory_space<vmem_shared>>) target_semaphore(%run_scoped3A_376 : memref<!tpu.dma_semaphore, #tpu.memory_space<semaphore_mem>>)
      %dma_wait3A = arith.constant 0 : i32
      %dma_wait3A_381 = tpu.memref_slice %arg12[%add3A_302, %dma_wait3A] : memref<10240x128xf32, #tpu.memory_space<vmem_shared>> -> memref<40x128xf32, #tpu.memory_space<vmem_shared>>
      %dma_wait3A_382 = arith.constant 0 : i32
      %dma_wait3A_383 = tpu.memref_slice %arg12[%add3A_302, %dma_wait3A_382] : memref<10240x128xf32, #tpu.memory_space<vmem_shared>> -> memref<40x128xf32, #tpu.memory_space<vmem_shared>>
      tpu.wait_dma2 semaphore(%run_scoped3A_376 : memref<!tpu.dma_semaphore, #tpu.memory_space<semaphore_mem>>) src(%arg11 : memref<40x128xf32, #tpu.memory_space<vmem>>) dst(%dma_wait3A_383 : memref<40x128xf32, #tpu.memory_space<vmem_shared>>)
      tpu.yield
    }) : () -> ()
    %mul3A_303 = arith.constant 640 : i32
    %mul3A_304 = arith.muli %arg1, %mul3A_303 : i32
    %add3A_305 = arith.constant 200 : i32
    %add3A_306 = arith.addi %mul3A_304, %add3A_305 : i32
    "tpu.region"() ({
      %run_scoped3A_376 = tpu.sem_alloc : memref<!tpu.dma_semaphore, #tpu.memory_space<semaphore_mem>>
      %dma_start3A_377 = arith.constant 0 : i32
      %dma_start3A_378 = tpu.memref_slice %arg12[%add3A_306, %dma_start3A_377] : memref<10240x128xf32, #tpu.memory_space<vmem_shared>> -> memref<40x128xf32, #tpu.memory_space<vmem_shared>>
      %dma_start3A_379 = arith.constant 0 : i32
      %dma_start3A_380 = tpu.memref_slice %arg12[%add3A_306, %dma_start3A_379] : memref<10240x128xf32, #tpu.memory_space<vmem_shared>> -> memref<40x128xf32, #tpu.memory_space<vmem_shared>>
      tpu.enqueue_dma source(%arg11 : memref<40x128xf32, #tpu.memory_space<vmem>>) target(%dma_start3A_380 : memref<40x128xf32, #tpu.memory_space<vmem_shared>>) target_semaphore(%run_scoped3A_376 : memref<!tpu.dma_semaphore, #tpu.memory_space<semaphore_mem>>)
      %dma_wait3A = arith.constant 0 : i32
      %dma_wait3A_381 = tpu.memref_slice %arg12[%add3A_306, %dma_wait3A] : memref<10240x128xf32, #tpu.memory_space<vmem_shared>> -> memref<40x128xf32, #tpu.memory_space<vmem_shared>>
      %dma_wait3A_382 = arith.constant 0 : i32
      %dma_wait3A_383 = tpu.memref_slice %arg12[%add3A_306, %dma_wait3A_382] : memref<10240x128xf32, #tpu.memory_space<vmem_shared>> -> memref<40x128xf32, #tpu.memory_space<vmem_shared>>
      tpu.wait_dma2 semaphore(%run_scoped3A_376 : memref<!tpu.dma_semaphore, #tpu.memory_space<semaphore_mem>>) src(%arg11 : memref<40x128xf32, #tpu.memory_space<vmem>>) dst(%dma_wait3A_383 : memref<40x128xf32, #tpu.memory_space<vmem_shared>>)
      tpu.yield
    }) : () -> ()
    %mul3A_307 = arith.constant 640 : i32
    %mul3A_308 = arith.muli %arg1, %mul3A_307 : i32
    %add3A_309 = arith.constant 240 : i32
    %add3A_310 = arith.addi %mul3A_308, %add3A_309 : i32
    "tpu.region"() ({
      %run_scoped3A_376 = tpu.sem_alloc : memref<!tpu.dma_semaphore, #tpu.memory_space<semaphore_mem>>
      %dma_start3A_377 = arith.constant 0 : i32
      %dma_start3A_378 = tpu.memref_slice %arg12[%add3A_310, %dma_start3A_377] : memref<10240x128xf32, #tpu.memory_space<vmem_shared>> -> memref<40x128xf32, #tpu.memory_space<vmem_shared>>
      %dma_start3A_379 = arith.constant 0 : i32
      %dma_start3A_380 = tpu.memref_slice %arg12[%add3A_310, %dma_start3A_379] : memref<10240x128xf32, #tpu.memory_space<vmem_shared>> -> memref<40x128xf32, #tpu.memory_space<vmem_shared>>
      tpu.enqueue_dma source(%arg11 : memref<40x128xf32, #tpu.memory_space<vmem>>) target(%dma_start3A_380 : memref<40x128xf32, #tpu.memory_space<vmem_shared>>) target_semaphore(%run_scoped3A_376 : memref<!tpu.dma_semaphore, #tpu.memory_space<semaphore_mem>>)
      %dma_wait3A = arith.constant 0 : i32
      %dma_wait3A_381 = tpu.memref_slice %arg12[%add3A_310, %dma_wait3A] : memref<10240x128xf32, #tpu.memory_space<vmem_shared>> -> memref<40x128xf32, #tpu.memory_space<vmem_shared>>
      %dma_wait3A_382 = arith.constant 0 : i32
      %dma_wait3A_383 = tpu.memref_slice %arg12[%add3A_310, %dma_wait3A_382] : memref<10240x128xf32, #tpu.memory_space<vmem_shared>> -> memref<40x128xf32, #tpu.memory_space<vmem_shared>>
      tpu.wait_dma2 semaphore(%run_scoped3A_376 : memref<!tpu.dma_semaphore, #tpu.memory_space<semaphore_mem>>) src(%arg11 : memref<40x128xf32, #tpu.memory_space<vmem>>) dst(%dma_wait3A_383 : memref<40x128xf32, #tpu.memory_space<vmem_shared>>)
      tpu.yield
    }) : () -> ()
    %mul3A_311 = arith.constant 640 : i32
    %mul3A_312 = arith.muli %arg1, %mul3A_311 : i32
    %add3A_313 = arith.constant 280 : i32
    %add3A_314 = arith.addi %mul3A_312, %add3A_313 : i32
    "tpu.region"() ({
      %run_scoped3A_376 = tpu.sem_alloc : memref<!tpu.dma_semaphore, #tpu.memory_space<semaphore_mem>>
      %dma_start3A_377 = arith.constant 0 : i32
      %dma_start3A_378 = tpu.memref_slice %arg12[%add3A_314, %dma_start3A_377] : memref<10240x128xf32, #tpu.memory_space<vmem_shared>> -> memref<40x128xf32, #tpu.memory_space<vmem_shared>>
      %dma_start3A_379 = arith.constant 0 : i32
      %dma_start3A_380 = tpu.memref_slice %arg12[%add3A_314, %dma_start3A_379] : memref<10240x128xf32, #tpu.memory_space<vmem_shared>> -> memref<40x128xf32, #tpu.memory_space<vmem_shared>>
      tpu.enqueue_dma source(%arg11 : memref<40x128xf32, #tpu.memory_space<vmem>>) target(%dma_start3A_380 : memref<40x128xf32, #tpu.memory_space<vmem_shared>>) target_semaphore(%run_scoped3A_376 : memref<!tpu.dma_semaphore, #tpu.memory_space<semaphore_mem>>)
      %dma_wait3A = arith.constant 0 : i32
      %dma_wait3A_381 = tpu.memref_slice %arg12[%add3A_314, %dma_wait3A] : memref<10240x128xf32, #tpu.memory_space<vmem_shared>> -> memref<40x128xf32, #tpu.memory_space<vmem_shared>>
      %dma_wait3A_382 = arith.constant 0 : i32
      %dma_wait3A_383 = tpu.memref_slice %arg12[%add3A_314, %dma_wait3A_382] : memref<10240x128xf32, #tpu.memory_space<vmem_shared>> -> memref<40x128xf32, #tpu.memory_space<vmem_shared>>
      tpu.wait_dma2 semaphore(%run_scoped3A_376 : memref<!tpu.dma_semaphore, #tpu.memory_space<semaphore_mem>>) src(%arg11 : memref<40x128xf32, #tpu.memory_space<vmem>>) dst(%dma_wait3A_383 : memref<40x128xf32, #tpu.memory_space<vmem_shared>>)
      tpu.yield
    }) : () -> ()
    %mul3A_315 = arith.constant 640 : i32
    %mul3A_316 = arith.muli %arg1, %mul3A_315 : i32
    %add3A_317 = arith.constant 320 : i32
    %add3A_318 = arith.addi %mul3A_316, %add3A_317 : i32
    "tpu.region"() ({
      %run_scoped3A_376 = tpu.sem_alloc : memref<!tpu.dma_semaphore, #tpu.memory_space<semaphore_mem>>
      %dma_start3A_377 = arith.constant 0 : i32
      %dma_start3A_378 = tpu.memref_slice %arg12[%add3A_318, %dma_start3A_377] : memref<10240x128xf32, #tpu.memory_space<vmem_shared>> -> memref<40x128xf32, #tpu.memory_space<vmem_shared>>
      %dma_start3A_379 = arith.constant 0 : i32
      %dma_start3A_380 = tpu.memref_slice %arg12[%add3A_318, %dma_start3A_379] : memref<10240x128xf32, #tpu.memory_space<vmem_shared>> -> memref<40x128xf32, #tpu.memory_space<vmem_shared>>
      tpu.enqueue_dma source(%arg11 : memref<40x128xf32, #tpu.memory_space<vmem>>) target(%dma_start3A_380 : memref<40x128xf32, #tpu.memory_space<vmem_shared>>) target_semaphore(%run_scoped3A_376 : memref<!tpu.dma_semaphore, #tpu.memory_space<semaphore_mem>>)
      %dma_wait3A = arith.constant 0 : i32
      %dma_wait3A_381 = tpu.memref_slice %arg12[%add3A_318, %dma_wait3A] : memref<10240x128xf32, #tpu.memory_space<vmem_shared>> -> memref<40x128xf32, #tpu.memory_space<vmem_shared>>
      %dma_wait3A_382 = arith.constant 0 : i32
      %dma_wait3A_383 = tpu.memref_slice %arg12[%add3A_318, %dma_wait3A_382] : memref<10240x128xf32, #tpu.memory_space<vmem_shared>> -> memref<40x128xf32, #tpu.memory_space<vmem_shared>>
      tpu.wait_dma2 semaphore(%run_scoped3A_376 : memref<!tpu.dma_semaphore, #tpu.memory_space<semaphore_mem>>) src(%arg11 : memref<40x128xf32, #tpu.memory_space<vmem>>) dst(%dma_wait3A_383 : memref<40x128xf32, #tpu.memory_space<vmem_shared>>)
      tpu.yield
    }) : () -> ()
    %mul3A_319 = arith.constant 640 : i32
    %mul3A_320 = arith.muli %arg1, %mul3A_319 : i32
    %add3A_321 = arith.constant 360 : i32
    %add3A_322 = arith.addi %mul3A_320, %add3A_321 : i32
    "tpu.region"() ({
      %run_scoped3A_376 = tpu.sem_alloc : memref<!tpu.dma_semaphore, #tpu.memory_space<semaphore_mem>>
      %dma_start3A_377 = arith.constant 0 : i32
      %dma_start3A_378 = tpu.memref_slice %arg12[%add3A_322, %dma_start3A_377] : memref<10240x128xf32, #tpu.memory_space<vmem_shared>> -> memref<40x128xf32, #tpu.memory_space<vmem_shared>>
      %dma_start3A_379 = arith.constant 0 : i32
      %dma_start3A_380 = tpu.memref_slice %arg12[%add3A_322, %dma_start3A_379] : memref<10240x128xf32, #tpu.memory_space<vmem_shared>> -> memref<40x128xf32, #tpu.memory_space<vmem_shared>>
      tpu.enqueue_dma source(%arg11 : memref<40x128xf32, #tpu.memory_space<vmem>>) target(%dma_start3A_380 : memref<40x128xf32, #tpu.memory_space<vmem_shared>>) target_semaphore(%run_scoped3A_376 : memref<!tpu.dma_semaphore, #tpu.memory_space<semaphore_mem>>)
      %dma_wait3A = arith.constant 0 : i32
      %dma_wait3A_381 = tpu.memref_slice %arg12[%add3A_322, %dma_wait3A] : memref<10240x128xf32, #tpu.memory_space<vmem_shared>> -> memref<40x128xf32, #tpu.memory_space<vmem_shared>>
      %dma_wait3A_382 = arith.constant 0 : i32
      %dma_wait3A_383 = tpu.memref_slice %arg12[%add3A_322, %dma_wait3A_382] : memref<10240x128xf32, #tpu.memory_space<vmem_shared>> -> memref<40x128xf32, #tpu.memory_space<vmem_shared>>
      tpu.wait_dma2 semaphore(%run_scoped3A_376 : memref<!tpu.dma_semaphore, #tpu.memory_space<semaphore_mem>>) src(%arg11 : memref<40x128xf32, #tpu.memory_space<vmem>>) dst(%dma_wait3A_383 : memref<40x128xf32, #tpu.memory_space<vmem_shared>>)
      tpu.yield
    }) : () -> ()
    %mul3A_323 = arith.constant 640 : i32
    %mul3A_324 = arith.muli %arg1, %mul3A_323 : i32
    %add3A_325 = arith.constant 400 : i32
    %add3A_326 = arith.addi %mul3A_324, %add3A_325 : i32
    "tpu.region"() ({
      %run_scoped3A_376 = tpu.sem_alloc : memref<!tpu.dma_semaphore, #tpu.memory_space<semaphore_mem>>
      %dma_start3A_377 = arith.constant 0 : i32
      %dma_start3A_378 = tpu.memref_slice %arg12[%add3A_326, %dma_start3A_377] : memref<10240x128xf32, #tpu.memory_space<vmem_shared>> -> memref<40x128xf32, #tpu.memory_space<vmem_shared>>
      %dma_start3A_379 = arith.constant 0 : i32
      %dma_start3A_380 = tpu.memref_slice %arg12[%add3A_326, %dma_start3A_379] : memref<10240x128xf32, #tpu.memory_space<vmem_shared>> -> memref<40x128xf32, #tpu.memory_space<vmem_shared>>
      tpu.enqueue_dma source(%arg11 : memref<40x128xf32, #tpu.memory_space<vmem>>) target(%dma_start3A_380 : memref<40x128xf32, #tpu.memory_space<vmem_shared>>) target_semaphore(%run_scoped3A_376 : memref<!tpu.dma_semaphore, #tpu.memory_space<semaphore_mem>>)
      %dma_wait3A = arith.constant 0 : i32
      %dma_wait3A_381 = tpu.memref_slice %arg12[%add3A_326, %dma_wait3A] : memref<10240x128xf32, #tpu.memory_space<vmem_shared>> -> memref<40x128xf32, #tpu.memory_space<vmem_shared>>
      %dma_wait3A_382 = arith.constant 0 : i32
      %dma_wait3A_383 = tpu.memref_slice %arg12[%add3A_326, %dma_wait3A_382] : memref<10240x128xf32, #tpu.memory_space<vmem_shared>> -> memref<40x128xf32, #tpu.memory_space<vmem_shared>>
      tpu.wait_dma2 semaphore(%run_scoped3A_376 : memref<!tpu.dma_semaphore, #tpu.memory_space<semaphore_mem>>) src(%arg11 : memref<40x128xf32, #tpu.memory_space<vmem>>) dst(%dma_wait3A_383 : memref<40x128xf32, #tpu.memory_space<vmem_shared>>)
      tpu.yield
    }) : () -> ()
    %mul3A_327 = arith.constant 640 : i32
    %mul3A_328 = arith.muli %arg1, %mul3A_327 : i32
    %add3A_329 = arith.constant 440 : i32
    %add3A_330 = arith.addi %mul3A_328, %add3A_329 : i32
    "tpu.region"() ({
      %run_scoped3A_376 = tpu.sem_alloc : memref<!tpu.dma_semaphore, #tpu.memory_space<semaphore_mem>>
      %dma_start3A_377 = arith.constant 0 : i32
      %dma_start3A_378 = tpu.memref_slice %arg12[%add3A_330, %dma_start3A_377] : memref<10240x128xf32, #tpu.memory_space<vmem_shared>> -> memref<40x128xf32, #tpu.memory_space<vmem_shared>>
      %dma_start3A_379 = arith.constant 0 : i32
      %dma_start3A_380 = tpu.memref_slice %arg12[%add3A_330, %dma_start3A_379] : memref<10240x128xf32, #tpu.memory_space<vmem_shared>> -> memref<40x128xf32, #tpu.memory_space<vmem_shared>>
      tpu.enqueue_dma source(%arg11 : memref<40x128xf32, #tpu.memory_space<vmem>>) target(%dma_start3A_380 : memref<40x128xf32, #tpu.memory_space<vmem_shared>>) target_semaphore(%run_scoped3A_376 : memref<!tpu.dma_semaphore, #tpu.memory_space<semaphore_mem>>)
      %dma_wait3A = arith.constant 0 : i32
      %dma_wait3A_381 = tpu.memref_slice %arg12[%add3A_330, %dma_wait3A] : memref<10240x128xf32, #tpu.memory_space<vmem_shared>> -> memref<40x128xf32, #tpu.memory_space<vmem_shared>>
      %dma_wait3A_382 = arith.constant 0 : i32
      %dma_wait3A_383 = tpu.memref_slice %arg12[%add3A_330, %dma_wait3A_382] : memref<10240x128xf32, #tpu.memory_space<vmem_shared>> -> memref<40x128xf32, #tpu.memory_space<vmem_shared>>
      tpu.wait_dma2 semaphore(%run_scoped3A_376 : memref<!tpu.dma_semaphore, #tpu.memory_space<semaphore_mem>>) src(%arg11 : memref<40x128xf32, #tpu.memory_space<vmem>>) dst(%dma_wait3A_383 : memref<40x128xf32, #tpu.memory_space<vmem_shared>>)
      tpu.yield
    }) : () -> ()
    %mul3A_331 = arith.constant 640 : i32
    %mul3A_332 = arith.muli %arg1, %mul3A_331 : i32
    %add3A_333 = arith.constant 480 : i32
    %add3A_334 = arith.addi %mul3A_332, %add3A_333 : i32
    "tpu.region"() ({
      %run_scoped3A_376 = tpu.sem_alloc : memref<!tpu.dma_semaphore, #tpu.memory_space<semaphore_mem>>
      %dma_start3A_377 = arith.constant 0 : i32
      %dma_start3A_378 = tpu.memref_slice %arg12[%add3A_334, %dma_start3A_377] : memref<10240x128xf32, #tpu.memory_space<vmem_shared>> -> memref<40x128xf32, #tpu.memory_space<vmem_shared>>
      %dma_start3A_379 = arith.constant 0 : i32
      %dma_start3A_380 = tpu.memref_slice %arg12[%add3A_334, %dma_start3A_379] : memref<10240x128xf32, #tpu.memory_space<vmem_shared>> -> memref<40x128xf32, #tpu.memory_space<vmem_shared>>
      tpu.enqueue_dma source(%arg11 : memref<40x128xf32, #tpu.memory_space<vmem>>) target(%dma_start3A_380 : memref<40x128xf32, #tpu.memory_space<vmem_shared>>) target_semaphore(%run_scoped3A_376 : memref<!tpu.dma_semaphore, #tpu.memory_space<semaphore_mem>>)
      %dma_wait3A = arith.constant 0 : i32
      %dma_wait3A_381 = tpu.memref_slice %arg12[%add3A_334, %dma_wait3A] : memref<10240x128xf32, #tpu.memory_space<vmem_shared>> -> memref<40x128xf32, #tpu.memory_space<vmem_shared>>
      %dma_wait3A_382 = arith.constant 0 : i32
      %dma_wait3A_383 = tpu.memref_slice %arg12[%add3A_334, %dma_wait3A_382] : memref<10240x128xf32, #tpu.memory_space<vmem_shared>> -> memref<40x128xf32, #tpu.memory_space<vmem_shared>>
      tpu.wait_dma2 semaphore(%run_scoped3A_376 : memref<!tpu.dma_semaphore, #tpu.memory_space<semaphore_mem>>) src(%arg11 : memref<40x128xf32, #tpu.memory_space<vmem>>) dst(%dma_wait3A_383 : memref<40x128xf32, #tpu.memory_space<vmem_shared>>)
      tpu.yield
    }) : () -> ()
    %mul3A_335 = arith.constant 640 : i32
    %mul3A_336 = arith.muli %arg1, %mul3A_335 : i32
    %add3A_337 = arith.constant 520 : i32
    %add3A_338 = arith.addi %mul3A_336, %add3A_337 : i32
    "tpu.region"() ({
      %run_scoped3A_376 = tpu.sem_alloc : memref<!tpu.dma_semaphore, #tpu.memory_space<semaphore_mem>>
      %dma_start3A_377 = arith.constant 0 : i32
      %dma_start3A_378 = tpu.memref_slice %arg12[%add3A_338, %dma_start3A_377] : memref<10240x128xf32, #tpu.memory_space<vmem_shared>> -> memref<40x128xf32, #tpu.memory_space<vmem_shared>>
      %dma_start3A_379 = arith.constant 0 : i32
      %dma_start3A_380 = tpu.memref_slice %arg12[%add3A_338, %dma_start3A_379] : memref<10240x128xf32, #tpu.memory_space<vmem_shared>> -> memref<40x128xf32, #tpu.memory_space<vmem_shared>>
      tpu.enqueue_dma source(%arg11 : memref<40x128xf32, #tpu.memory_space<vmem>>) target(%dma_start3A_380 : memref<40x128xf32, #tpu.memory_space<vmem_shared>>) target_semaphore(%run_scoped3A_376 : memref<!tpu.dma_semaphore, #tpu.memory_space<semaphore_mem>>)
      %dma_wait3A = arith.constant 0 : i32
      %dma_wait3A_381 = tpu.memref_slice %arg12[%add3A_338, %dma_wait3A] : memref<10240x128xf32, #tpu.memory_space<vmem_shared>> -> memref<40x128xf32, #tpu.memory_space<vmem_shared>>
      %dma_wait3A_382 = arith.constant 0 : i32
      %dma_wait3A_383 = tpu.memref_slice %arg12[%add3A_338, %dma_wait3A_382] : memref<10240x128xf32, #tpu.memory_space<vmem_shared>> -> memref<40x128xf32, #tpu.memory_space<vmem_shared>>
      tpu.wait_dma2 semaphore(%run_scoped3A_376 : memref<!tpu.dma_semaphore, #tpu.memory_space<semaphore_mem>>) src(%arg11 : memref<40x128xf32, #tpu.memory_space<vmem>>) dst(%dma_wait3A_383 : memref<40x128xf32, #tpu.memory_space<vmem_shared>>)
      tpu.yield
    }) : () -> ()
    %mul3A_339 = arith.constant 640 : i32
    %mul3A_340 = arith.muli %arg1, %mul3A_339 : i32
    %add3A_341 = arith.constant 560 : i32
    %add3A_342 = arith.addi %mul3A_340, %add3A_341 : i32
    "tpu.region"() ({
      %run_scoped3A_376 = tpu.sem_alloc : memref<!tpu.dma_semaphore, #tpu.memory_space<semaphore_mem>>
      %dma_start3A_377 = arith.constant 0 : i32
      %dma_start3A_378 = tpu.memref_slice %arg12[%add3A_342, %dma_start3A_377] : memref<10240x128xf32, #tpu.memory_space<vmem_shared>> -> memref<40x128xf32, #tpu.memory_space<vmem_shared>>
      %dma_start3A_379 = arith.constant 0 : i32
      %dma_start3A_380 = tpu.memref_slice %arg12[%add3A_342, %dma_start3A_379] : memref<10240x128xf32, #tpu.memory_space<vmem_shared>> -> memref<40x128xf32, #tpu.memory_space<vmem_shared>>
      tpu.enqueue_dma source(%arg11 : memref<40x128xf32, #tpu.memory_space<vmem>>) target(%dma_start3A_380 : memref<40x128xf32, #tpu.memory_space<vmem_shared>>) target_semaphore(%run_scoped3A_376 : memref<!tpu.dma_semaphore, #tpu.memory_space<semaphore_mem>>)
      %dma_wait3A = arith.constant 0 : i32
      %dma_wait3A_381 = tpu.memref_slice %arg12[%add3A_342, %dma_wait3A] : memref<10240x128xf32, #tpu.memory_space<vmem_shared>> -> memref<40x128xf32, #tpu.memory_space<vmem_shared>>
      %dma_wait3A_382 = arith.constant 0 : i32
      %dma_wait3A_383 = tpu.memref_slice %arg12[%add3A_342, %dma_wait3A_382] : memref<10240x128xf32, #tpu.memory_space<vmem_shared>> -> memref<40x128xf32, #tpu.memory_space<vmem_shared>>
      tpu.wait_dma2 semaphore(%run_scoped3A_376 : memref<!tpu.dma_semaphore, #tpu.memory_space<semaphore_mem>>) src(%arg11 : memref<40x128xf32, #tpu.memory_space<vmem>>) dst(%dma_wait3A_383 : memref<40x128xf32, #tpu.memory_space<vmem_shared>>)
      tpu.yield
    }) : () -> ()
    %mul3A_343 = arith.constant 640 : i32
    %mul3A_344 = arith.muli %arg1, %mul3A_343 : i32
    %add3A_345 = arith.constant 600 : i32
    %add3A_346 = arith.addi %mul3A_344, %add3A_345 : i32
    "tpu.region"() ({
      %run_scoped3A_376 = tpu.sem_alloc : memref<!tpu.dma_semaphore, #tpu.memory_space<semaphore_mem>>
      %dma_start3A_377 = arith.constant 0 : i32
      %dma_start3A_378 = tpu.memref_slice %arg12[%add3A_346, %dma_start3A_377] : memref<10240x128xf32, #tpu.memory_space<vmem_shared>> -> memref<40x128xf32, #tpu.memory_space<vmem_shared>>
      %dma_start3A_379 = arith.constant 0 : i32
      %dma_start3A_380 = tpu.memref_slice %arg12[%add3A_346, %dma_start3A_379] : memref<10240x128xf32, #tpu.memory_space<vmem_shared>> -> memref<40x128xf32, #tpu.memory_space<vmem_shared>>
      tpu.enqueue_dma source(%arg11 : memref<40x128xf32, #tpu.memory_space<vmem>>) target(%dma_start3A_380 : memref<40x128xf32, #tpu.memory_space<vmem_shared>>) target_semaphore(%run_scoped3A_376 : memref<!tpu.dma_semaphore, #tpu.memory_space<semaphore_mem>>)
      %dma_wait3A = arith.constant 0 : i32
      %dma_wait3A_381 = tpu.memref_slice %arg12[%add3A_346, %dma_wait3A] : memref<10240x128xf32, #tpu.memory_space<vmem_shared>> -> memref<40x128xf32, #tpu.memory_space<vmem_shared>>
      %dma_wait3A_382 = arith.constant 0 : i32
      %dma_wait3A_383 = tpu.memref_slice %arg12[%add3A_346, %dma_wait3A_382] : memref<10240x128xf32, #tpu.memory_space<vmem_shared>> -> memref<40x128xf32, #tpu.memory_space<vmem_shared>>
      tpu.wait_dma2 semaphore(%run_scoped3A_376 : memref<!tpu.dma_semaphore, #tpu.memory_space<semaphore_mem>>) src(%arg11 : memref<40x128xf32, #tpu.memory_space<vmem>>) dst(%dma_wait3A_383 : memref<40x128xf32, #tpu.memory_space<vmem_shared>>)
      tpu.yield
    }) : () -> ()
    %barrier3A_347 = arith.constant 0 : index
    tpu.barrier barrier_id(%barrier3A_347)
    %mul3A_348 = arith.constant 125 : i32
    %mul3A_349 = arith.muli %add3A, %mul3A_348 : i32
    %mul3A_350 = arith.constant 80 : i32
    %mul3A_351 = arith.muli %mul3A_349, %mul3A_350 : i32
    %add3A_352 = arith.constant 0 : i32
    %add3A_353 = arith.addi %mul3A_351, %add3A_352 : i32
    %dma_start3A_354 = arith.constant 0 : i32
    %dma_start3A_355 = tpu.memref_slice %arg5[%add3A_353, %dma_start3A_354] : memref<320000x128xf32, #tpu.memory_space<hbm>> -> memref<80x128xf32, #tpu.memory_space<hbm>>
    %dma_start3A_356 = arith.constant 0 : i32
    %dma_start3A_357 = tpu.memref_slice %arg5[%add3A_353, %dma_start3A_356] : memref<320000x128xf32, #tpu.memory_space<hbm>> -> memref<80x128xf32, #tpu.memory_space<hbm>>
    tpu.enqueue_dma source(%dma_start3A_357 : memref<80x128xf32, #tpu.memory_space<hbm>>) target(%arg9 : memref<80x128xf32, #tpu.memory_space<vmem>>) target_semaphore(%arg13 : memref<!tpu.dma_semaphore, #tpu.memory_space<semaphore_mem>>)
    %add3A_358 = arith.constant 80 : i32
    %add3A_359 = arith.addi %mul3A_351, %add3A_358 : i32
    %dma_start3A_360 = arith.constant 0 : i32
    %dma_start3A_361 = tpu.memref_slice %arg5[%add3A_359, %dma_start3A_360] : memref<320000x128xf32, #tpu.memory_space<hbm>> -> memref<80x128xf32, #tpu.memory_space<hbm>>
    %dma_start3A_362 = arith.constant 0 : i32
    %dma_start3A_363 = tpu.memref_slice %arg5[%add3A_359, %dma_start3A_362] : memref<320000x128xf32, #tpu.memory_space<hbm>> -> memref<80x128xf32, #tpu.memory_space<hbm>>
    tpu.enqueue_dma source(%dma_start3A_363 : memref<80x128xf32, #tpu.memory_space<hbm>>) target(%arg10 : memref<80x128xf32, #tpu.memory_space<vmem>>) target_semaphore(%arg14 : memref<!tpu.dma_semaphore, #tpu.memory_space<semaphore_mem>>)
    %scan3A_364 = arith.constant 0 : i32
    %scan3A_365 = arith.constant 63 : i32
    %scan3A_366 = arith.addi %scan3A_364, %scan3A_365 : i32
    %scan3A_367 = arith.constant 1 : i32
    scf.for %scan3A_376 = %scan3A_364 to %scan3A_366 step %scan3A_367  : i32 {
      %mul3A_377 = arith.constant 1 : i32
      %mul3A_378 = arith.muli %scan3A_376, %mul3A_377 : i32
      %add3A_379 = arith.constant 0 : i32
      %add3A_380 = arith.addi %add3A_379, %mul3A_378 : i32
      %mul3A_381 = arith.constant 2 : i32
      %mul3A_382 = arith.muli %add3A_380, %mul3A_381 : i32
      %add3A_383 = arith.constant 0 : i32
      %add3A_384 = arith.addi %mul3A_382, %add3A_383 : i32
      %lt3A = arith.constant 125 : i32
      %lt3A_385 = arith.cmpi slt, %add3A_384, %lt3A : i32
      %convert_element_type3A = arith.extui %lt3A_385 : i1 to i32
      %cond3A = arith.constant 0 : i32
      %cond3A_386 = arith.cmpi ne, %convert_element_type3A, %cond3A : i32
      scf.if %cond3A_386 {
        %mul3A_396 = arith.constant 80 : i32
        %mul3A_397 = arith.muli %add3A_384, %mul3A_396 : i32
        %add3A_398 = arith.addi %mul3A_351, %mul3A_397 : i32
        %dma_wait3A = arith.constant 0 : i32
        %dma_wait3A_399 = tpu.memref_slice %arg5[%add3A_398, %dma_wait3A] : memref<320000x128xf32, #tpu.memory_space<hbm>> -> memref<80x128xf32, #tpu.memory_space<hbm>>
        %dma_wait3A_400 = arith.constant 0 : i32
        %dma_wait3A_401 = tpu.memref_slice %arg5[%add3A_398, %dma_wait3A_400] : memref<320000x128xf32, #tpu.memory_space<hbm>> -> memref<80x128xf32, #tpu.memory_space<hbm>>
        tpu.wait_dma2 semaphore(%arg13 : memref<!tpu.dma_semaphore, #tpu.memory_space<semaphore_mem>>) src(%dma_wait3A_401 : memref<80x128xf32, #tpu.memory_space<hbm>>) dst(%arg9 : memref<80x128xf32, #tpu.memory_space<vmem>>)
        "tpu.region"() ({
          %run_scoped3A_409 = tpu.sem_alloc : memref<!tpu.dma_semaphore, #tpu.memory_space<semaphore_mem>>
          %dma_start3A_410 = arith.constant 0 : i32
          %dma_start3A_411 = tpu.memref_slice %arg8[%add3A_384, %dma_start3A_410] : memref<125x80xi32, #tpu.memory_space<vmem>> -> memref<1x80xi32, #tpu.memory_space<vmem>>
          %dma_start3A_412 = tpu.memref_squeeze %dma_start3A_411 : memref<1x80xi32, #tpu.memory_space<vmem>> -> memref<80xi32, #tpu.memory_space<vmem>>
          %dma_start3A_413 = arith.constant 0 : i32
          %dma_start3A_414 = arith.constant 0 : i32
          %dma_start3A_415 = tpu.memref_slice %arg12[%dma_start3A_413, %dma_start3A_414] : memref<10240x128xf32, #tpu.memory_space<vmem_shared>> -> memref<10240x128xf32, #tpu.memory_space<vmem_shared>>
          tpu.enqueue_indirect_dma source(%arg9 : memref<80x128xf32, #tpu.memory_space<vmem>>) target(%dma_start3A_415 : memref<10240x128xf32, #tpu.memory_space<vmem_shared>>) offsets(%dma_start3A_412 : memref<80xi32, #tpu.memory_space<vmem>>) semaphore(%run_scoped3A_409 : memref<!tpu.dma_semaphore, #tpu.memory_space<semaphore_mem>>) {add = true}
          %dma_wait3A_416 = arith.constant 0 : i32
          %dma_wait3A_417 = tpu.memref_slice %arg8[%add3A_384, %dma_wait3A_416] : memref<125x80xi32, #tpu.memory_space<vmem>> -> memref<1x80xi32, #tpu.memory_space<vmem>>
          %dma_wait3A_418 = tpu.memref_squeeze %dma_wait3A_417 : memref<1x80xi32, #tpu.memory_space<vmem>> -> memref<80xi32, #tpu.memory_space<vmem>>
          %dma_wait3A_419 = arith.constant 0 : i32
          %dma_wait3A_420 = arith.constant 0 : i32
          %dma_wait3A_421 = tpu.memref_slice %arg12[%dma_wait3A_419, %dma_wait3A_420] : memref<10240x128xf32, #tpu.memory_space<vmem_shared>> -> memref<10240x128xf32, #tpu.memory_space<vmem_shared>>
          tpu.wait_indirect_dma semaphore(%run_scoped3A_409 : memref<!tpu.dma_semaphore, #tpu.memory_space<semaphore_mem>>) src(%arg9 : memref<80x128xf32, #tpu.memory_space<vmem>>) dst(%dma_wait3A_421 : memref<10240x128xf32, #tpu.memory_space<vmem_shared>>)
          tpu.yield
        }) : () -> ()
        %add3A_402 = arith.constant 2 : i32
        %add3A_403 = arith.addi %add3A_384, %add3A_402 : i32
        %lt3A_404 = arith.constant 125 : i32
        %lt3A_405 = arith.cmpi slt, %add3A_403, %lt3A_404 : i32
        %convert_element_type3A_406 = arith.extui %lt3A_405 : i1 to i32
        %cond3A_407 = arith.constant 0 : i32
        %cond3A_408 = arith.cmpi ne, %convert_element_type3A_406, %cond3A_407 : i32
        scf.if %cond3A_408 {
          %add3A_409 = arith.constant 2 : i32
          %add3A_410 = arith.addi %add3A_384, %add3A_409 : i32
          %mul3A_411 = arith.constant 80 : i32
          %mul3A_412 = arith.muli %add3A_410, %mul3A_411 : i32
          %add3A_413 = arith.addi %mul3A_351, %mul3A_412 : i32
          %dma_start3A_414 = arith.constant 0 : i32
          %dma_start3A_415 = tpu.memref_slice %arg5[%add3A_413, %dma_start3A_414] : memref<320000x128xf32, #tpu.memory_space<hbm>> -> memref<80x128xf32, #tpu.memory_space<hbm>>
          %dma_start3A_416 = arith.constant 0 : i32
          %dma_start3A_417 = tpu.memref_slice %arg5[%add3A_413, %dma_start3A_416] : memref<320000x128xf32, #tpu.memory_space<hbm>> -> memref<80x128xf32, #tpu.memory_space<hbm>>
          tpu.enqueue_dma source(%dma_start3A_417 : memref<80x128xf32, #tpu.memory_space<hbm>>) target(%arg9 : memref<80x128xf32, #tpu.memory_space<vmem>>) target_semaphore(%arg13 : memref<!tpu.dma_semaphore, #tpu.memory_space<semaphore_mem>>)
        } else {
        }
      } else {
      }
      %mul3A_387 = arith.constant 2 : i32
      %mul3A_388 = arith.muli %add3A_380, %mul3A_387 : i32
      %add3A_389 = arith.constant 1 : i32
      %add3A_390 = arith.addi %mul3A_388, %add3A_389 : i32
      %lt3A_391 = arith.constant 125 : i32
      %lt3A_392 = arith.cmpi slt, %add3A_390, %lt3A_391 : i32
      %convert_element_type3A_393 = arith.extui %lt3A_392 : i1 to i32
      %cond3A_394 = arith.constant 0 : i32
      %cond3A_395 = arith.cmpi ne, %convert_element_type3A_393, %cond3A_394 : i32
      scf.if %cond3A_395 {
        %mul3A_396 = arith.constant 80 : i32
        %mul3A_397 = arith.muli %add3A_390, %mul3A_396 : i32
        %add3A_398 = arith.addi %mul3A_351, %mul3A_397 : i32
        %dma_wait3A = arith.constant 0 : i32
        %dma_wait3A_399 = tpu.memref_slice %arg5[%add3A_398, %dma_wait3A] : memref<320000x128xf32, #tpu.memory_space<hbm>> -> memref<80x128xf32, #tpu.memory_space<hbm>>
        %dma_wait3A_400 = arith.constant 0 : i32
        %dma_wait3A_401 = tpu.memref_slice %arg5[%add3A_398, %dma_wait3A_400] : memref<320000x128xf32, #tpu.memory_space<hbm>> -> memref<80x128xf32, #tpu.memory_space<hbm>>
        tpu.wait_dma2 semaphore(%arg14 : memref<!tpu.dma_semaphore, #tpu.memory_space<semaphore_mem>>) src(%dma_wait3A_401 : memref<80x128xf32, #tpu.memory_space<hbm>>) dst(%arg10 : memref<80x128xf32, #tpu.memory_space<vmem>>)
        "tpu.region"() ({
          %run_scoped3A_409 = tpu.sem_alloc : memref<!tpu.dma_semaphore, #tpu.memory_space<semaphore_mem>>
          %dma_start3A_410 = arith.constant 0 : i32
          %dma_start3A_411 = tpu.memref_slice %arg8[%add3A_390, %dma_start3A_410] : memref<125x80xi32, #tpu.memory_space<vmem>> -> memref<1x80xi32, #tpu.memory_space<vmem>>
          %dma_start3A_412 = tpu.memref_squeeze %dma_start3A_411 : memref<1x80xi32, #tpu.memory_space<vmem>> -> memref<80xi32, #tpu.memory_space<vmem>>
          %dma_start3A_413 = arith.constant 0 : i32
          %dma_start3A_414 = arith.constant 0 : i32
          %dma_start3A_415 = tpu.memref_slice %arg12[%dma_start3A_413, %dma_start3A_414] : memref<10240x128xf32, #tpu.memory_space<vmem_shared>> -> memref<10240x128xf32, #tpu.memory_space<vmem_shared>>
          tpu.enqueue_indirect_dma source(%arg10 : memref<80x128xf32, #tpu.memory_space<vmem>>) target(%dma_start3A_415 : memref<10240x128xf32, #tpu.memory_space<vmem_shared>>) offsets(%dma_start3A_412 : memref<80xi32, #tpu.memory_space<vmem>>) semaphore(%run_scoped3A_409 : memref<!tpu.dma_semaphore, #tpu.memory_space<semaphore_mem>>) {add = true}
          %dma_wait3A_416 = arith.constant 0 : i32
          %dma_wait3A_417 = tpu.memref_slice %arg8[%add3A_390, %dma_wait3A_416] : memref<125x80xi32, #tpu.memory_space<vmem>> -> memref<1x80xi32, #tpu.memory_space<vmem>>
          %dma_wait3A_418 = tpu.memref_squeeze %dma_wait3A_417 : memref<1x80xi32, #tpu.memory_space<vmem>> -> memref<80xi32, #tpu.memory_space<vmem>>
          %dma_wait3A_419 = arith.constant 0 : i32
          %dma_wait3A_420 = arith.constant 0 : i32
          %dma_wait3A_421 = tpu.memref_slice %arg12[%dma_wait3A_419, %dma_wait3A_420] : memref<10240x128xf32, #tpu.memory_space<vmem_shared>> -> memref<10240x128xf32, #tpu.memory_space<vmem_shared>>
          tpu.wait_indirect_dma semaphore(%run_scoped3A_409 : memref<!tpu.dma_semaphore, #tpu.memory_space<semaphore_mem>>) src(%arg10 : memref<80x128xf32, #tpu.memory_space<vmem>>) dst(%dma_wait3A_421 : memref<10240x128xf32, #tpu.memory_space<vmem_shared>>)
          tpu.yield
        }) : () -> ()
        %add3A_402 = arith.constant 2 : i32
        %add3A_403 = arith.addi %add3A_390, %add3A_402 : i32
        %lt3A_404 = arith.constant 125 : i32
        %lt3A_405 = arith.cmpi slt, %add3A_403, %lt3A_404 : i32
        %convert_element_type3A_406 = arith.extui %lt3A_405 : i1 to i32
        %cond3A_407 = arith.constant 0 : i32
        %cond3A_408 = arith.cmpi ne, %convert_element_type3A_406, %cond3A_407 : i32
        scf.if %cond3A_408 {
          %add3A_409 = arith.constant 2 : i32
          %add3A_410 = arith.addi %add3A_390, %add3A_409 : i32
          %mul3A_411 = arith.constant 80 : i32
          %mul3A_412 = arith.muli %add3A_410, %mul3A_411 : i32
          %add3A_413 = arith.addi %mul3A_351, %mul3A_412 : i32
          %dma_start3A_414 = arith.constant 0 : i32
          %dma_start3A_415 = tpu.memref_slice %arg5[%add3A_413, %dma_start3A_414] : memref<320000x128xf32, #tpu.memory_space<hbm>> -> memref<80x128xf32, #tpu.memory_space<hbm>>
          %dma_start3A_416 = arith.constant 0 : i32
          %dma_start3A_417 = tpu.memref_slice %arg5[%add3A_413, %dma_start3A_416] : memref<320000x128xf32, #tpu.memory_space<hbm>> -> memref<80x128xf32, #tpu.memory_space<hbm>>
          tpu.enqueue_dma source(%dma_start3A_417 : memref<80x128xf32, #tpu.memory_space<hbm>>) target(%arg10 : memref<80x128xf32, #tpu.memory_space<vmem>>) target_semaphore(%arg14 : memref<!tpu.dma_semaphore, #tpu.memory_space<semaphore_mem>>)
        } else {
        }
      } else {
      }
    }
    %scan3A_368 = arith.constant 63 : i32
    %barrier3A_369 = arith.constant 0 : index
    tpu.barrier barrier_id(%barrier3A_369)
    %mul3A_370 = arith.constant 640 : i32
    %mul3A_371 = arith.muli %arg1, %mul3A_370 : i32
    %mul3A_372 = arith.constant 640 : i32
    %mul3A_373 = arith.muli %arg1, %mul3A_372 : i32
    %run_scoped3A_374 = arith.constant 3 : i32
    "tpu.region"() ({
      %run_scoped3A_376 = tpu.sem_alloc : memref<!tpu.dma_semaphore, #tpu.memory_space<semaphore_mem>>
      %dma_start3A_377 = arith.constant 0 : i32
      %dma_start3A_378 = tpu.memref_slice %arg7[%arg0, %run_scoped3A_374, %mul3A_373, %dma_start3A_377] : memref<2x4x10240x128xf32, #tpu.memory_space<hbm>> -> memref<1x1x640x128xf32, #tpu.memory_space<hbm>>
      %dma_start3A_379 = tpu.memref_squeeze %dma_start3A_378 : memref<1x1x640x128xf32, #tpu.memory_space<hbm>> -> memref<640x128xf32, #tpu.memory_space<hbm>>
      %dma_start3A_380 = arith.constant 0 : i32
      %dma_start3A_381 = tpu.memref_slice %arg12[%mul3A_371, %dma_start3A_380] : memref<10240x128xf32, #tpu.memory_space<vmem_shared>> -> memref<640x128xf32, #tpu.memory_space<vmem_shared>>
      tpu.enqueue_dma source(%dma_start3A_381 : memref<640x128xf32, #tpu.memory_space<vmem_shared>>) target(%dma_start3A_379 : memref<640x128xf32, #tpu.memory_space<hbm>>) target_semaphore(%run_scoped3A_376 : memref<!tpu.dma_semaphore, #tpu.memory_space<semaphore_mem>>)
      %dma_wait3A = arith.constant 0 : i32
      %dma_wait3A_382 = tpu.memref_slice %arg7[%arg0, %run_scoped3A_374, %mul3A_373, %dma_wait3A] : memref<2x4x10240x128xf32, #tpu.memory_space<hbm>> -> memref<1x1x640x128xf32, #tpu.memory_space<hbm>>
      %dma_wait3A_383 = tpu.memref_squeeze %dma_wait3A_382 : memref<1x1x640x128xf32, #tpu.memory_space<hbm>> -> memref<640x128xf32, #tpu.memory_space<hbm>>
      %dma_wait3A_384 = arith.constant 0 : i32
      %dma_wait3A_385 = tpu.memref_slice %arg12[%mul3A_371, %dma_wait3A_384] : memref<10240x128xf32, #tpu.memory_space<vmem_shared>> -> memref<640x128xf32, #tpu.memory_space<vmem_shared>>
      tpu.wait_dma2 semaphore(%run_scoped3A_376 : memref<!tpu.dma_semaphore, #tpu.memory_space<semaphore_mem>>) src(%dma_wait3A_385 : memref<640x128xf32, #tpu.memory_space<vmem_shared>>) dst(%dma_wait3A_383 : memref<640x128xf32, #tpu.memory_space<hbm>>)
      tpu.yield
    }) : () -> ()
    %barrier3A_375 = arith.constant 0 : index
    tpu.barrier barrier_id(%barrier3A_375)
    return
  }
}

#map = affine_map<(d0, d1) -> (0)>
#map1 = affine_map<(d0, d1) -> (0, 0, 0)>
module attributes {stable_mosaic.version = 14 : i64} {
  func.func @k(%arg0: i32, %arg1: i32, %arg2: memref<10000xi32, #tpu.memory_space<hbm>>, %arg3: memref<32x125x80xi32, #tpu.memory_space<hbm>>, %arg4: memref<32x125x80xi32, #tpu.memory_space<hbm>>, %arg5: memref<10000xi32, #tpu.memory_space<vmem>>, %arg6: memref<125x80xi32, #tpu.memory_space<vmem>>, %arg7: memref<125x80xi32, #tpu.memory_space<vmem>>) attributes {dimension_semantics = [#tpu.dimension_semantics<core_parallel>, #tpu.dimension_semantics<subcore_parallel>], iteration_bounds = array<i64: 2, 16>, scalar_prefetch = 0 : i64, scratch_operands = 3 : i64, tpu.core_type = #tpu.core_type<sc_vector_subcore>, window_params = [{transform_indices = #map}, {transform_indices = #map1}, {transform_indices = #map1}]} {
    %mul3A = arith.constant 2 : i32
    %mul3A_0 = arith.muli %arg1, %mul3A : i32
    %add3A = arith.addi %mul3A_0, %arg0 : i32
    "tpu.region"() ({
      %run_scoped3A = tpu.sem_alloc : memref<!tpu.dma_semaphore, #tpu.memory_space<semaphore_mem>>
      tpu.enqueue_dma source(%arg2 : memref<10000xi32, #tpu.memory_space<hbm>>) target(%arg5 : memref<10000xi32, #tpu.memory_space<vmem>>) target_semaphore(%run_scoped3A : memref<!tpu.dma_semaphore, #tpu.memory_space<semaphore_mem>>)
      tpu.wait_dma2 semaphore(%run_scoped3A : memref<!tpu.dma_semaphore, #tpu.memory_space<semaphore_mem>>) src(%arg2 : memref<10000xi32, #tpu.memory_space<hbm>>) dst(%arg5 : memref<10000xi32, #tpu.memory_space<vmem>>)
      tpu.yield
    }) : () -> ()
    "tpu.region"() ({
      %run_scoped3A = tpu.sem_alloc : memref<!tpu.dma_semaphore, #tpu.memory_space<semaphore_mem>>
      %dma_start3A = arith.constant 0 : i32
      %dma_start3A_6 = arith.constant 0 : i32
      %dma_start3A_7 = tpu.memref_slice %arg3[%add3A, %dma_start3A, %dma_start3A_6] : memref<32x125x80xi32, #tpu.memory_space<hbm>> -> memref<1x125x80xi32, #tpu.memory_space<hbm>>
      %dma_start3A_8 = tpu.memref_squeeze %dma_start3A_7 : memref<1x125x80xi32, #tpu.memory_space<hbm>> -> memref<125x80xi32, #tpu.memory_space<hbm>>
      %dma_start3A_9 = arith.constant 0 : i32
      %dma_start3A_10 = arith.constant 0 : i32
      %dma_start3A_11 = tpu.memref_slice %arg3[%add3A, %dma_start3A_9, %dma_start3A_10] : memref<32x125x80xi32, #tpu.memory_space<hbm>> -> memref<1x125x80xi32, #tpu.memory_space<hbm>>
      %dma_start3A_12 = tpu.memref_squeeze %dma_start3A_11 : memref<1x125x80xi32, #tpu.memory_space<hbm>> -> memref<125x80xi32, #tpu.memory_space<hbm>>
      tpu.enqueue_dma source(%dma_start3A_12 : memref<125x80xi32, #tpu.memory_space<hbm>>) target(%arg6 : memref<125x80xi32, #tpu.memory_space<vmem>>) target_semaphore(%run_scoped3A : memref<!tpu.dma_semaphore, #tpu.memory_space<semaphore_mem>>)
      %dma_wait3A = arith.constant 0 : i32
      %dma_wait3A_13 = arith.constant 0 : i32
      %dma_wait3A_14 = tpu.memref_slice %arg3[%add3A, %dma_wait3A, %dma_wait3A_13] : memref<32x125x80xi32, #tpu.memory_space<hbm>> -> memref<1x125x80xi32, #tpu.memory_space<hbm>>
      %dma_wait3A_15 = tpu.memref_squeeze %dma_wait3A_14 : memref<1x125x80xi32, #tpu.memory_space<hbm>> -> memref<125x80xi32, #tpu.memory_space<hbm>>
      %dma_wait3A_16 = arith.constant 0 : i32
      %dma_wait3A_17 = arith.constant 0 : i32
      %dma_wait3A_18 = tpu.memref_slice %arg3[%add3A, %dma_wait3A_16, %dma_wait3A_17] : memref<32x125x80xi32, #tpu.memory_space<hbm>> -> memref<1x125x80xi32, #tpu.memory_space<hbm>>
      %dma_wait3A_19 = tpu.memref_squeeze %dma_wait3A_18 : memref<1x125x80xi32, #tpu.memory_space<hbm>> -> memref<125x80xi32, #tpu.memory_space<hbm>>
      tpu.wait_dma2 semaphore(%run_scoped3A : memref<!tpu.dma_semaphore, #tpu.memory_space<semaphore_mem>>) src(%dma_wait3A_19 : memref<125x80xi32, #tpu.memory_space<hbm>>) dst(%arg6 : memref<125x80xi32, #tpu.memory_space<vmem>>)
      tpu.yield
    }) : () -> ()
    %scan3A = arith.constant 0 : i32
    %scan3A_1 = arith.constant 0 : i32
    %scan3A_2 = arith.constant 125 : i32
    %scan3A_3 = arith.addi %scan3A_1, %scan3A_2 : i32
    %scan3A_4 = arith.constant 1 : i32
    scf.for %scan3A_6 = %scan3A_1 to %scan3A_3 step %scan3A_4  : i32 {
      %get3A = arith.index_cast %scan3A_6 : i32 to index
      %get3A_7 = arith.constant 0 : index
      %get3A_8 = tpu.vector_load %arg6[%get3A, %get3A_7] {strides = array<i32>} : memref<125x80xi32, #tpu.memory_space<vmem>>, vector<16xi32>,
      %gather3A = tpu.vector_load_idx %arg5[%get3A_8] : memref<10000xi32, #tpu.memory_space<vmem>>[vector<16xi32>], vector<16xi32>,
      %swap3A = arith.index_cast %scan3A_6 : i32 to index
      %swap3A_9 = arith.constant 0 : index
      %swap3A_10 = tpu.vector_load %arg7[%swap3A, %swap3A_9] {strides = array<i32>} : memref<125x80xi32, #tpu.memory_space<vmem>>, vector<16xi32>,
      tpu.vector_store %arg7[%swap3A, %swap3A_9], %gather3A {strides = array<i32>} : memref<125x80xi32, #tpu.memory_space<vmem>>, vector<16xi32>,
      %get3A_11 = arith.index_cast %scan3A_6 : i32 to index
      %get3A_12 = arith.constant 16 : index
      %get3A_13 = tpu.vector_load %arg6[%get3A_11, %get3A_12] {strides = array<i32>} : memref<125x80xi32, #tpu.memory_space<vmem>>, vector<16xi32>,
      %gather3A_14 = tpu.vector_load_idx %arg5[%get3A_13] : memref<10000xi32, #tpu.memory_space<vmem>>[vector<16xi32>], vector<16xi32>,
      %swap3A_15 = arith.index_cast %scan3A_6 : i32 to index
      %swap3A_16 = arith.constant 16 : index
      %swap3A_17 = tpu.vector_load %arg7[%swap3A_15, %swap3A_16] {strides = array<i32>} : memref<125x80xi32, #tpu.memory_space<vmem>>, vector<16xi32>,
      tpu.vector_store %arg7[%swap3A_15, %swap3A_16], %gather3A_14 {strides = array<i32>} : memref<125x80xi32, #tpu.memory_space<vmem>>, vector<16xi32>,
      %get3A_18 = arith.index_cast %scan3A_6 : i32 to index
      %get3A_19 = arith.constant 32 : index
      %get3A_20 = tpu.vector_load %arg6[%get3A_18, %get3A_19] {strides = array<i32>} : memref<125x80xi32, #tpu.memory_space<vmem>>, vector<16xi32>,
      %gather3A_21 = tpu.vector_load_idx %arg5[%get3A_20] : memref<10000xi32, #tpu.memory_space<vmem>>[vector<16xi32>], vector<16xi32>,
      %swap3A_22 = arith.index_cast %scan3A_6 : i32 to index
      %swap3A_23 = arith.constant 32 : index
      %swap3A_24 = tpu.vector_load %arg7[%swap3A_22, %swap3A_23] {strides = array<i32>} : memref<125x80xi32, #tpu.memory_space<vmem>>, vector<16xi32>,
      tpu.vector_store %arg7[%swap3A_22, %swap3A_23], %gather3A_21 {strides = array<i32>} : memref<125x80xi32, #tpu.memory_space<vmem>>, vector<16xi32>,
      %get3A_25 = arith.index_cast %scan3A_6 : i32 to index
      %get3A_26 = arith.constant 48 : index
      %get3A_27 = tpu.vector_load %arg6[%get3A_25, %get3A_26] {strides = array<i32>} : memref<125x80xi32, #tpu.memory_space<vmem>>, vector<16xi32>,
      %gather3A_28 = tpu.vector_load_idx %arg5[%get3A_27] : memref<10000xi32, #tpu.memory_space<vmem>>[vector<16xi32>], vector<16xi32>,
      %swap3A_29 = arith.index_cast %scan3A_6 : i32 to index
      %swap3A_30 = arith.constant 48 : index
      %swap3A_31 = tpu.vector_load %arg7[%swap3A_29, %swap3A_30] {strides = array<i32>} : memref<125x80xi32, #tpu.memory_space<vmem>>, vector<16xi32>,
      tpu.vector_store %arg7[%swap3A_29, %swap3A_30], %gather3A_28 {strides = array<i32>} : memref<125x80xi32, #tpu.memory_space<vmem>>, vector<16xi32>,
      %get3A_32 = arith.index_cast %scan3A_6 : i32 to index
      %get3A_33 = arith.constant 64 : index
      %get3A_34 = tpu.vector_load %arg6[%get3A_32, %get3A_33] {strides = array<i32>} : memref<125x80xi32, #tpu.memory_space<vmem>>, vector<16xi32>,
      %gather3A_35 = tpu.vector_load_idx %arg5[%get3A_34] : memref<10000xi32, #tpu.memory_space<vmem>>[vector<16xi32>], vector<16xi32>,
      %swap3A_36 = arith.index_cast %scan3A_6 : i32 to index
      %swap3A_37 = arith.constant 64 : index
      %swap3A_38 = tpu.vector_load %arg7[%swap3A_36, %swap3A_37] {strides = array<i32>} : memref<125x80xi32, #tpu.memory_space<vmem>>, vector<16xi32>,
      tpu.vector_store %arg7[%swap3A_36, %swap3A_37], %gather3A_35 {strides = array<i32>} : memref<125x80xi32, #tpu.memory_space<vmem>>, vector<16xi32>,
    }
    %scan3A_5 = arith.constant 125 : i32
    "tpu.region"() ({
      %run_scoped3A = tpu.sem_alloc : memref<!tpu.dma_semaphore, #tpu.memory_space<semaphore_mem>>
      %dma_start3A = arith.constant 0 : i32
      %dma_start3A_6 = arith.constant 0 : i32
      %dma_start3A_7 = tpu.memref_slice %arg4[%add3A, %dma_start3A, %dma_start3A_6] : memref<32x125x80xi32, #tpu.memory_space<hbm>> -> memref<1x125x80xi32, #tpu.memory_space<hbm>>
      %dma_start3A_8 = tpu.memref_squeeze %dma_start3A_7 : memref<1x125x80xi32, #tpu.memory_space<hbm>> -> memref<125x80xi32, #tpu.memory_space<hbm>>
      %dma_start3A_9 = arith.constant 0 : i32
      %dma_start3A_10 = arith.constant 0 : i32
      %dma_start3A_11 = tpu.memref_slice %arg4[%add3A, %dma_start3A_9, %dma_start3A_10] : memref<32x125x80xi32, #tpu.memory_space<hbm>> -> memref<1x125x80xi32, #tpu.memory_space<hbm>>
      %dma_start3A_12 = tpu.memref_squeeze %dma_start3A_11 : memref<1x125x80xi32, #tpu.memory_space<hbm>> -> memref<125x80xi32, #tpu.memory_space<hbm>>
      tpu.enqueue_dma source(%arg7 : memref<125x80xi32, #tpu.memory_space<vmem>>) target(%dma_start3A_12 : memref<125x80xi32, #tpu.memory_space<hbm>>) target_semaphore(%run_scoped3A : memref<!tpu.dma_semaphore, #tpu.memory_space<semaphore_mem>>)
      %dma_wait3A = arith.constant 0 : i32
      %dma_wait3A_13 = arith.constant 0 : i32
      %dma_wait3A_14 = tpu.memref_slice %arg4[%add3A, %dma_wait3A, %dma_wait3A_13] : memref<32x125x80xi32, #tpu.memory_space<hbm>> -> memref<1x125x80xi32, #tpu.memory_space<hbm>>
      %dma_wait3A_15 = tpu.memref_squeeze %dma_wait3A_14 : memref<1x125x80xi32, #tpu.memory_space<hbm>> -> memref<125x80xi32, #tpu.memory_space<hbm>>
      %dma_wait3A_16 = arith.constant 0 : i32
      %dma_wait3A_17 = arith.constant 0 : i32
      %dma_wait3A_18 = tpu.memref_slice %arg4[%add3A, %dma_wait3A_16, %dma_wait3A_17] : memref<32x125x80xi32, #tpu.memory_space<hbm>> -> memref<1x125x80xi32, #tpu.memory_space<hbm>>
      %dma_wait3A_19 = tpu.memref_squeeze %dma_wait3A_18 : memref<1x125x80xi32, #tpu.memory_space<hbm>> -> memref<125x80xi32, #tpu.memory_space<hbm>>
      tpu.wait_dma2 semaphore(%run_scoped3A : memref<!tpu.dma_semaphore, #tpu.memory_space<semaphore_mem>>) src(%arg7 : memref<125x80xi32, #tpu.memory_space<vmem>>) dst(%dma_wait3A_19 : memref<125x80xi32, #tpu.memory_space<hbm>>)
      tpu.yield
    }) : () -> ()
    return
  }
}

module attributes {stable_mosaic.version = 14 : i64} {
  func.func @_edge_body(%arg0: i32, %arg1: memref<1280x3xf32, #tpu.memory_space<vmem>>, %arg2: memref<1x1x1280xi32, #tpu.memory_space<vmem>>, %arg3: memref<128x128xf32, #tpu.memory_space<vmem>>, %arg4: memref<8x64xf32, #tpu.memory_space<vmem>>, %arg5: memref<1x64xf32, #tpu.memory_space<vmem>>, %arg6: memref<64x128xf32, #tpu.memory_space<vmem>>, %arg7: memref<1x128xf32, #tpu.memory_space<vmem>>, %arg8: memref<1280x128xf32, #tpu.memory_space<vmem>>, %arg9: memref<1280x128xf32, #tpu.memory_space<vmem>>, %arg10: memref<1280x128xf32, #tpu.memory_space<vmem>>, %arg11: memref<1280x128xf32, #tpu.memory_space<vmem>>) attributes {dimension_semantics = [#tpu.dimension_semantics<arbitrary>], iteration_bounds = array<i64: 250>, scalar_prefetch = 0 : i64, scratch_operands = 0 : i64, tpu.core_type = #tpu.core_type<tc>, window_params = [{transform_indices = @transform_0, window_bounds = array<i64: 1280, 3>}, {transform_indices = @transform_1, window_bounds = array<i64: 1, 1, 1280>}, {pipeline_mode = #tpu.pipeline_mode<synchronous>, transform_indices = @transform_2, window_bounds = array<i64: 128, 128>}, {pipeline_mode = #tpu.pipeline_mode<synchronous>, transform_indices = @transform_3, window_bounds = array<i64: 8, 64>}, {pipeline_mode = #tpu.pipeline_mode<synchronous>, transform_indices = @transform_4, window_bounds = array<i64: 1, 64>}, {pipeline_mode = #tpu.pipeline_mode<synchronous>, transform_indices = @transform_5, window_bounds = array<i64: 64, 128>}, {pipeline_mode = #tpu.pipeline_mode<synchronous>, transform_indices = @transform_6, window_bounds = array<i64: 1, 128>}, {transform_indices = @transform_7, window_bounds = array<i64: 1280, 128>}, {transform_indices = @transform_8, window_bounds = array<i64: 1280, 128>}, {transform_indices = @transform_9, window_bounds = array<i64: 1280, 128>}, {transform_indices = @transform_10, window_bounds = array<i64: 1280, 128>}]} {
    %get3A = arith.constant 0 : index
    %get3A_0 = arith.constant 0 : index
    %get3A_1 = vector.load %arg1[%get3A, %get3A_0] : memref<1280x3xf32, #tpu.memory_space<vmem>>, vector<1280x3xf32>
    %mul3A = arith.mulf %get3A_1, %get3A_1 : vector<1280x3xf32>
    %reduce_sum3A = arith.constant dense<0.000000e+00> : vector<1280xf32>
    %reduce_sum3A_2 = vector.multi_reduction <add>, %mul3A, %reduce_sum3A [1] : vector<1280x3xf32> to vector<1280xf32>
    %broadcast_in_dim3A = vector.shape_cast %reduce_sum3A_2 : vector<1280xf32> to vector<1280x1xf32>
    %sqrt3A = math.sqrt %broadcast_in_dim3A : vector<1280x1xf32>
    %add3A = arith.constant 9.99999971E-10 : f32
    %add3A_3 = vector.broadcast %add3A : f32 to vector<1280x1xf32>
    %add3A_4 = arith.addf %sqrt3A, %add3A_3 : vector<1280x1xf32>
    %div3A = vector.broadcast %add3A_4 : vector<1280x1xf32> to vector<1280x3xf32>
    %div3A_5 = arith.divf %get3A_1, %div3A : vector<1280x3xf32>
    %iota3A = tpu.iota {dimensions = array<i32: 1>} : vector<1280x8xi32>
    %convert_element_type3A = arith.sitofp %iota3A : vector<1280x8xi32> to vector<1280x8xf32>
    %mul3A_6 = arith.constant 0.714285731 : f32
    %mul3A_7 = vector.broadcast %mul3A_6 : f32 to vector<1280x8xf32>
    %mul3A_8 = arith.mulf %convert_element_type3A, %mul3A_7 : vector<1280x8xf32>
    %sub3A = vector.broadcast %sqrt3A : vector<1280x1xf32> to vector<1280x8xf32>
    %sub3A_9 = arith.subf %sub3A, %mul3A_8 : vector<1280x8xf32>
    %integer_pow3A = arith.mulf %sub3A_9, %sub3A_9 : vector<1280x8xf32>
    %neg3A = arith.constant 0.000000e+00 : f32
    %neg3A_10 = vector.broadcast %neg3A : f32 to vector<1280x8xf32>
    %neg3A_11 = arith.subf %neg3A_10, %integer_pow3A : vector<1280x8xf32>
    %div3A_12 = arith.constant 5.000000e-01 : f32
    %div3A_13 = vector.broadcast %div3A_12 : f32 to vector<1280x8xf32>
    %div3A_14 = arith.divf %neg3A_11, %div3A_13 : vector<1280x8xf32>
    %exp3A = math.exp %div3A_14 : vector<1280x8xf32>
    %div3A_15 = arith.constant 5.000000e+00 : f32
    %div3A_16 = vector.broadcast %div3A_15 : f32 to vector<1280x1xf32>
    %div3A_17 = arith.divf %sqrt3A, %div3A_16 : vector<1280x1xf32>
    %jit3A = arith.constant 0.000000e+00 : f32
    %jit3A_18 = arith.constant 1.000000e+00 : f32
    %max3A = vector.broadcast %jit3A : f32 to vector<1280x1xf32>
    %max3A_19 = arith.maximumf %max3A, %div3A_17 : vector<1280x1xf32>
    %min3A = vector.broadcast %jit3A_18 : f32 to vector<1280x1xf32>
    %min3A_20 = arith.minimumf %min3A, %max3A_19 : vector<1280x1xf32>
    %sub3A_21 = arith.constant 5.000000e-01 : f32
    %sub3A_22 = vector.broadcast %sub3A_21 : f32 to vector<1280x1xf32>
    %sub3A_23 = arith.subf %min3A_20, %sub3A_22 : vector<1280x1xf32>
    %mul3A_24 = arith.constant 3.14159274 : f32
    %mul3A_25 = vector.broadcast %mul3A_24 : f32 to vector<1280x1xf32>
    %mul3A_26 = arith.mulf %mul3A_25, %sub3A_23 : vector<1280x1xf32>
    %mul3A_27 = arith.mulf %mul3A_26, %mul3A_26 : vector<1280x1xf32>
    %mul3A_28 = arith.constant 2.75573188E-6 : f32
    %mul3A_29 = vector.broadcast %mul3A_28 : f32 to vector<1280x1xf32>
    %mul3A_30 = arith.mulf %mul3A_27, %mul3A_29 : vector<1280x1xf32>
    %add3A_31 = arith.constant -1.98412701E-4 : f32
    %add3A_32 = vector.broadcast %add3A_31 : f32 to vector<1280x1xf32>
    %add3A_33 = arith.addf %add3A_32, %mul3A_30 : vector<1280x1xf32>
    %mul3A_34 = arith.mulf %mul3A_27, %add3A_33 : vector<1280x1xf32>
    %add3A_35 = arith.constant 0.00833333377 : f32
    %add3A_36 = vector.broadcast %add3A_35 : f32 to vector<1280x1xf32>
    %add3A_37 = arith.addf %add3A_36, %mul3A_34 : vector<1280x1xf32>
    %mul3A_38 = arith.mulf %mul3A_27, %add3A_37 : vector<1280x1xf32>
    %add3A_39 = arith.constant -0.166666672 : f32
    %add3A_40 = vector.broadcast %add3A_39 : f32 to vector<1280x1xf32>
    %add3A_41 = arith.addf %add3A_40, %mul3A_38 : vector<1280x1xf32>
    %mul3A_42 = arith.mulf %mul3A_27, %add3A_41 : vector<1280x1xf32>
    %add3A_43 = arith.constant 1.000000e+00 : f32
    %add3A_44 = vector.broadcast %add3A_43 : f32 to vector<1280x1xf32>
    %add3A_45 = arith.addf %add3A_44, %mul3A_42 : vector<1280x1xf32>
    %mul3A_46 = arith.mulf %mul3A_26, %add3A_45 : vector<1280x1xf32>
    %sub3A_47 = arith.constant 1.000000e+00 : f32
    %sub3A_48 = vector.broadcast %sub3A_47 : f32 to vector<1280x1xf32>
    %sub3A_49 = arith.subf %sub3A_48, %mul3A_46 : vector<1280x1xf32>
    %mul3A_50 = arith.constant 5.000000e-01 : f32
    %mul3A_51 = vector.broadcast %mul3A_50 : f32 to vector<1280x1xf32>
    %mul3A_52 = arith.mulf %mul3A_51, %sub3A_49 : vector<1280x1xf32>
    %get3A_53 = arith.constant 0 : index
    %get3A_54 = arith.constant 0 : index
    %get3A_55 = vector.load %arg4[%get3A_53, %get3A_54] : memref<8x64xf32, #tpu.memory_space<vmem>>, vector<8x64xf32>
    %dot_general3A = arith.constant dense<0.000000e+00> : vector<1280x64xf32>
    %dot_general3A_56 = tpu.matmul %exp3A, %get3A_55, %dot_general3A {dimension_numbers = #tpu.dot_dimension_numbers<[1], [0], [0], [1], [0, 0, 1, 1], [], []>, precision = #tpu.contract_precision<fp32>, transpose_lhs_hint = false} : vector<1280x8xf32>, vector<8x64xf32>, vector<1280x64xf32> -> vector<1280x64xf32>
    %get3A_57 = arith.constant 0 : index
    %get3A_58 = arith.constant 0 : index
    %get3A_59 = vector.load %arg5[%get3A_57, %get3A_58] : memref<1x64xf32, #tpu.memory_space<vmem>>, vector<1x64xf32>
    %add3A_60 = vector.broadcast %get3A_59 : vector<1x64xf32> to vector<1280x64xf32>
    %add3A_61 = arith.addf %dot_general3A_56, %add3A_60 : vector<1280x64xf32>
    %tanh3A = math.tanh %add3A_61 : vector<1280x64xf32>
    %get3A_62 = arith.constant 0 : index
    %get3A_63 = arith.constant 0 : index
    %get3A_64 = vector.load %arg6[%get3A_62, %get3A_63] : memref<64x128xf32, #tpu.memory_space<vmem>>, vector<64x128xf32>
    %dot_general3A_65 = arith.constant dense<0.000000e+00> : vector<1280x128xf32>
    %dot_general3A_66 = tpu.matmul %tanh3A, %get3A_64, %dot_general3A_65 {dimension_numbers = #tpu.dot_dimension_numbers<[1], [0], [0], [1], [0, 0, 1, 1], [], []>, precision = #tpu.contract_precision<fp32>, transpose_lhs_hint = false} : vector<1280x64xf32>, vector<64x128xf32>, vector<1280x128xf32> -> vector<1280x128xf32>
    %get3A_67 = arith.constant 0 : index
    %get3A_68 = arith.constant 0 : index
    %get3A_69 = vector.load %arg7[%get3A_67, %get3A_68] : memref<1x128xf32, #tpu.memory_space<vmem>>, vector<1x128xf32>
    %add3A_70 = vector.broadcast %get3A_69 : vector<1x128xf32> to vector<1280x128xf32>
    %add3A_71 = arith.addf %dot_general3A_66, %add3A_70 : vector<1280x128xf32>
    %mul3A_72 = vector.broadcast %mul3A_52 : vector<1280x1xf32> to vector<1280x128xf32>
    %mul3A_73 = arith.mulf %add3A_71, %mul3A_72 : vector<1280x128xf32>
    %get3A_74 = arith.constant 0 : index
    %get3A_75 = arith.constant 0 : index
    %get3A_76 = arith.constant 0 : index
    %get3A_77 = vector.load %arg2[%get3A_74, %get3A_75, %get3A_76] : memref<1x1x1280xi32, #tpu.memory_space<vmem>>, vector<1x1x1280xi32>
    %squeeze3A = vector.shape_cast %get3A_77 : vector<1x1x1280xi32> to vector<1x1280xi32>
    %broadcast_in_dim3A_78 = vector.shape_cast %squeeze3A : vector<1x1280xi32> to vector<1x1280xi32>
    %broadcast_in_dim3A_79 = vector.broadcast %broadcast_in_dim3A_78 : vector<1x1280xi32> to vector<128x1280xi32>
    %iota3A_80 = tpu.iota {dimensions = array<i32: 0>} : vector<128x1280xi32>
    %eq3A = arith.cmpi eq, %broadcast_in_dim3A_79, %iota3A_80 : vector<128x1280xi32>
    %convert_element_type3A_81 = arith.extui %eq3A : vector<128x1280xi1> to vector<128x1280xi32>
    %convert_element_type3A_82 = arith.sitofp %convert_element_type3A_81 : vector<128x1280xi32> to vector<128x1280xf32>
    %get3A_83 = arith.constant 0 : index
    %get3A_84 = arith.constant 0 : index
    %get3A_85 = vector.load %arg3[%get3A_83, %get3A_84] : memref<128x128xf32, #tpu.memory_space<vmem>>, vector<128x128xf32>
    %dot_general3A_86 = arith.constant dense<0.000000e+00> : vector<1280x128xf32>
    %dot_general3A_87 = tpu.matmul %convert_element_type3A_82, %get3A_85, %dot_general3A_86 {dimension_numbers = #tpu.dot_dimension_numbers<[0], [0], [1], [1], [0, 1, 1, 1], [], []>, transpose_lhs_hint = false} : vector<128x1280xf32>, vector<128x128xf32>, vector<1280x128xf32> -> vector<1280x128xf32>
    %mul3A_88 = arith.mulf %dot_general3A_87, %mul3A_73 : vector<1280x128xf32>
    %swap3A = arith.constant 0 : index
    %swap3A_89 = arith.constant 0 : index
    %swap3A_90 = vector.load %arg8[%swap3A, %swap3A_89] : memref<1280x128xf32, #tpu.memory_space<vmem>>, vector<1280x128xf32>
    tpu.vector_store %arg8[%swap3A, %swap3A_89], %mul3A_88 {strides = array<i32>} : memref<1280x128xf32, #tpu.memory_space<vmem>>, vector<1280x128xf32>,
    %slice3A = vector.extract_strided_slice %div3A_5 {offsets = [0, 0], sizes = [1280, 1], strides = [1, 1]} : vector<1280x3xf32> to vector<1280x1xf32>
    %mul3A_91 = vector.broadcast %slice3A : vector<1280x1xf32> to vector<1280x128xf32>
    %mul3A_92 = arith.mulf %mul3A_91, %mul3A_88 : vector<1280x128xf32>
    %swap3A_93 = arith.constant 0 : index
    %swap3A_94 = arith.constant 0 : index
    %swap3A_95 = vector.load %arg9[%swap3A_93, %swap3A_94] : memref<1280x128xf32, #tpu.memory_space<vmem>>, vector<1280x128xf32>
    tpu.vector_store %arg9[%swap3A_93, %swap3A_94], %mul3A_92 {strides = array<i32>} : memref<1280x128xf32, #tpu.memory_space<vmem>>, vector<1280x128xf32>,
    %slice3A_96 = vector.extract_strided_slice %div3A_5 {offsets = [0, 1], sizes = [1280, 1], strides = [1, 1]} : vector<1280x3xf32> to vector<1280x1xf32>
    %mul3A_97 = vector.broadcast %slice3A_96 : vector<1280x1xf32> to vector<1280x128xf32>
    %mul3A_98 = arith.mulf %mul3A_97, %mul3A_88 : vector<1280x128xf32>
    %swap3A_99 = arith.constant 0 : index
    %swap3A_100 = arith.constant 0 : index
    %swap3A_101 = vector.load %arg10[%swap3A_99, %swap3A_100] : memref<1280x128xf32, #tpu.memory_space<vmem>>, vector<1280x128xf32>
    tpu.vector_store %arg10[%swap3A_99, %swap3A_100], %mul3A_98 {strides = array<i32>} : memref<1280x128xf32, #tpu.memory_space<vmem>>, vector<1280x128xf32>,
    %slice3A_102 = vector.extract_strided_slice %div3A_5 {offsets = [0, 2], sizes = [1280, 1], strides = [1, 1]} : vector<1280x3xf32> to vector<1280x1xf32>
    %mul3A_103 = vector.broadcast %slice3A_102 : vector<1280x1xf32> to vector<1280x128xf32>
    %mul3A_104 = arith.mulf %mul3A_103, %mul3A_88 : vector<1280x128xf32>
    %swap3A_105 = arith.constant 0 : index
    %swap3A_106 = arith.constant 0 : index
    %swap3A_107 = vector.load %arg11[%swap3A_105, %swap3A_106] : memref<1280x128xf32, #tpu.memory_space<vmem>>, vector<1280x128xf32>
    tpu.vector_store %arg11[%swap3A_105, %swap3A_106], %mul3A_104 {strides = array<i32>} : memref<1280x128xf32, #tpu.memory_space<vmem>>, vector<1280x128xf32>,
    return
  }
  func.func @transform_0(%arg0: i32) -> (i32, i32) {
    %c0_i32 = arith.constant 0 : i32
    %c0_i32_0 = arith.constant 0 : i32
    return %arg0, %c0_i32 : i32, i32
  }
  func.func @transform_1(%arg0: i32) -> (i32, i32, i32) {
    %c0_i32 = arith.constant 0 : i32
    %c0_i32_0 = arith.constant 0 : i32
    %c0_i32_1 = arith.constant 0 : i32
    return %arg0, %c0_i32, %c0_i32_0 : i32, i32, i32
  }
  func.func @transform_2(%arg0: i32) -> (i32, i32) {
    %c0_i32 = arith.constant 0 : i32
    %c0_i32_0 = arith.constant 0 : i32
    %c0_i32_1 = arith.constant 0 : i32
    return %c0_i32, %c0_i32_0 : i32, i32
  }
  func.func @transform_3(%arg0: i32) -> (i32, i32) {
    %c0_i32 = arith.constant 0 : i32
    %c0_i32_0 = arith.constant 0 : i32
    %c0_i32_1 = arith.constant 0 : i32
    return %c0_i32, %c0_i32_0 : i32, i32
  }
  func.func @transform_4(%arg0: i32) -> (i32, i32) {
    %c0_i32 = arith.constant 0 : i32
    %c0_i32_0 = arith.constant 0 : i32
    %c0_i32_1 = arith.constant 0 : i32
    return %c0_i32, %c0_i32_0 : i32, i32
  }
  func.func @transform_5(%arg0: i32) -> (i32, i32) {
    %c0_i32 = arith.constant 0 : i32
    %c0_i32_0 = arith.constant 0 : i32
    %c0_i32_1 = arith.constant 0 : i32
    return %c0_i32, %c0_i32_0 : i32, i32
  }
  func.func @transform_6(%arg0: i32) -> (i32, i32) {
    %c0_i32 = arith.constant 0 : i32
    %c0_i32_0 = arith.constant 0 : i32
    %c0_i32_1 = arith.constant 0 : i32
    return %c0_i32, %c0_i32_0 : i32, i32
  }
  func.func @transform_7(%arg0: i32) -> (i32, i32) {
    %c0_i32 = arith.constant 0 : i32
    %c0_i32_0 = arith.constant 0 : i32
    return %arg0, %c0_i32 : i32, i32
  }
  func.func @transform_8(%arg0: i32) -> (i32, i32) {
    %c0_i32 = arith.constant 0 : i32
    %c0_i32_0 = arith.constant 0 : i32
    return %arg0, %c0_i32 : i32, i32
  }
  func.func @transform_9(%arg0: i32) -> (i32, i32) {
    %c0_i32 = arith.constant 0 : i32
    %c0_i32_0 = arith.constant 0 : i32
    return %arg0, %c0_i32 : i32, i32
  }
  func.func @transform_10(%arg0: i32) -> (i32, i32) {
    %c0_i32 = arith.constant 0 : i32
    %c0_i32_0 = arith.constant 0 : i32
    return %arg0, %c0_i32 : i32, i32
  }
}

module attributes {stable_mosaic.version = 14 : i64} {
  func.func @_node_body(%arg0: i32, %arg1: memref<2x4x2000x128xf32, #tpu.memory_space<vmem>>, %arg2: memref<2000x1xi32, #tpu.memory_space<vmem>>, %arg3: memref<128x128xf32, #tpu.memory_space<vmem>>, %arg4: memref<256x128xf32, #tpu.memory_space<vmem>>, %arg5: memref<128x128xf32, #tpu.memory_space<vmem>>, %arg6: memref<1x128xf32, #tpu.memory_space<vmem>>, %arg7: memref<1x128xf32, #tpu.memory_space<vmem>>, %arg8: memref<2000x1xf32, #tpu.memory_space<vmem>>) attributes {dimension_semantics = [#tpu.dimension_semantics<arbitrary>], iteration_bounds = array<i64: 5>, scalar_prefetch = 0 : i64, scratch_operands = 0 : i64, tpu.core_type = #tpu.core_type<tc>, window_params = [{transform_indices = @transform_0, window_bounds = array<i64: 2, 4, 2000, 128>}, {transform_indices = @transform_1, window_bounds = array<i64: 2000, 1>}, {pipeline_mode = #tpu.pipeline_mode<synchronous>, transform_indices = @transform_2, window_bounds = array<i64: 128, 128>}, {pipeline_mode = #tpu.pipeline_mode<synchronous>, transform_indices = @transform_3, window_bounds = array<i64: 256, 128>}, {pipeline_mode = #tpu.pipeline_mode<synchronous>, transform_indices = @transform_4, window_bounds = array<i64: 128, 128>}, {pipeline_mode = #tpu.pipeline_mode<synchronous>, transform_indices = @transform_5, window_bounds = array<i64: 1, 128>}, {pipeline_mode = #tpu.pipeline_mode<synchronous>, transform_indices = @transform_6, window_bounds = array<i64: 1, 128>}, {transform_indices = @transform_7, window_bounds = array<i64: 2000, 1>}]} {
    %get3A = arith.constant 0 : index
    %get3A_0 = arith.constant 0 : index
    %get3A_1 = arith.constant 0 : index
    %get3A_2 = arith.constant 0 : index
    %get3A_3 = vector.load %arg1[%get3A, %get3A_0, %get3A_1, %get3A_2] : memref<2x4x2000x128xf32, #tpu.memory_space<vmem>>, vector<2x4x2000x128xf32>
    %reduce_sum3A = arith.constant dense<0.000000e+00> : vector<4x2000x128xf32>
    %reduce_sum3A_4 = vector.multi_reduction <add>, %get3A_3, %reduce_sum3A [0] : vector<2x4x2000x128xf32> to vector<4x2000x128xf32>
    %slice3A = vector.extract_strided_slice %reduce_sum3A_4 {offsets = [0, 0, 0], sizes = [1, 2000, 128], strides = [1, 1, 1]} : vector<4x2000x128xf32> to vector<1x2000x128xf32>
    %squeeze3A = vector.shape_cast %slice3A : vector<1x2000x128xf32> to vector<2000x128xf32>
    %slice3A_5 = vector.extract_strided_slice %reduce_sum3A_4 {offsets = [1, 0, 0], sizes = [1, 2000, 128], strides = [1, 1, 1]} : vector<4x2000x128xf32> to vector<1x2000x128xf32>
    %squeeze3A_6 = vector.shape_cast %slice3A_5 : vector<1x2000x128xf32> to vector<2000x128xf32>
    %slice3A_7 = vector.extract_strided_slice %reduce_sum3A_4 {offsets = [1, 0, 0], sizes = [1, 2000, 128], strides = [1, 1, 1]} : vector<4x2000x128xf32> to vector<1x2000x128xf32>
    %squeeze3A_8 = vector.shape_cast %slice3A_7 : vector<1x2000x128xf32> to vector<2000x128xf32>
    %mul3A = arith.mulf %squeeze3A_6, %squeeze3A_8 : vector<2000x128xf32>
    %slice3A_9 = vector.extract_strided_slice %reduce_sum3A_4 {offsets = [2, 0, 0], sizes = [1, 2000, 128], strides = [1, 1, 1]} : vector<4x2000x128xf32> to vector<1x2000x128xf32>
    %squeeze3A_10 = vector.shape_cast %slice3A_9 : vector<1x2000x128xf32> to vector<2000x128xf32>
    %slice3A_11 = vector.extract_strided_slice %reduce_sum3A_4 {offsets = [2, 0, 0], sizes = [1, 2000, 128], strides = [1, 1, 1]} : vector<4x2000x128xf32> to vector<1x2000x128xf32>
    %squeeze3A_12 = vector.shape_cast %slice3A_11 : vector<1x2000x128xf32> to vector<2000x128xf32>
    %mul3A_13 = arith.mulf %squeeze3A_10, %squeeze3A_12 : vector<2000x128xf32>
    %add3A = arith.addf %mul3A, %mul3A_13 : vector<2000x128xf32>
    %slice3A_14 = vector.extract_strided_slice %reduce_sum3A_4 {offsets = [3, 0, 0], sizes = [1, 2000, 128], strides = [1, 1, 1]} : vector<4x2000x128xf32> to vector<1x2000x128xf32>
    %squeeze3A_15 = vector.shape_cast %slice3A_14 : vector<1x2000x128xf32> to vector<2000x128xf32>
    %slice3A_16 = vector.extract_strided_slice %reduce_sum3A_4 {offsets = [3, 0, 0], sizes = [1, 2000, 128], strides = [1, 1, 1]} : vector<4x2000x128xf32> to vector<1x2000x128xf32>
    %squeeze3A_17 = vector.shape_cast %slice3A_16 : vector<1x2000x128xf32> to vector<2000x128xf32>
    %mul3A_18 = arith.mulf %squeeze3A_15, %squeeze3A_17 : vector<2000x128xf32>
    %add3A_19 = arith.addf %add3A, %mul3A_18 : vector<2000x128xf32>
    %get3A_20 = arith.constant 0 : index
    %get3A_21 = arith.constant 0 : index
    %get3A_22 = vector.load %arg2[%get3A_20, %get3A_21] : memref<2000x1xi32, #tpu.memory_space<vmem>>, vector<2000x1xi32>
    %broadcast_in_dim3A = vector.shape_cast %get3A_22 : vector<2000x1xi32> to vector<2000x1xi32>
    %broadcast_in_dim3A_23 = vector.broadcast %broadcast_in_dim3A : vector<2000x1xi32> to vector<2000x128xi32>
    %iota3A = tpu.iota {dimensions = array<i32: 1>} : vector<2000x128xi32>
    %eq3A = arith.cmpi eq, %broadcast_in_dim3A_23, %iota3A : vector<2000x128xi32>
    %convert_element_type3A = arith.extui %eq3A : vector<2000x128xi1> to vector<2000x128xi32>
    %convert_element_type3A_24 = arith.sitofp %convert_element_type3A : vector<2000x128xi32> to vector<2000x128xf32>
    %get3A_25 = arith.constant 0 : index
    %get3A_26 = arith.constant 0 : index
    %get3A_27 = vector.load %arg3[%get3A_25, %get3A_26] : memref<128x128xf32, #tpu.memory_space<vmem>>, vector<128x128xf32>
    %dot_general3A = arith.constant dense<0.000000e+00> : vector<2000x128xf32>
    %dot_general3A_28 = tpu.matmul %convert_element_type3A_24, %get3A_27, %dot_general3A {dimension_numbers = #tpu.dot_dimension_numbers<[1], [0], [0], [1], [0, 0, 1, 1], [], []>, transpose_lhs_hint = false} : vector<2000x128xf32>, vector<128x128xf32>, vector<2000x128xf32> -> vector<2000x128xf32>
    %get3A_29 = arith.constant 0 : index
    %get3A_30 = arith.constant 0 : index
    %get3A_31 = vector.load %arg4[%get3A_29, %get3A_30] : memref<256x128xf32, #tpu.memory_space<vmem>>, vector<256x128xf32>
    %slice3A_32 = vector.extract_strided_slice %get3A_31 {offsets = [0, 0], sizes = [128, 128], strides = [1, 1]} : vector<256x128xf32> to vector<128x128xf32>
    %dot_general3A_33 = arith.constant dense<0.000000e+00> : vector<2000x128xf32>
    %dot_general3A_34 = tpu.matmul %squeeze3A, %slice3A_32, %dot_general3A_33 {dimension_numbers = #tpu.dot_dimension_numbers<[1], [0], [0], [1], [0, 0, 1, 1], [], []>, precision = #tpu.contract_precision<fp32>, transpose_lhs_hint = false} : vector<2000x128xf32>, vector<128x128xf32>, vector<2000x128xf32> -> vector<2000x128xf32>
    %slice3A_35 = vector.extract_strided_slice %get3A_31 {offsets = [128, 0], sizes = [128, 128], strides = [1, 1]} : vector<256x128xf32> to vector<128x128xf32>
    %dot_general3A_36 = arith.constant dense<0.000000e+00> : vector<2000x128xf32>
    %dot_general3A_37 = tpu.matmul %add3A_19, %slice3A_35, %dot_general3A_36 {dimension_numbers = #tpu.dot_dimension_numbers<[1], [0], [0], [1], [0, 0, 1, 1], [], []>, precision = #tpu.contract_precision<fp32>, transpose_lhs_hint = false} : vector<2000x128xf32>, vector<128x128xf32>, vector<2000x128xf32> -> vector<2000x128xf32>
    %add3A_38 = arith.addf %dot_general3A_34, %dot_general3A_37 : vector<2000x128xf32>
    %add3A_39 = arith.addf %dot_general3A_28, %add3A_38 : vector<2000x128xf32>
    %get3A_40 = arith.constant 0 : index
    %get3A_41 = arith.constant 0 : index
    %get3A_42 = vector.load %arg5[%get3A_40, %get3A_41] : memref<128x128xf32, #tpu.memory_space<vmem>>, vector<128x128xf32>
    %dot_general3A_43 = arith.constant dense<0.000000e+00> : vector<2000x128xf32>
    %dot_general3A_44 = tpu.matmul %add3A_39, %get3A_42, %dot_general3A_43 {dimension_numbers = #tpu.dot_dimension_numbers<[1], [0], [0], [1], [0, 0, 1, 1], [], []>, precision = #tpu.contract_precision<fp32>, transpose_lhs_hint = false} : vector<2000x128xf32>, vector<128x128xf32>, vector<2000x128xf32> -> vector<2000x128xf32>
    %get3A_45 = arith.constant 0 : index
    %get3A_46 = arith.constant 0 : index
    %get3A_47 = vector.load %arg6[%get3A_45, %get3A_46] : memref<1x128xf32, #tpu.memory_space<vmem>>, vector<1x128xf32>
    %add3A_48 = vector.broadcast %get3A_47 : vector<1x128xf32> to vector<2000x128xf32>
    %add3A_49 = arith.addf %dot_general3A_44, %add3A_48 : vector<2000x128xf32>
    %logistic3A = arith.negf %add3A_49 : vector<2000x128xf32>
    %logistic3A_50 = math.exp %logistic3A : vector<2000x128xf32>
    %logistic3A_51 = arith.constant 1.000000e+00 : f32
    %logistic3A_52 = vector.broadcast %logistic3A_51 : f32 to vector<2000x128xf32>
    %logistic3A_53 = arith.addf %logistic3A_52, %logistic3A_50 : vector<2000x128xf32>
    %logistic3A_54 = arith.divf %logistic3A_52, %logistic3A_53 : vector<2000x128xf32>
    %mul3A_55 = arith.mulf %add3A_49, %logistic3A_54 : vector<2000x128xf32>
    %get3A_56 = arith.constant 0 : index
    %get3A_57 = arith.constant 0 : index
    %get3A_58 = vector.load %arg7[%get3A_56, %get3A_57] : memref<1x128xf32, #tpu.memory_space<vmem>>, vector<1x128xf32>
    %mul3A_59 = vector.broadcast %get3A_58 : vector<1x128xf32> to vector<2000x128xf32>
    %mul3A_60 = arith.mulf %mul3A_55, %mul3A_59 : vector<2000x128xf32>
    %reduce_sum3A_61 = arith.constant dense<0.000000e+00> : vector<2000xf32>
    %reduce_sum3A_62 = vector.multi_reduction <add>, %mul3A_60, %reduce_sum3A_61 [1] : vector<2000x128xf32> to vector<2000xf32>
    %broadcast_in_dim3A_63 = vector.shape_cast %reduce_sum3A_62 : vector<2000xf32> to vector<2000x1xf32>
    %swap3A = arith.constant 0 : index
    %swap3A_64 = arith.constant 0 : index
    %swap3A_65 = vector.load %arg8[%swap3A, %swap3A_64] : memref<2000x1xf32, #tpu.memory_space<vmem>>, vector<2000x1xf32>
    tpu.vector_store %arg8[%swap3A, %swap3A_64], %broadcast_in_dim3A_63 {strides = array<i32>} : memref<2000x1xf32, #tpu.memory_space<vmem>>, vector<2000x1xf32>,
    return
  }
  func.func @transform_0(%arg0: i32) -> (i32, i32, i32, i32) {
    %c0_i32 = arith.constant 0 : i32
    %c0_i32_0 = arith.constant 0 : i32
    %c0_i32_1 = arith.constant 0 : i32
    %c0_i32_2 = arith.constant 0 : i32
    return %c0_i32, %c0_i32_0, %arg0, %c0_i32_1 : i32, i32, i32, i32
  }
  func.func @transform_1(%arg0: i32) -> (i32, i32) {
    %c0_i32 = arith.constant 0 : i32
    %c0_i32_0 = arith.constant 0 : i32
    return %arg0, %c0_i32 : i32, i32
  }
  func.func @transform_2(%arg0: i32) -> (i32, i32) {
    %c0_i32 = arith.constant 0 : i32
    %c0_i32_0 = arith.constant 0 : i32
    %c0_i32_1 = arith.constant 0 : i32
    return %c0_i32, %c0_i32_0 : i32, i32
  }
  func.func @transform_3(%arg0: i32) -> (i32, i32) {
    %c0_i32 = arith.constant 0 : i32
    %c0_i32_0 = arith.constant 0 : i32
    %c0_i32_1 = arith.constant 0 : i32
    return %c0_i32, %c0_i32_0 : i32, i32
  }
  func.func @transform_4(%arg0: i32) -> (i32, i32) {
    %c0_i32 = arith.constant 0 : i32
    %c0_i32_0 = arith.constant 0 : i32
    %c0_i32_1 = arith.constant 0 : i32
    return %c0_i32, %c0_i32_0 : i32, i32
  }
  func.func @transform_5(%arg0: i32) -> (i32, i32) {
    %c0_i32 = arith.constant 0 : i32
    %c0_i32_0 = arith.constant 0 : i32
    %c0_i32_1 = arith.constant 0 : i32
    return %c0_i32, %c0_i32_0 : i32, i32
  }
  func.func @transform_6(%arg0: i32) -> (i32, i32) {
    %c0_i32 = arith.constant 0 : i32
    %c0_i32_0 = arith.constant 0 : i32
    %c0_i32_1 = arith.constant 0 : i32
    return %c0_i32, %c0_i32_0 : i32, i32
  }
  func.func @transform_7(%arg0: i32) -> (i32, i32) {
    %c0_i32 = arith.constant 0 : i32
    %c0_i32_0 = arith.constant 0 : i32
    return %arg0, %c0_i32 : i32, i32
  }
}

</mosaic_0001>

<sc_bundles>
// kernel: kernel.6.cloned.1.call-start
scs
__scs_entry_jumppad:
0x0: {  	(pc) =	sbr.rel $0x88, $3  }
0x1: {  	(tag) =	ssettag $0x0;
	lr =	simm.s32 $0x1  }
0x2: {  	[smem:$0x3F95] =	sst lr;
	_ =	strace $0xD0000000  }
0x3: {  	_ = 	snop  }
0x4: {  	_ = 	snop  }
0x5: {  	_ = 	snop  }
0x6: {  	_ = 	snop  }
0x7: {  	_ = 	snop  }
__scs_overlays_trampoline_lowered:
0x8: {  	[smem:$0x3FA4] =	sst s0  }
0x9: {  	[smem:$0x3FA5] =	sst s1  }
0xa: {  	[smem:$0x3FA6] =	sst s2  }
0xb: {  	[smem:$0x3FA7] =	sst s3  }
0xc: {  	[smem:$0x3FA8] =	sst s4  }
0xd: {  	[smem:$0x3FA9] =	sst s5  }
0xe: {  	[smem:$0x3FAA] =	sst s6  }
0xf: {  	[smem:$0x3FAB] =	sst s7  }
0x10: {  	[smem:$0x3FAC] =	sst s8  }
0x11: {  	[smem:$0x3FAD] =	sst s9;
	s0 =	simm.s32 @!p0 $0x0  }
0x12: {  	s1 =	sld [smem:$0x3F93];
	s0 =	simm.s32 @p0 $0x1  }
0x13: {  	[smem:$0x3FAE] =	sst s0;
	s0 =	simm.s32 @!p1 $0x0  }
0x14: {  	s2 =	sld [smem:$0x3F92];
	s0 =	simm.s32 @p1 $0x1  }
0x15: {  	[smem:$0x3FAF] =	sst s0;
	s0 =	simm.s32 @!p2 $0x0  }
0x16: {  	s3 =	sld [smem:$0x3FDB];
	s0 =	simm.s32 @p2 $0x1  }
0x17: {  	s4 =	simm.s32 $0x1BF5;
	[smem:$0x3FB1] =	sst s0  }
0x18: {  	s0 =	sld [smem:$0x3F94];
	_ =	swait.ge [sflag:s4], $0x0  }
0x19: {  	s7 =	sld [smem:$0x3F95]  }
0x1a: {  	s8 =	sadd.s32 $0xFFFFE003, lr  }
0x1b: {  	s9 =	sadd.s32 $0xFFFFFEF7, lr;
	s5 =	simm.s32 $0xFFFFFFFF;
	p2 =	slt.u32 s8, $0xFFFFF086  }
0x1c: {  	p1 =	slt.u32 s9, $0xF7A;
	s5 =	simm.s32 @!p2 $0x0  }
0x1d: {  	s5 =	simm.s32 @p1 $0x1;
	p0 =	seq.s32 s7, s2  }
0x1e: {  	s7 =	smul.u32 @!p0 $0xF7A, s2;
	p2 =	seq.s32 @!p0 s5, $0x0  }
0x1f: {  	s9 =	smul.u32 $0xF7A, s1;
	s8 =	simm.s32 @!p0 $0x1BF5;
	p2 =	por !p2, p0  }
0x20: {  	[sflag:s8] =	ssyncset.s32 @!p0 $0xFFFFF086;
	s6 =	sadd.s32 @!p0 s3, s7;
	s7 =	simm.s32 @!p0 $0x108  }
0x21: {  	s3 =	sadd.s32 s3, s9;
	s6 =	sadd.s32 @!p0 $0x88, s6;
	s7 =	simm.s32 @p2 $0x1082  }
0x22: {  	[simem:s7], [sflag:s8] =	dma.local @!p0 [hbm:s6], $0xF7A  }
0x23: {  	s9 =	sor.u32 $0xD0000000, s2;
	s6 =	simm.s32 $0x108;
	_ =	swait.ge @!p0 [sflag:s8], $0x0  }
0x24: {  	s3 =	sadd.s32 $0x88, s3;
	s6 =	simm.s32 @!p1 $0x1082;
	[sflag:s4] =	ssyncset.s32 $0xFFFFF086  }
0x25: {  	[simem:s6], [sflag:s4] =	dma.local [hbm:s3], $0xF7A  }
0x26: {  	[smem:$0x3F95] =	sst s1;
	(tag) =	ssettag s2;
	_ =	strace s9  }
0x27: {  	s1 =	sld [smem:$0x3FA5]  }
0x28: {  	s2 =	sld [smem:$0x3FA6]  }
0x29: {  	s4 =	sld [smem:$0x3FA8]  }
0x2a: {  	p0 =	seq.s32 s5, $0x0;
	s5 =	sld [smem:$0x3FA9]  }
0x2b: {  	s6 =	sld [smem:$0x3FAA]  }
0x2c: {  	s7 =	sld [smem:$0x3FAB]  }
0x2d: {  	s3 =	simm.s32 $0x108;
	s8 =	sld [smem:$0x3FAC]  }
0x2e: {  	s3 =	simm.s32 @!p0 $0x1082;
	s9 =	sld [smem:$0x3FAD]  }
0x2f: {  	lr =	sadd.s32 s0, s3;
	s0 =	sld [smem:$0x3FA4]  }
0x30: {  	s3 =	sld [smem:$0x3FA7]  }
0x31: {  	[smem:$0x3FB0] =	sst s10  }
0x32: {  	s10 =	sld [smem:$0x3FAE];
	_ =	sdelay $0x3  }
0x33: {  	p0 =	seq.s32 s10, $0x1;
	s10 =	sld [smem:$0x3FB0];
	_ =	sdelay $0x3  }
0x34: {  	[smem:$0x3FB0] =	sst s10  }
0x35: {  	s10 =	sld [smem:$0x3FAF];
	_ =	sdelay $0x3  }
0x36: {  	p1 =	seq.s32 s10, $0x1;
	s10 =	sld [smem:$0x3FB0];
	_ =	sdelay $0x3  }
0x37: {  	[smem:$0x3FB0] =	sst s10  }
0x38: {  	s10 =	sld [smem:$0x3FB1]  }
0x39: {  	_ = 	snop;
	(pc) =	sbr.ind lr, $3  }
0x3a: {  	_ = 	snop  }
0x3b: {  	_ = 	snop  }
0x3c: {  	p2 =	seq.s32 s10, $0x1;
	s10 =	sld [smem:$0x3FB0]  }
0x3d: {  	_ =	shalt  }
0x3e: {  	_ =	shalt  }
0x3f: {  	_ =	shalt  }
0x40: {  	_ =	shalt  }
0x41: {  	_ =	shalt  }
0x42: {  	_ =	shalt  }
0x43: {  	_ =	shalt  }
0x44: {  	_ =	shalt  }
0x45: {  	_ =	shalt  }
0x46: {  	_ =	shalt  }
0x47: {  	_ =	shalt  }
0x48: {  	_ =	shalt  }
0x49: {  	_ =	shalt  }
0x4a: {  	_ =	shalt  }
0x4b: {  	_ =	shalt  }
0x4c: {  	_ =	shalt  }
0x4d: {  	_ =	shalt  }
0x4e: {  	_ =	shalt  }
0x4f: {  	_ =	shalt  }
0x50: {  	_ =	shalt  }
0x51: {  	_ =	shalt  }
0x52: {  	_ =	shalt  }
0x53: {  	_ =	shalt  }
0x54: {  	_ =	shalt  }
0x55: {  	_ =	shalt  }
0x56: {  	_ =	shalt  }
0x57: {  	_ =	shalt  }
0x58: {  	_ =	shalt  }
0x59: {  	_ =	shalt  }
0x5a: {  	_ =	shalt  }
0x5b: {  	_ =	shalt  }
0x5c: {  	_ =	shalt  }
0x5d: {  	_ =	shalt  }
0x5e: {  	_ =	shalt  }
0x5f: {  	_ =	shalt  }
0x60: {  	_ =	shalt  }
0x61: {  	_ =	shalt  }
0x62: {  	_ =	shalt  }
0x63: {  	_ =	shalt  }
0x64: {  	_ =	shalt  }
0x65: {  	_ =	shalt  }
0x66: {  	_ =	shalt  }
0x67: {  	_ =	shalt  }
0x68: {  	_ =	shalt  }
0x69: {  	_ =	shalt  }
0x6a: {  	_ =	shalt  }
0x6b: {  	_ =	shalt  }
0x6c: {  	_ =	shalt  }
0x6d: {  	_ =	shalt  }
0x6e: {  	_ =	shalt  }
0x6f: {  	_ =	shalt  }
0x70: {  	_ =	shalt  }
0x71: {  	_ =	shalt  }
0x72: {  	_ =	shalt  }
0x73: {  	_ =	shalt  }
0x74: {  	_ =	shalt  }
0x75: {  	_ =	shalt  }
0x76: {  	_ =	shalt  }
0x77: {  	_ =	shalt  }
0x78: {  	_ =	shalt  }
0x79: {  	_ =	shalt  }
0x7a: {  	_ =	shalt  }
0x7b: {  	_ =	shalt  }
0x7c: {  	_ =	shalt  }
0x7d: {  	_ =	shalt  }
0x7e: {  	_ =	shalt  }
0x7f: {  	_ =	shalt  }
0x80: {  	_ =	shalt  }
0x81: {  	_ =	shalt  }
0x82: {  	_ =	shalt  }
0x83: {  	_ =	shalt  }
0x84: {  	_ =	shalt  }
0x85: {  	_ =	shalt  }
0x86: {  	_ =	shalt  }
0x87: {  	_ =	shalt  }
.Lfunc_end0:
.L_simem_size_0:
called_computation_lowered:
.L_overlay_start_0:
0x88: {  	s2 =	sld [smem:$0x3FD9]  }
0x89: {  	s3 =	sld [smem:$0x3FFE];
	_ =	sdelay $0x1  }
0x8a: {  	s1 =	srdreg.scid  }
0x8b: {  	s0 =	sand.u32 $0x1, s1  }
0x8c: {  	s17 =	sshll.u32 s0, $0xA;
	s2 =	sadd.s32 s3, s2  }
0x8d: {  	s2 =	sadd.s32 s2, s17  }
0x8e: {  	[smem:$0x3FBC] =	sst s2  }
0x8f: {  	_ = 	snop  }
0x90: {  	s2 =	sld [smem:$0x3FC8];
	(tm) =	ssettm $0x1  }
0x91: {  	s18 =	sld [smem:$0x3FFB];
	_ =	sdelay $0x3  }
0x92: {  	_ =	strace s18  }
0x93: {  	s3 =	sld [smem:$0x3FFC];
	_ =	sdelay $0x3  }
0x94: {  	_ =	strace s3  }
0x95: {  	s3 =	sld [smem:$0x3FFD];
	_ =	sdelay $0x3  }
0x96: {  	_ =	strace s3  }
0x97: {  	_ =	strace $0x8FFFFFFF  }
0x98: {  	s19 =	sld [smem:$0x3FDB];
	_ =	sdelay $0x1  }
0x99: {  	s4 =	simm.s32 $_scs_section_size  }
0x9a: {  	s5 =	simm.s32 $_size__tile_overlayer_lowered;
	s6 =	simm.s32 $_tile_overlayer_lowered  }
0x9b: {  	s22 =	simm.s32 $0x1BFF;
	s21 =	sshll.u32 s6, $0x1;
	s3 =	sadd.s32 s4, s19  }
0x9c: {  	s7 =	simm.s32 $0x0;
	s20 =	sshll.u32 s5, $0x1;
	s5 =	sadd.s32 s21, s3  }
0x9d: {  	[timem:s7], [sflag:s22] =	dma.local [hbm:s5], s20  }
0x9e: {  	_ =	swait.ge [sflag:s22], s20  }
0x9f: {  	s4 =	ssub.s32 $0x0, s20;
	[sflag:s22] =	ssyncset.done $0x0  }
0xa0: {  	[sflag:s22] =	ssyncadd.s32 s4;
	_ =	sdelay $0x1  }
0xa1: {  	s23 =	simm.s32 $0x1B8B  }
0xa2: {  	_ =	swait.ge [sflag:s23], $0x1  }
0xa3: {  	[sflag:s23] =	ssyncset.done $0x0  }
0xa4: {  	s25 =	simm.s32 $0x1B8E;
	s24 =	sld [smem:$0x3FFE];
	[sflag:s23] =	ssyncadd.s32 $0xFFFFFFFF  }
0xa5: {  	s26 =	simm.s32 $execute0_lowered;
	[smem:$0x3FD2] =	sst s25  }
0xa6: {  	s5 =	sshll.u32 s26, $0x1;
	_ =	strace $0x80000046;
	[dreg:$0x1] =	wrdreg $0xFFFFFFFF  }
0xa7: {  	s28 =	simm.s32 $_size_execute0_lowered;
	s3 =	sadd.s32 s3, s5;
	[dreg:$0x0] =	wrdreg $0x0  }
0xa8: {  	s5 =	sshll.u32 s28, $0x1;
	[dreg:$0x2] =	wrdreg s3  }
0xa9: {  	[dreg:$0x3] =	wrdreg s5  }
0xaa: {  	[dreg:$0x4] =	wrdreg $0xC0  }
0xab: {  	_ =	task [dreg:s7], $0x5FFFF  }
0xac: {  	[dreg:$0x1] =	wrdreg $0xFFFFFFFF  }
0xad: {  	[dreg:$0x0] =	wrdreg $0x60  }
0xae: {  	[dreg:$0x2] =	wrdreg s2  }
0xaf: {  	[dreg:$0x3] =	wrdreg s24  }
0xb0: {  	[dreg:$0x4] =	wrdreg $0x9  }
0xb1: {  	_ =	task.clear_ibuf [dreg:s7], $0x5FFFF;
	_ =	strace $0x90000046  }
0xb2: {  	s29 =	simm.s32 $0x9;
	_ =	strace $0x80000048  }
0xb3: {  	_ =	swait.ge [sflag:s29], $0x1  }
0xb4: {  	[sflag:s29] =	ssyncadd.s32 $0xFFFFFFFF  }
0xb5: {  	_ =	strace $0x90000048  }
0xb6: {  	_ =	sfence  }
0xb7: {  	s30 =	sld [smem:$0x0];
	_ =	sdelay $0x2  }
0xb8: {  	s31 =	sshll.u32 s1, $0xD;
	s1 =	sshrl.u32 s1, $0x2  }
0xb9: {  	s3 =	sand.u32 $0x4000, s31;
	s1 =	sadd.s32 s1, s30  }
0xba: {  	s0 =	sor.u32 s3, s0;
	s1 =	sshll.u32 s1, $0x11  }
0xbb: {  	s0 =	sor.u32 s1, s0  }
0xbc: {  	s0 =	sadd.s32 $0x8F2B, s0  }
0xbd: {  	[sflag:s0] =	ssyncadd.remote.s32 $0x1  }
0xbe: {  	_ =	sfence.sel $0xFFFF  }
0xbf: {  	[dreg:$0x0] =	wrdreg $0xFFFFFFFF;
	(pc) =	sbr.abs _section_cstart, $3  }
0xc0: {  	[dreg:$0x1] =	wrdreg $0xFFFFFFFF  }
0xc1: {  	_ =	task.clear_ibuf [dreg:s7], $0x2FFFF;
	_ =	strace $0x9FFFFFFF  }
0xc2: {  	(tm) =	ssettm $0x7FFFFFFF  }
0xc3: {  	_ =	shalt  }
tec
execute0_lowered:
.L_overlay_start_1:
0x0: {  	(tag) =	ssettag $0x1  }
0x1: {  	s2 =	rddreg [dreg:$0x0];
	s0 =	srdreg.scid  }
0x2: {  	s4 =	rddreg [dreg:$0x1];
	s1 =	stileid.u32;
	s3 =	simm.s32 $0x0  }
0x3: {  	s8 =	simm.s32 $0x2780;
	s9 =	simm.s32 $0x6780;
	s10 =	simm.s32 $0x0  }
0x4: {  	s5 =	sand.u32 $0x1, s0;
	s0 =	rddreg [dreg:$0x2];
	s6 =	sshll.u32 s1, $0xC  }
0x5: {  	[smem:$0x7FF] =	sst s3;
	s7 =	sshll.u32 s5, $0xB;
	s5 =	ssub.s32 $0x2, s5  }
0x6: {  	_ =	strace $0x80000047;
	s6 =	sor.u32 s7, s6;
	s30 =	sshrl.u32 s5, $0x1  }
0x7: {  	s7 =	simm.s32 $0x1;
	s6 =	sadd.s32 s6, s4;
	s31 =	ssub.s32 s5, s30  }
0x8: {  	s4 =	sadd.s32 $0x1C00, s6;
	s5 =	sadd.s32 $0x11C00, s6;
	s6 =	smax.u32 s31, $0x1  }
.LBB2_1:
0x9: {  	[tilespmem:s3], [sflag:$0x1] =	stream.linear.gather [hbm4b:s2+s3], $0x2780, $0x38;
	[tilespmem:$0xA780] =	vst v63  }
0xa: {  	_ =	swait.ge [sflag:s7], $0x2780  }
0xb: {  	[sflag:s7] =	ssyncset.done $0x0  }
0xc: {  	[sflag:s7] =	ssyncadd.s32 $0xFFFFD880  }
0xd: {  	[tilespmem:s8], [sflag:$0x1] =	stream.linear.gather [hbm4b:s4+s3], $0x3E80, $0x38;
	[tilespmem:$0xA780] =	vst v63  }
0xe: {  	_ =	swait.ge [sflag:s7], $0x3E80  }
0xf: {  	[sflag:s7] =	ssyncset.done $0x0  }
0x10: {  	s11 =	simm.s32 $0x0;
	[sflag:s7] =	ssyncadd.s32 $0xFFFFC180  }
0x11: {  	v0 =	vld [tilespmem:s11+$0x2780];
	_ =	sdelay $0x6  }
0x12: {  	v1 =	vld [tilespmem:s11+$0x2790]  }
0x13: {  	v0 =	vld.idx.msk [tilespmem:v0+s3+$0x0], $0xffff;
	_ =	sdelay $0x4  }
0x14: {  	[tilespmem:s11+$0x6780] =	vst v0;
	v0 =	vld [tilespmem:s11+$0x27A0];
	_ =	sdelay $0x1  }
0x15: {  	v1 =	vld.idx.msk [tilespmem:v1+s3+$0x0], $0xffff;
	_ =	sdelay $0x4  }
0x16: {  	[tilespmem:s11+$0x6790] =	vst v1;
	v1 =	vld [tilespmem:s11+$0x27B0]  }
0x17: {  	v0 =	vld.idx.msk [tilespmem:v0+s3+$0x0], $0xffff;
	_ =	sdelay $0x4  }
0x18: {  	[tilespmem:s11+$0x67A0] =	vst v0;
	v0 =	vld [tilespmem:s11+$0x27C0];
	_ =	sdelay $0x1  }
0x19: {  	v1 =	vld.idx.msk [tilespmem:v1+s3+$0x0], $0xffff;
	_ =	sdelay $0x3  }
0x1a: {  	s13 =	simm.s32 $0x80;
	s12 =	simm.s32 $0x400  }
.LBB2_2:
0x1b: {  	p0 =	sne.s32 s12, $0xF800;
	v2 =	vld [tilespmem:s13+$0x2780];
	[tilespmem:s11+$0x67B0] =	vst v1  }
0x1c: {  	v0 =	vld.idx.msk [tilespmem:v0+s3+$0x0], $0xffff;
	_ =	sdelay $0x5  }
0x1d: {  	v1 =	vld [tilespmem:s13+$0x2790];
	[tilespmem:s11+$0x67C0] =	vst v0;
	s11 =	smov.u32 s13  }
0x1e: {  	v0 =	vld.idx.msk [tilespmem:v2+s3+$0x0], $0xffff;
	_ =	sdelay $0x5  }
0x1f: {  	[tilespmem:s11+$0x6780] =	vst v0;
	v0 =	vld [tilespmem:s11+$0x27A0]  }
0x20: {  	v1 =	vld.idx.msk [tilespmem:v1+s3+$0x0], $0xffff;
	_ =	sdelay $0x5  }
0x21: {  	[tilespmem:s11+$0x6790] =	vst v1;
	v1 =	vld [tilespmem:s11+$0x27B0]  }
0x22: {  	v0 =	vld.idx.msk [tilespmem:v0+s3+$0x0], $0xffff;
	_ =	sdelay $0x5  }
0x23: {  	[tilespmem:s11+$0x67A0] =	vst v0;
	v0 =	vld [tilespmem:s11+$0x27C0]  }
0x24: {  	v1 =	vld.idx.msk [tilespmem:v1+s3+$0x0], $0xffff  }
.Ltmp0:
0x25: {  	(pc) =	sbr.rel @p0 .LBB2_2-.Ltmp0, $2  }
0x26: {  	_ =	sdelay $0x2  }
0x27: {  	s13 =	sshra.s32 s12, $0x2;
	s12 =	sadd.s32 $0x200, s12  }
0x28: {  	_ =	sdelay $0x1  }
0x29: {  	v2 =	vld [tilespmem:s13+$0x2780]  }
0x2a: {  	[tilespmem:s11+$0x67B0] =	vst v1  }
0x2b: {  	v0 =	vld.idx.msk [tilespmem:v0+s3+$0x0], $0xffff;
	_ =	sdelay $0x3  }
0x2c: {  	v1 =	vld [tilespmem:s13+$0x2790]  }
0x2d: {  	[tilespmem:s11+$0x67C0] =	vst v0  }
0x2e: {  	v0 =	vld.idx.msk [tilespmem:v2+s3+$0x0], $0xffff;
	_ =	sdelay $0x3  }
0x2f: {  	v61 =	vld [tilespmem:s13+$0x27A0]  }
0x30: {  	[tilespmem:s13+$0x6780] =	vst v0  }
0x31: {  	v1 =	vld.idx.msk [tilespmem:v1+s3+$0x0], $0xffff;
	_ =	sdelay $0x3  }
0x32: {  	v62 =	vld [tilespmem:s13+$0x27B0]  }
0x33: {  	[tilespmem:s13+$0x6790] =	vst v1  }
0x34: {  	v0 =	vld.idx.msk [tilespmem:v61+s3+$0x0], $0xffff;
	_ =	sdelay $0x3  }
0x35: {  	v63 =	vld [tilespmem:s13+$0x27C0]  }
0x36: {  	[tilespmem:s13+$0x67A0] =	vst v0  }
0x37: {  	v1 =	vld.idx.msk [tilespmem:v62+s3+$0x0], $0xffff;
	_ =	sdelay $0x4  }
0x38: {  	[tilespmem:s13+$0x67B0] =	vst v1  }
0x39: {  	v0 =	vld.idx.msk [tilespmem:v63+s3+$0x0], $0xffff;
	_ =	sdelay $0x2  }
0x3a: {  	s10 =	sadd.s32 $0x1, s10  }
0x3b: {  	p0 =	sne.s32 s10, s6  }
.Ltmp1:
0x3c: {  	[tilespmem:s13+$0x67C0] =	vst v0;
	(pc) =	sbr.rel @p0 .LBB2_1-.Ltmp1, $4  }
0x3d: {  	[hbm4b:s5+s3] =	stream.linear.scatter [tilespmem:s9], [sflag:$0x1], $0x3E80, $0x38;
	[tilespmem:$0xA780] =	vst v63  }
0x3e: {  	_ =	swait.ge [sflag:s7], $0x3E80  }
0x3f: {  	[sflag:s7] =	ssyncset.done $0x0  }
0x40: {  	[sflag:s7] =	ssyncadd.s32 $0xFFFFC180  }
0x41: {  	_ =	sfence.sel $0x180000  }
0x42: {  	[bflag:$0x0] =	sbarrier.arrive $0xFFFF  }
0x43: {  	p0 =	sne.s32 s1, $0x0;
	_ =	strace $0x90000047  }
0x44: {  	s0 =	sadd.s32 @!p0 $0x100000, s0;
	[bflag:$0x2] =	sbarrier.arrive $0xFFFF  }
0x45: {  	[sflag:s0] =	ssyncadd.tile.s32 @!p0 $0x1;
	_ =	shalt  }
.Lfunc_end2:
_tile_overlayer_lowered:
.L_overlay_start_2:
0x46: {  	(tag) =	ssettag $0x2  }
0x47: {  	s0 =	rddreg [dreg:$0x0];
	s2 =	stileid.u32  }
0x48: {  	s1 =	rddreg [dreg:$0x1];
	p0 =	sne.s32 s2, $0x0  }
0x49: {  	s3 =	rddreg [dreg:$0x2];
	[bflag:$0x3] =	sbarrier.arrive $0xFFFF;
	s2 =	simm.s32 @!p0 $0x1C01  }
0x4a: {  	[timem:s3], [sflag:s2] =	dma.local @!p0 [hbm:s0], s1  }
0x4b: {  	s0 =	simm.s32 @!p0 $0x1  }
0x4c: {  	_ =	swait.ge @!p0 [sflag:s0], s1  }
0x4d: {  	s1 =	ssub.s32 @!p0 $0x0, s1;
	[sflag:s0] =	ssyncset.done @!p0 $0x0  }
0x4e: {  	[sflag:s0] =	ssyncadd.s32 @!p0 s1  }
0x4f: {  	[bflag:$0x3] =	sbarrier.arrive $0xFFFF  }
0x50: {  	_ =	shalt  }

// kernel: kernel.9.cloned.1.call-start
scs
__scs_entry_jumppad:
0x0: {  	(pc) =	sbr.rel $0x88, $3  }
0x1: {  	(tag) =	ssettag $0x0;
	lr =	simm.s32 $0x1  }
0x2: {  	[smem:$0x3F95] =	sst lr;
	_ =	strace $0xD0000000  }
0x3: {  	_ = 	snop  }
0x4: {  	_ = 	snop  }
0x5: {  	_ = 	snop  }
0x6: {  	_ = 	snop  }
0x7: {  	_ = 	snop  }
__scs_overlays_trampoline_lowered:
0x8: {  	[smem:$0x3FA4] =	sst s0  }
0x9: {  	[smem:$0x3FA5] =	sst s1  }
0xa: {  	[smem:$0x3FA6] =	sst s2  }
0xb: {  	[smem:$0x3FA7] =	sst s3  }
0xc: {  	[smem:$0x3FA8] =	sst s4  }
0xd: {  	[smem:$0x3FA9] =	sst s5  }
0xe: {  	[smem:$0x3FAA] =	sst s6  }
0xf: {  	[smem:$0x3FAB] =	sst s7  }
0x10: {  	[smem:$0x3FAC] =	sst s8  }
0x11: {  	[smem:$0x3FAD] =	sst s9;
	s0 =	simm.s32 @!p0 $0x0  }
0x12: {  	s1 =	sld [smem:$0x3F93];
	s0 =	simm.s32 @p0 $0x1  }
0x13: {  	[smem:$0x3FAE] =	sst s0;
	s0 =	simm.s32 @!p1 $0x0  }
0x14: {  	s2 =	sld [smem:$0x3F92];
	s0 =	simm.s32 @p1 $0x1  }
0x15: {  	[smem:$0x3FAF] =	sst s0;
	s0 =	simm.s32 @!p2 $0x0  }
0x16: {  	s3 =	sld [smem:$0x3FDB];
	s0 =	simm.s32 @p2 $0x1  }
0x17: {  	s4 =	simm.s32 $0x1BF5;
	[smem:$0x3FB1] =	sst s0  }
0x18: {  	s0 =	sld [smem:$0x3F94];
	_ =	swait.ge [sflag:s4], $0x0  }
0x19: {  	s7 =	sld [smem:$0x3F95]  }
0x1a: {  	s8 =	sadd.s32 $0xFFFFE003, lr  }
0x1b: {  	s9 =	sadd.s32 $0xFFFFFEF7, lr;
	s5 =	simm.s32 $0xFFFFFFFF;
	p2 =	slt.u32 s8, $0xFFFFF086  }
0x1c: {  	p1 =	slt.u32 s9, $0xF7A;
	s5 =	simm.s32 @!p2 $0x0  }
0x1d: {  	s5 =	simm.s32 @p1 $0x1;
	p0 =	seq.s32 s7, s2  }
0x1e: {  	s7 =	smul.u32 @!p0 $0xF7A, s2;
	p2 =	seq.s32 @!p0 s5, $0x0  }
0x1f: {  	s9 =	smul.u32 $0xF7A, s1;
	s8 =	simm.s32 @!p0 $0x1BF5;
	p2 =	por !p2, p0  }
0x20: {  	[sflag:s8] =	ssyncset.s32 @!p0 $0xFFFFF086;
	s6 =	sadd.s32 @!p0 s3, s7;
	s7 =	simm.s32 @!p0 $0x108  }
0x21: {  	s3 =	sadd.s32 s3, s9;
	s6 =	sadd.s32 @!p0 $0x88, s6;
	s7 =	simm.s32 @p2 $0x1082  }
0x22: {  	[simem:s7], [sflag:s8] =	dma.local @!p0 [hbm:s6], $0xF7A  }
0x23: {  	s9 =	sor.u32 $0xD0000000, s2;
	s6 =	simm.s32 $0x108;
	_ =	swait.ge @!p0 [sflag:s8], $0x0  }
0x24: {  	s3 =	sadd.s32 $0x88, s3;
	s6 =	simm.s32 @!p1 $0x1082;
	[sflag:s4] =	ssyncset.s32 $0xFFFFF086  }
0x25: {  	[simem:s6], [sflag:s4] =	dma.local [hbm:s3], $0xF7A  }
0x26: {  	[smem:$0x3F95] =	sst s1;
	(tag) =	ssettag s2;
	_ =	strace s9  }
0x27: {  	s1 =	sld [smem:$0x3FA5]  }
0x28: {  	s2 =	sld [smem:$0x3FA6]  }
0x29: {  	s4 =	sld [smem:$0x3FA8]  }
0x2a: {  	p0 =	seq.s32 s5, $0x0;
	s5 =	sld [smem:$0x3FA9]  }
0x2b: {  	s6 =	sld [smem:$0x3FAA]  }
0x2c: {  	s7 =	sld [smem:$0x3FAB]  }
0x2d: {  	s3 =	simm.s32 $0x108;
	s8 =	sld [smem:$0x3FAC]  }
0x2e: {  	s3 =	simm.s32 @!p0 $0x1082;
	s9 =	sld [smem:$0x3FAD]  }
0x2f: {  	lr =	sadd.s32 s0, s3;
	s0 =	sld [smem:$0x3FA4]  }
0x30: {  	s3 =	sld [smem:$0x3FA7]  }
0x31: {  	[smem:$0x3FB0] =	sst s10  }
0x32: {  	s10 =	sld [smem:$0x3FAE];
	_ =	sdelay $0x3  }
0x33: {  	p0 =	seq.s32 s10, $0x1;
	s10 =	sld [smem:$0x3FB0];
	_ =	sdelay $0x3  }
0x34: {  	[smem:$0x3FB0] =	sst s10  }
0x35: {  	s10 =	sld [smem:$0x3FAF];
	_ =	sdelay $0x3  }
0x36: {  	p1 =	seq.s32 s10, $0x1;
	s10 =	sld [smem:$0x3FB0];
	_ =	sdelay $0x3  }
0x37: {  	[smem:$0x3FB0] =	sst s10  }
0x38: {  	s10 =	sld [smem:$0x3FB1]  }
0x39: {  	_ = 	snop;
	(pc) =	sbr.ind lr, $3  }
0x3a: {  	_ = 	snop  }
0x3b: {  	_ = 	snop  }
0x3c: {  	p2 =	seq.s32 s10, $0x1;
	s10 =	sld [smem:$0x3FB0]  }
0x3d: {  	_ =	shalt  }
0x3e: {  	_ =	shalt  }
0x3f: {  	_ =	shalt  }
0x40: {  	_ =	shalt  }
0x41: {  	_ =	shalt  }
0x42: {  	_ =	shalt  }
0x43: {  	_ =	shalt  }
0x44: {  	_ =	shalt  }
0x45: {  	_ =	shalt  }
0x46: {  	_ =	shalt  }
0x47: {  	_ =	shalt  }
0x48: {  	_ =	shalt  }
0x49: {  	_ =	shalt  }
0x4a: {  	_ =	shalt  }
0x4b: {  	_ =	shalt  }
0x4c: {  	_ =	shalt  }
0x4d: {  	_ =	shalt  }
0x4e: {  	_ =	shalt  }
0x4f: {  	_ =	shalt  }
0x50: {  	_ =	shalt  }
0x51: {  	_ =	shalt  }
0x52: {  	_ =	shalt  }
0x53: {  	_ =	shalt  }
0x54: {  	_ =	shalt  }
0x55: {  	_ =	shalt  }
0x56: {  	_ =	shalt  }
0x57: {  	_ =	shalt  }
0x58: {  	_ =	shalt  }
0x59: {  	_ =	shalt  }
0x5a: {  	_ =	shalt  }
0x5b: {  	_ =	shalt  }
0x5c: {  	_ =	shalt  }
0x5d: {  	_ =	shalt  }
0x5e: {  	_ =	shalt  }
0x5f: {  	_ =	shalt  }
0x60: {  	_ =	shalt  }
0x61: {  	_ =	shalt  }
0x62: {  	_ =	shalt  }
0x63: {  	_ =	shalt  }
0x64: {  	_ =	shalt  }
0x65: {  	_ =	shalt  }
0x66: {  	_ =	shalt  }
0x67: {  	_ =	shalt  }
0x68: {  	_ =	shalt  }
0x69: {  	_ =	shalt  }
0x6a: {  	_ =	shalt  }
0x6b: {  	_ =	shalt  }
0x6c: {  	_ =	shalt  }
0x6d: {  	_ =	shalt  }
0x6e: {  	_ =	shalt  }
0x6f: {  	_ =	shalt  }
0x70: {  	_ =	shalt  }
0x71: {  	_ =	shalt  }
0x72: {  	_ =	shalt  }
0x73: {  	_ =	shalt  }
0x74: {  	_ =	shalt  }
0x75: {  	_ =	shalt  }
0x76: {  	_ =	shalt  }
0x77: {  	_ =	shalt  }
0x78: {  	_ =	shalt  }
0x79: {  	_ =	shalt  }
0x7a: {  	_ =	shalt  }
0x7b: {  	_ =	shalt  }
0x7c: {  	_ =	shalt  }
0x7d: {  	_ =	shalt  }
0x7e: {  	_ =	shalt  }
0x7f: {  	_ =	shalt  }
0x80: {  	_ =	shalt  }
0x81: {  	_ =	shalt  }
0x82: {  	_ =	shalt  }
0x83: {  	_ =	shalt  }
0x84: {  	_ =	shalt  }
0x85: {  	_ =	shalt  }
0x86: {  	_ =	shalt  }
0x87: {  	_ =	shalt  }
.Lfunc_end0:
.L_simem_size_0:
called_computation.1_lowered:
.L_overlay_start_0:
0x88: {  	s2 =	sld [smem:$0x3FD9]  }
0x89: {  	s3 =	sld [smem:$0x3FFE];
	_ =	sdelay $0x1  }
0x8a: {  	s1 =	srdreg.scid  }
0x8b: {  	s0 =	sand.u32 $0x1, s1  }
0x8c: {  	s16 =	sshll.u32 s0, $0xA;
	s2 =	sadd.s32 s3, s2  }
0x8d: {  	s2 =	sadd.s32 s2, s16  }
0x8e: {  	[smem:$0x3FBC] =	sst s2  }
0x8f: {  	_ = 	snop  }
0x90: {  	(tm) =	ssettm $0x1  }
0x91: {  	s17 =	sld [smem:$0x3FFB];
	_ =	sdelay $0x3  }
0x92: {  	_ =	strace s17  }
0x93: {  	s2 =	sld [smem:$0x3FFC];
	_ =	sdelay $0x3  }
0x94: {  	_ =	strace s2  }
0x95: {  	s2 =	sld [smem:$0x3FFD];
	_ =	sdelay $0x3  }
0x96: {  	_ =	strace s2  }
0x97: {  	_ =	strace $0x8FFFFFFF  }
0x98: {  	s18 =	sld [smem:$0x3FDB];
	_ =	sdelay $0x1  }
0x99: {  	s19 =	simm.s32 $_scs_section_size  }
0x9a: {  	s4 =	simm.s32 $_size__tile_overlayer_lowered;
	s5 =	simm.s32 $_tile_overlayer_lowered  }
0x9b: {  	s22 =	simm.s32 $0x1BFF;
	s21 =	sshll.u32 s5, $0x1;
	s2 =	sadd.s32 s19, s18  }
0x9c: {  	s6 =	simm.s32 $0x0;
	s20 =	sshll.u32 s4, $0x1;
	s4 =	sadd.s32 s21, s2  }
0x9d: {  	[timem:s6], [sflag:s22] =	dma.local [hbm:s4], s20  }
0x9e: {  	_ =	swait.ge [sflag:s22], s20  }
0x9f: {  	s3 =	ssub.s32 $0x0, s20;
	[sflag:s22] =	ssyncset.done $0x0  }
0xa0: {  	[sflag:s22] =	ssyncadd.s32 s3;
	_ =	sdelay $0x1  }
0xa1: {  	s23 =	simm.s32 $0x1B8B  }
0xa2: {  	_ =	swait.ge [sflag:s23], $0x1  }
0xa3: {  	[sflag:s23] =	ssyncset.done $0x0  }
0xa4: {  	s25 =	simm.s32 $0x1B8E;
	s24 =	sld [smem:$0x3FFE];
	[sflag:s23] =	ssyncadd.s32 $0xFFFFFFFF  }
0xa5: {  	s26 =	simm.s32 $execute0_lowered;
	[smem:$0x3FD2] =	sst s25  }
0xa6: {  	s4 =	sshll.u32 s26, $0x1;
	_ =	strace $0x80000049;
	[dreg:$0x1] =	wrdreg $0xFFFFFFFF  }
0xa7: {  	s28 =	simm.s32 $_size_execute0_lowered;
	s2 =	sadd.s32 s2, s4;
	[dreg:$0x0] =	wrdreg $0x0  }
0xa8: {  	s4 =	sshll.u32 s28, $0x1;
	[dreg:$0x2] =	wrdreg s2  }
0xa9: {  	[dreg:$0x3] =	wrdreg s4  }
0xaa: {  	[dreg:$0x4] =	wrdreg $0xC0  }
0xab: {  	_ =	task [dreg:s6], $0x5FFFF  }
0xac: {  	[dreg:$0x1] =	wrdreg $0xFFFFFFFF  }
0xad: {  	[dreg:$0x0] =	wrdreg $0x60  }
0xae: {  	[dreg:$0x2] =	wrdreg s24  }
0xaf: {  	[dreg:$0x3] =	wrdreg $0xA4000  }
0xb0: {  	[dreg:$0x4] =	wrdreg $0x9  }
0xb1: {  	_ =	task.clear_ibuf [dreg:s6], $0x5FFFF;
	_ =	strace $0x90000049  }
0xb2: {  	s29 =	simm.s32 $0x9;
	_ =	strace $0x8000004B  }
0xb3: {  	_ =	swait.ge [sflag:s29], $0x1  }
0xb4: {  	[sflag:s29] =	ssyncadd.s32 $0xFFFFFFFF  }
0xb5: {  	_ =	strace $0x9000004B  }
0xb6: {  	_ =	sfence  }
0xb7: {  	s30 =	sld [smem:$0x0];
	_ =	sdelay $0x2  }
0xb8: {  	s31 =	sshll.u32 s1, $0xD;
	s1 =	sshrl.u32 s1, $0x2  }
0xb9: {  	s3 =	sand.u32 $0x4000, s31;
	s1 =	sadd.s32 s1, s30  }
0xba: {  	s0 =	sor.u32 s3, s0;
	s1 =	sshll.u32 s1, $0x11  }
0xbb: {  	s0 =	sor.u32 s1, s0  }
0xbc: {  	s0 =	sadd.s32 $0x8F2B, s0  }
0xbd: {  	[sflag:s0] =	ssyncadd.remote.s32 $0x1  }
0xbe: {  	_ =	sfence.sel $0xFFFF  }
0xbf: {  	[dreg:$0x0] =	wrdreg $0xFFFFFFFF;
	(pc) =	sbr.abs _section_cstart, $3  }
0xc0: {  	[dreg:$0x1] =	wrdreg $0xFFFFFFFF  }
0xc1: {  	_ =	task.clear_ibuf [dreg:s6], $0x2FFFF;
	_ =	strace $0x9FFFFFFF  }
0xc2: {  	(tm) =	ssettm $0x7FFFFFFF  }
0xc3: {  	_ =	shalt  }
tec
execute0_lowered:
.L_overlay_start_1:
0x0: {  	(tag) =	ssettag $0x1  }
0x1: {  	s0 =	rddreg [dreg:$0x0];
	s3 =	simm.s32 $0x0;
	s15 =	stileid.u32  }
0x2: {  	s2 =	srdreg.scid;
	s6 =	sadd.s32 $0x514400, s0;
	s9 =	smul.u32 $0x14000, s15  }
0x3: {  	[smem:$0x7FF] =	sst s3;
	s7 =	sadd.s32 $0x9F6400, s0;
	s12 =	smul.u32 $0x50000, s15  }
0x4: {  	s2 =	sand.u32 $0x1, s2;
	s10 =	sadd.s32 $0xED8400, s0;
	s29 =	smul.u32 $0x4E200, s15  }
0x5: {  	s4 =	sshll.u32 s15, $0x1;
	s11 =	sadd.s32 $0x13BA400, s0;
	s5 =	smul.u32 $0x500000, s2  }
0x6: {  	s4 =	sor.u32 s2, s4;
	s17 =	ssub.s32 $0x2, s2;
	s2 =	smul.u32 $0x27100, s2  }
0x7: {  	s1 =	rddreg [dreg:$0x1];
	_ =	strace $0x8000004A;
	s14 =	smul.u32 $0x138800, s4  }
0x8: {  	s8 =	sshll.u32 s4, $0xB;
	s13 =	sshrl.u32 s17, $0x1;
	s4 =	smul.u32 $0x27100, s4  }
0x9: {  	s19 =	sshrl.u32 s12, $0x2;
	s16 =	sadd.s32 s29, s6;
	s8 =	sadd.s32 s8, s0  }
0xa: {  	s5 =	sadd.s32 s9, s5;
	s9 =	ssub.s32 s17, s13;
	s17 =	sadd.s32 s29, s7  }
0xb: {  	s5 =	sshrl.u32 s5, $0x3;
	s18 =	sadd.s32 $0x503C00, s8;
	s20 =	sshrl.u32 s14, $0x3  }
0xc: {  	s21 =	sadd.s32 s6, s4;
	s23 =	sadd.s32 s7, s4;
	[dreg:$0x3] =	wrdreg s18  }
0xd: {  	s25 =	sadd.s32 s10, s4;
	s28 =	sadd.s32 s11, s4;
	[dreg:$0x4] =	wrdreg s21  }
0xe: {  	s4 =	sadd.s32 $0x26C00, s4;
	s0 =	sadd.s32 s5, s0;
	[dreg:$0x6] =	wrdreg s23  }
0xf: {  	s5 =	sadd.s32 s19, s1;
	s8 =	sadd.s32 $0x500, s20;
	[dreg:$0x8] =	wrdreg s25  }
0x10: {  	[dreg:$0xa] =	wrdreg s28;
	s13 =	sadd.s32 s6, s4;
	s14 =	sadd.s32 s7, s4  }
0x11: {  	s15 =	sadd.s32 s10, s4;
	s4 =	sadd.s32 s11, s4;
	[dreg:$0xc] =	wrdreg s13  }
0x12: {  	s18 =	sadd.s32 s29, s10;
	s22 =	sadd.s32 s6, s8;
	[dreg:$0xd] =	wrdreg s14  }
0x13: {  	s24 =	sadd.s32 s7, s8;
	s26 =	sadd.s32 s10, s8;
	[dreg:$0xe] =	wrdreg s15  }
0x14: {  	s8 =	sadd.s32 s11, s8;
	[dreg:$0xf] =	wrdreg s4;
	s19 =	sadd.s32 $0x1C00, s0  }
0x15: {  	s4 =	sadd.s32 s2, s16;
	s6 =	sadd.s32 s2, s17;
	s7 =	sadd.s32 s2, s18  }
0x16: {  	s20 =	sadd.s32 $0x29C00, s0;
	s21 =	sadd.s32 $0x51C00, s0;
	[dreg:$0x5] =	wrdreg s22  }
0x17: {  	s0 =	sadd.s32 $0x79C00, s0;
	s28 =	sadd.s32 $0x1400, s5;
	[dreg:$0x7] =	wrdreg s24  }
0x18: {  	s30 =	sadd.s32 $0x3C00, s5;
	s31 =	sadd.s32 $0x5000, s5;
	[dreg:$0x9] =	wrdreg s26  }
0x19: {  	s10 =	sadd.s32 $0xF000, s5;
	s12 =	sadd.s32 $0x11800, s5;
	[dreg:$0xb] =	wrdreg s8  }
0x1a: {  	s13 =	sadd.s32 $0x12C00, s5;
	s14 =	simm.s32 $0x3;
	[dreg:$0x10] =	wrdreg s19  }
0x1b: {  	s15 =	simm.s32 $0x9000;
	s16 =	simm.s32 $0x4000;
	[dreg:$0x11] =	wrdreg s20  }
0x1c: {  	s17 =	simm.s32 $0x6800;
	s18 =	simm.s32 $0x1;
	[dreg:$0x12] =	wrdreg s21  }
0x1d: {  	s8 =	sadd.s32 s29, s11;
	[dreg:$0x13] =	wrdreg s0;
	s22 =	smax.u32 s9, $0x1  }
0x1e: {  	s23 =	sadd.s32 $0xF00, s4;
	s24 =	sadd.s32 $0xF00, s6;
	s25 =	sadd.s32 $0xF00, s7  }
0x1f: {  	[dreg:$0x19] =	wrdreg s28;
	s29 =	sadd.s32 $0x2800, s5;
	s0 =	sadd.s32 $0x6400, s5  }
0x20: {  	s4 =	sadd.s32 $0x8C00, s5;
	s6 =	sadd.s32 $0xA000, s5;
	[dreg:$0x14] =	wrdreg s22  }
0x21: {  	s7 =	sadd.s32 $0xB400, s5;
	s9 =	sadd.s32 $0xDC00, s5;
	[dreg:$0x15] =	wrdreg s23  }
0x22: {  	s11 =	sadd.s32 $0x10400, s5;
	s19 =	simm.s32 $0x50;
	[dreg:$0x16] =	wrdreg s24  }
0x23: {  	s20 =	simm.s32 $0x2;
	s2 =	sadd.s32 s2, s8;
	[dreg:$0x17] =	wrdreg s25  }
0x24: {  	[dreg:$0x1a] =	wrdreg s29;
	s8 =	sadd.s32 $0xC800, s5;
	s26 =	sadd.s32 $0xF00, s2  }
0x25: {  	v0 =	vimm.f32 $0.0e+00;
	s22 =	simm.s32 $0x0;
	s2 =	sadd.s32 $0x7800, s5;
	[dreg:$0x18] =	wrdreg s26  }
.LBB2_1:
0x26: {  	s21 =	rddreg [dreg:$0x3]  }
0x27: {  	[tilespmem:s3], [sflag:$0x3] =	stream.linear.gather [hbm4b:s21+s3], $0x3E80, $0x38;
	[tilespmem:$0x1E400] =	vst v63  }
0x28: {  	s29 =	sand.u32 $0x7E00, s3;
	s23 =	sand.u32 $0x70, s3;
	_ =	swait.ge [sflag:s14], $0x3E80  }
0x29: {  	s24 =	sshrl.u32 s29, $0x2;
	s21 =	simm.s32 $0x40;
	[sflag:s14] =	ssyncset.done $0x0  }
0x2a: {  	s24 =	sor.u32 s23, s24;
	s23 =	simm.s32 $0x0;
	[sflag:s14] =	ssyncadd.s32 $0xFFFFC180  }
.LBB2_2:
0x2b: {  	p0 =	sne.s32 s21, $0x4FC0  }
0x2c: {  	[tilespmem:s24+$0x9000] =	vst v0;
	s23 =	sadd.s32 $0x10, s23;
	s24 =	smov.u32 s21;
	s21 =	sadd.s32 $0x40, s21  }
.Ltmp0:
0x2d: {  	(pc) =	sbr.rel @p0 .LBB2_2-.Ltmp0, $4  }
0x2e: {  	_ = 	snop  }
0x2f: {  	s24 =	sand.u32 $0x7E00, s24  }
0x30: {  	s25 =	sand.u32 $0x70, s23;
	s24 =	sshrl.u32 s24, $0x2  }
0x31: {  	s24 =	sor.u32 s25, s24  }
0x32: {  	[tilespmem:s24+$0x9000] =	vst v0  }
0x33: {  	[spmem:s5] =	stream.linear.scatter [tilespmem:s15], [sflag:$0x3], $0x1400, $0x38;
	[tilespmem:$0x1E400] =	vst v63  }
0x34: {  	_ =	swait.ge [sflag:s14], $0x1400  }
0x35: {  	[sflag:s14] =	ssyncset.done $0x0  }
0x36: {  	s21 =	rddreg [dreg:$0x19];
	[sflag:s14] =	ssyncadd.s32 $0xFFFFEC00  }
0x37: {  	[spmem:s21] =	stream.linear.scatter [tilespmem:s15], [sflag:$0x3], $0x1400, $0x38;
	[tilespmem:$0x1E400] =	vst v63  }
0x38: {  	_ =	swait.ge [sflag:s14], $0x1400  }
0x39: {  	[sflag:s14] =	ssyncset.done $0x0  }
0x3a: {  	s23 =	rddreg [dreg:$0x1a];
	[sflag:s14] =	ssyncadd.s32 $0xFFFFEC00  }
0x3b: {  	[spmem:s23] =	stream.linear.scatter [tilespmem:s15], [sflag:$0x3], $0x1400, $0x38;
	[tilespmem:$0x1E400] =	vst v63  }
0x3c: {  	_ =	swait.ge [sflag:s14], $0x1400  }
0x3d: {  	[sflag:s14] =	ssyncset.done $0x0  }
0x3e: {  	[sflag:s14] =	ssyncadd.s32 $0xFFFFEC00  }
0x3f: {  	[spmem:s30] =	stream.linear.scatter [tilespmem:s15], [sflag:$0x3], $0x1400, $0x38;
	[tilespmem:$0x1E400] =	vst v63  }
0x40: {  	_ =	swait.ge [sflag:s14], $0x1400  }
0x41: {  	[sflag:s14] =	ssyncset.done $0x0  }
0x42: {  	[sflag:s14] =	ssyncadd.s32 $0xFFFFEC00  }
0x43: {  	[spmem:s31] =	stream.linear.scatter [tilespmem:s15], [sflag:$0x3], $0x1400, $0x38;
	[tilespmem:$0x1E400] =	vst v63  }
0x44: {  	_ =	swait.ge [sflag:s14], $0x1400  }
0x45: {  	[sflag:s14] =	ssyncset.done $0x0  }
0x46: {  	[sflag:s14] =	ssyncadd.s32 $0xFFFFEC00  }
0x47: {  	[spmem:s0] =	stream.linear.scatter [tilespmem:s15], [sflag:$0x3], $0x1400, $0x38;
	[tilespmem:$0x1E400] =	vst v63  }
0x48: {  	_ =	swait.ge [sflag:s14], $0x1400  }
0x49: {  	[sflag:s14] =	ssyncset.done $0x0  }
0x4a: {  	[sflag:s14] =	ssyncadd.s32 $0xFFFFEC00  }
0x4b: {  	[spmem:s2] =	stream.linear.scatter [tilespmem:s15], [sflag:$0x3], $0x1400, $0x38;
	[tilespmem:$0x1E400] =	vst v63  }
0x4c: {  	_ =	swait.ge [sflag:s14], $0x1400  }
0x4d: {  	[sflag:s14] =	ssyncset.done $0x0  }
0x4e: {  	[sflag:s14] =	ssyncadd.s32 $0xFFFFEC00  }
0x4f: {  	[spmem:s4] =	stream.linear.scatter [tilespmem:s15], [sflag:$0x3], $0x1400, $0x38;
	[tilespmem:$0x1E400] =	vst v63  }
0x50: {  	_ =	swait.ge [sflag:s14], $0x1400  }
0x51: {  	[sflag:s14] =	ssyncset.done $0x0  }
0x52: {  	[sflag:s14] =	ssyncadd.s32 $0xFFFFEC00  }
0x53: {  	[spmem:s6] =	stream.linear.scatter [tilespmem:s15], [sflag:$0x3], $0x1400, $0x38;
	[tilespmem:$0x1E400] =	vst v63  }
0x54: {  	_ =	swait.ge [sflag:s14], $0x1400  }
0x55: {  	[sflag:s14] =	ssyncset.done $0x0  }
0x56: {  	[sflag:s14] =	ssyncadd.s32 $0xFFFFEC00  }
0x57: {  	[spmem:s7] =	stream.linear.scatter [tilespmem:s15], [sflag:$0x3], $0x1400, $0x38;
	[tilespmem:$0x1E400] =	vst v63  }
0x58: {  	_ =	swait.ge [sflag:s14], $0x1400  }
0x59: {  	[sflag:s14] =	ssyncset.done $0x0  }
0x5a: {  	[sflag:s14] =	ssyncadd.s32 $0xFFFFEC00  }
0x5b: {  	[spmem:s8] =	stream.linear.scatter [tilespmem:s15], [sflag:$0x3], $0x1400, $0x38;
	[tilespmem:$0x1E400] =	vst v63  }
0x5c: {  	_ =	swait.ge [sflag:s14], $0x1400  }
0x5d: {  	[sflag:s14] =	ssyncset.done $0x0  }
0x5e: {  	[sflag:s14] =	ssyncadd.s32 $0xFFFFEC00  }
0x5f: {  	[spmem:s9] =	stream.linear.scatter [tilespmem:s15], [sflag:$0x3], $0x1400, $0x38;
	[tilespmem:$0x1E400] =	vst v63  }
0x60: {  	_ =	swait.ge [sflag:s14], $0x1400  }
0x61: {  	[sflag:s14] =	ssyncset.done $0x0  }
0x62: {  	[sflag:s14] =	ssyncadd.s32 $0xFFFFEC00  }
0x63: {  	[spmem:s10] =	stream.linear.scatter [tilespmem:s15], [sflag:$0x3], $0x1400, $0x38;
	[tilespmem:$0x1E400] =	vst v63  }
0x64: {  	_ =	swait.ge [sflag:s14], $0x1400  }
0x65: {  	[sflag:s14] =	ssyncset.done $0x0  }
0x66: {  	[sflag:s14] =	ssyncadd.s32 $0xFFFFEC00  }
0x67: {  	[spmem:s11] =	stream.linear.scatter [tilespmem:s15], [sflag:$0x3], $0x1400, $0x38;
	[tilespmem:$0x1E400] =	vst v63  }
0x68: {  	_ =	swait.ge [sflag:s14], $0x1400  }
0x69: {  	[sflag:s14] =	ssyncset.done $0x0  }
0x6a: {  	[sflag:s14] =	ssyncadd.s32 $0xFFFFEC00  }
0x6b: {  	[spmem:s12] =	stream.linear.scatter [tilespmem:s15], [sflag:$0x3], $0x1400, $0x38;
	[tilespmem:$0x1E400] =	vst v63  }
0x6c: {  	_ =	swait.ge [sflag:s14], $0x1400  }
0x6d: {  	[sflag:s14] =	ssyncset.done $0x0  }
0x6e: {  	[sflag:s14] =	ssyncadd.s32 $0xFFFFEC00  }
0x6f: {  	[spmem:s13] =	stream.linear.scatter [tilespmem:s15], [sflag:$0x3], $0x1400, $0x38;
	[tilespmem:$0x1E400] =	vst v63  }
0x70: {  	_ =	swait.ge [sflag:s14], $0x1400  }
0x71: {  	[sflag:s14] =	ssyncset.done $0x0  }
0x72: {  	[sflag:s14] =	ssyncadd.s32 $0xFFFFEC00  }
0x73: {  	[bflag:$0x0] =	sbarrier.arrive $0xFFFF  }
0x74: {  	s24 =	simm.s32 $0x0;
	s23 =	rddreg [dreg:$0x4]  }
0x75: {  	[tilespmem:s16], [sflag:$0x1] =	stream.linear.gather [hbm4b:s23+s24], $0x2800, $0x38;
	[tilespmem:$0x1E400] =	vst v63  }
0x76: {  	s25 =	rddreg [dreg:$0x5]  }
0x77: {  	[tilespmem:s17], [sflag:$0x2] =	stream.linear.gather [hbm4b:s25+s24], $0x2800, $0x38;
	[tilespmem:$0x1E400] =	vst v63  }
0x78: {  	_ =	swait.ge [sflag:s18], $0x2800  }
0x79: {  	[sflag:s18] =	ssyncset.done $0x0  }
0x7a: {  	s26 =	simm.s32 $0x0;
	[sflag:s18] =	ssyncadd.s32 $0xFFFFD800  }
0x7b: {  	[spmem:s1] =	stream.indirect.scatter.add.f32 [tilespmem:s16], [sflag:$0x3], $0x80, s26, s19, $0xb8;
	[tilespmem:$0x1E400] =	vst v63  }
0x7c: {  	_ =	swait.ge [sflag:s14], $0x2800  }
0x7d: {  	[sflag:s14] =	ssyncset.done $0x0;
	s24 =	rddreg [dreg:$0x15]  }
0x7e: {  	[sflag:s14] =	ssyncadd.s32 $0xFFFFD800;
	s28 =	sadd.s32 $0xFFFFFB00, s24  }
0x7f: {  	[tilespmem:s16], [sflag:$0x1] =	stream.linear.gather [hbm4b:s28+s3], $0x2800, $0x38;
	[tilespmem:$0x1E400] =	vst v63  }
0x80: {  	_ =	swait.ge [sflag:s20], $0x2800  }
0x81: {  	[sflag:s20] =	ssyncset.done $0x0  }
0x82: {  	s29 =	simm.s32 $0x80;
	[sflag:s20] =	ssyncadd.s32 $0xFFFFD800  }
0x83: {  	[spmem:s1] =	stream.indirect.scatter.add.f32 [tilespmem:s17], [sflag:$0x3], $0x80, s29, s19, $0xb8;
	[tilespmem:$0x1E400] =	vst v63  }
0x84: {  	_ =	swait.ge [sflag:s14], $0x2800  }
0x85: {  	[sflag:s14] =	ssyncset.done $0x0  }
0x86: {  	s21 =	simm.s32 $0x400;
	s23 =	sadd.s32 $0xA00, s24;
	[sflag:s14] =	ssyncadd.s32 $0xFFFFD800  }
.LBB2_4:
0x87: {  	[tilespmem:s17], [sflag:$0x2] =	stream.linear.gather [hbm4b:s24+s3], $0x2800, $0x38;
	[tilespmem:$0x1E400] =	vst v63  }
0x88: {  	s25 =	smov.u32 s21;
	s24 =	smov.u32 s23  }
0x89: {  	p0 =	sne.s32 s21, $0xF000;
	s21 =	sadd.s32 $0x400, s21;
	_ =	swait.ge [sflag:s18], $0x2800  }
0x8a: {  	[sflag:s18] =	ssyncset.done $0x0  }
0x8b: {  	s25 =	sshra.s32 s25, $0x2;
	[sflag:s18] =	ssyncadd.s32 $0xFFFFD800  }
0x8c: {  	[spmem:s1] =	stream.indirect.scatter.add.f32 [tilespmem:s16], [sflag:$0x3], $0x80, s25, s19, $0xb8;
	[tilespmem:$0x1E400] =	vst v63  }
0x8d: {  	_ =	swait.ge [sflag:s14], $0x2800  }
0x8e: {  	[sflag:s14] =	ssyncset.done $0x0  }
0x8f: {  	s26 =	sadd.s32 $0xFFFFFB00, s23;
	[sflag:s14] =	ssyncadd.s32 $0xFFFFD800  }
0x90: {  	[tilespmem:s16], [sflag:$0x1] =	stream.linear.gather [hbm4b:s26+s3], $0x2800, $0x38;
	[tilespmem:$0x1E400] =	vst v63  }
0x91: {  	_ =	swait.ge [sflag:s20], $0x2800  }
0x92: {  	[sflag:s20] =	ssyncset.done $0x0  }
.Ltmp1:
0x93: {  	s25 =	sadd.s32 $0x80, s25;
	[sflag:s20] =	ssyncadd.s32 $0xFFFFD800;
	(pc) =	sbr.rel @p0 .LBB2_4-.Ltmp1, $4  }
0x94: {  	[spmem:s1] =	stream.indirect.scatter.add.f32 [tilespmem:s17], [sflag:$0x3], $0x80, s25, s19, $0xb8;
	[tilespmem:$0x1E400] =	vst v63  }
0x95: {  	_ =	swait.ge [sflag:s14], $0x2800  }
0x96: {  	[sflag:s14] =	ssyncset.done $0x0  }
0x97: {  	s23 =	sadd.s32 $0xA00, s23;
	[sflag:s14] =	ssyncadd.s32 $0xFFFFD800  }
0x98: {  	[tilespmem:s17], [sflag:$0x2] =	stream.linear.gather [hbm4b:s24+s3], $0x2800, $0x38;
	[tilespmem:$0x1E400] =	vst v63  }
0x99: {  	_ =	swait.ge [sflag:s18], $0x2800  }
0x9a: {  	[sflag:s18] =	ssyncset.done $0x0  }
0x9b: {  	s21 =	simm.s32 $0x3D00;
	[sflag:s18] =	ssyncadd.s32 $0xFFFFD800  }
0x9c: {  	[spmem:s1] =	stream.indirect.scatter.add.f32 [tilespmem:s16], [sflag:$0x3], $0x80, s21, s19, $0xb8;
	[tilespmem:$0x1E400] =	vst v63  }
0x9d: {  	_ =	swait.ge [sflag:s14], $0x2800  }
0x9e: {  	[sflag:s14] =	ssyncset.done $0x0  }
0x9f: {  	s24 =	simm.s32 $0x0;
	s23 =	rddreg [dreg:$0xc];
	[sflag:s14] =	ssyncadd.s32 $0xFFFFD800  }
0xa0: {  	[tilespmem:s16], [sflag:$0x1] =	stream.linear.gather [hbm4b:s23+s24], $0x2800, $0x38;
	[tilespmem:$0x1E400] =	vst v63  }
0xa1: {  	_ =	swait.ge [sflag:s20], $0x2800  }
0xa2: {  	[sflag:s20] =	ssyncset.done $0x0  }
0xa3: {  	s25 =	simm.s32 $0x3D80;
	[sflag:s20] =	ssyncadd.s32 $0xFFFFD800  }
0xa4: {  	[spmem:s1] =	stream.indirect.scatter.add.f32 [tilespmem:s17], [sflag:$0x3], $0x80, s25, s19, $0xb8;
	[tilespmem:$0x1E400] =	vst v63  }
0xa5: {  	_ =	swait.ge [sflag:s14], $0x2800  }
0xa6: {  	[sflag:s14] =	ssyncset.done $0x0  }
0xa7: {  	[sflag:s14] =	ssyncadd.s32 $0xFFFFD800  }
0xa8: {  	_ =	swait.ge [sflag:s18], $0x2800  }
0xa9: {  	[sflag:s18] =	ssyncset.done $0x0  }
0xaa: {  	s26 =	simm.s32 $0x3E00;
	[sflag:s18] =	ssyncadd.s32 $0xFFFFD800  }
0xab: {  	[spmem:s1] =	stream.indirect.scatter.add.f32 [tilespmem:s16], [sflag:$0x3], $0x80, s26, s19, $0xb8;
	[tilespmem:$0x1E400] =	vst v63  }
0xac: {  	_ =	swait.ge [sflag:s14], $0x2800  }
0xad: {  	[sflag:s14] =	ssyncset.done $0x0  }
0xae: {  	s28 =	stileid.u32;
	[sflag:s14] =	ssyncadd.s32 $0xFFFFD800  }
0xaf: {  	s21 =	sshll.u32 s28, $0x6;
	[bflag:$0x0] =	sbarrier.arrive $0xFFFF  }
0xb0: {  	s21 =	sor.u32 $0x1C03, s21;
	s23 =	sshrl.u32 s5, $0x3;
	s25 =	rddreg [dreg:$0x10]  }
0xb1: {  	[hbm:s25], [sflag:s21] =	dma.local [spmem:s23], $0x2800  }
0xb2: {  	_ =	swait.ge [sflag:s14], $0x2800  }
0xb3: {  	[sflag:s14] =	ssyncset.done $0x0  }
0xb4: {  	[sflag:s14] =	ssyncadd.s32 $0xFFFFD800  }
0xb5: {  	[bflag:$0x0] =	sbarrier.arrive $0xFFFF  }
0xb6: {  	[spmem:s5] =	stream.linear.scatter [tilespmem:s15], [sflag:$0x3], $0x1400, $0x38;
	[tilespmem:$0x1E400] =	vst v63  }
0xb7: {  	_ =	swait.ge [sflag:s14], $0x1400  }
0xb8: {  	[sflag:s14] =	ssyncset.done $0x0  }
0xb9: {  	s29 =	rddreg [dreg:$0x19];
	[sflag:s14] =	ssyncadd.s32 $0xFFFFEC00  }
0xba: {  	[spmem:s29] =	stream.linear.scatter [tilespmem:s15], [sflag:$0x3], $0x1400, $0x38;
	[tilespmem:$0x1E400] =	vst v63  }
0xbb: {  	_ =	swait.ge [sflag:s14], $0x1400  }
0xbc: {  	[sflag:s14] =	ssyncset.done $0x0  }
0xbd: {  	s26 =	rddreg [dreg:$0x1a];
	[sflag:s14] =	ssyncadd.s32 $0xFFFFEC00  }
0xbe: {  	[spmem:s26] =	stream.linear.scatter [tilespmem:s15], [sflag:$0x3], $0x1400, $0x38;
	[tilespmem:$0x1E400] =	vst v63  }
0xbf: {  	_ =	swait.ge [sflag:s14], $0x1400  }
0xc0: {  	[sflag:s14] =	ssyncset.done $0x0  }
0xc1: {  	[sflag:s14] =	ssyncadd.s32 $0xFFFFEC00  }
0xc2: {  	[spmem:s30] =	stream.linear.scatter [tilespmem:s15], [sflag:$0x3], $0x1400, $0x38;
	[tilespmem:$0x1E400] =	vst v63  }
0xc3: {  	_ =	swait.ge [sflag:s14], $0x1400  }
0xc4: {  	[sflag:s14] =	ssyncset.done $0x0  }
0xc5: {  	[sflag:s14] =	ssyncadd.s32 $0xFFFFEC00  }
0xc6: {  	[spmem:s31] =	stream.linear.scatter [tilespmem:s15], [sflag:$0x3], $0x1400, $0x38;
	[tilespmem:$0x1E400] =	vst v63  }
0xc7: {  	_ =	swait.ge [sflag:s14], $0x1400  }
0xc8: {  	[sflag:s14] =	ssyncset.done $0x0  }
0xc9: {  	[sflag:s14] =	ssyncadd.s32 $0xFFFFEC00  }
0xca: {  	[spmem:s0] =	stream.linear.scatter [tilespmem:s15], [sflag:$0x3], $0x1400, $0x38;
	[tilespmem:$0x1E400] =	vst v63  }
0xcb: {  	_ =	swait.ge [sflag:s14], $0x1400  }
0xcc: {  	[sflag:s14] =	ssyncset.done $0x0  }
0xcd: {  	[sflag:s14] =	ssyncadd.s32 $0xFFFFEC00  }
0xce: {  	[spmem:s2] =	stream.linear.scatter [tilespmem:s15], [sflag:$0x3], $0x1400, $0x38;
	[tilespmem:$0x1E400] =	vst v63  }
0xcf: {  	_ =	swait.ge [sflag:s14], $0x1400  }
0xd0: {  	[sflag:s14] =	ssyncset.done $0x0  }
0xd1: {  	[sflag:s14] =	ssyncadd.s32 $0xFFFFEC00  }
0xd2: {  	[spmem:s4] =	stream.linear.scatter [tilespmem:s15], [sflag:$0x3], $0x1400, $0x38;
	[tilespmem:$0x1E400] =	vst v63  }
0xd3: {  	_ =	swait.ge [sflag:s14], $0x1400  }
0xd4: {  	[sflag:s14] =	ssyncset.done $0x0  }
0xd5: {  	[sflag:s14] =	ssyncadd.s32 $0xFFFFEC00  }
0xd6: {  	[spmem:s6] =	stream.linear.scatter [tilespmem:s15], [sflag:$0x3], $0x1400, $0x38;
	[tilespmem:$0x1E400] =	vst v63  }
0xd7: {  	_ =	swait.ge [sflag:s14], $0x1400  }
0xd8: {  	[sflag:s14] =	ssyncset.done $0x0  }
0xd9: {  	[sflag:s14] =	ssyncadd.s32 $0xFFFFEC00  }
0xda: {  	[spmem:s7] =	stream.linear.scatter [tilespmem:s15], [sflag:$0x3], $0x1400, $0x38;
	[tilespmem:$0x1E400] =	vst v63  }
0xdb: {  	_ =	swait.ge [sflag:s14], $0x1400  }
0xdc: {  	[sflag:s14] =	ssyncset.done $0x0  }
0xdd: {  	[sflag:s14] =	ssyncadd.s32 $0xFFFFEC00  }
0xde: {  	[spmem:s8] =	stream.linear.scatter [tilespmem:s15], [sflag:$0x3], $0x1400, $0x38;
	[tilespmem:$0x1E400] =	vst v63  }
0xdf: {  	_ =	swait.ge [sflag:s14], $0x1400  }
0xe0: {  	[sflag:s14] =	ssyncset.done $0x0  }
0xe1: {  	[sflag:s14] =	ssyncadd.s32 $0xFFFFEC00  }
0xe2: {  	[spmem:s9] =	stream.linear.scatter [tilespmem:s15], [sflag:$0x3], $0x1400, $0x38;
	[tilespmem:$0x1E400] =	vst v63  }
0xe3: {  	_ =	swait.ge [sflag:s14], $0x1400  }
0xe4: {  	[sflag:s14] =	ssyncset.done $0x0  }
0xe5: {  	[sflag:s14] =	ssyncadd.s32 $0xFFFFEC00  }
0xe6: {  	[spmem:s10] =	stream.linear.scatter [tilespmem:s15], [sflag:$0x3], $0x1400, $0x38;
	[tilespmem:$0x1E400] =	vst v63  }
0xe7: {  	_ =	swait.ge [sflag:s14], $0x1400  }
0xe8: {  	[sflag:s14] =	ssyncset.done $0x0  }
0xe9: {  	[sflag:s14] =	ssyncadd.s32 $0xFFFFEC00  }
0xea: {  	[spmem:s11] =	stream.linear.scatter [tilespmem:s15], [sflag:$0x3], $0x1400, $0x38;
	[tilespmem:$0x1E400] =	vst v63  }
0xeb: {  	_ =	swait.ge [sflag:s14], $0x1400  }
0xec: {  	[sflag:s14] =	ssyncset.done $0x0  }
0xed: {  	[sflag:s14] =	ssyncadd.s32 $0xFFFFEC00  }
0xee: {  	[spmem:s12] =	stream.linear.scatter [tilespmem:s15], [sflag:$0x3], $0x1400, $0x38;
	[tilespmem:$0x1E400] =	vst v63  }
0xef: {  	_ =	swait.ge [sflag:s14], $0x1400  }
0xf0: {  	[sflag:s14] =	ssyncset.done $0x0  }
0xf1: {  	[sflag:s14] =	ssyncadd.s32 $0xFFFFEC00  }
0xf2: {  	[spmem:s13] =	stream.linear.scatter [tilespmem:s15], [sflag:$0x3], $0x1400, $0x38;
	[tilespmem:$0x1E400] =	vst v63  }
0xf3: {  	_ =	swait.ge [sflag:s14], $0x1400  }
0xf4: {  	[sflag:s14] =	ssyncset.done $0x0  }
0xf5: {  	[sflag:s14] =	ssyncadd.s32 $0xFFFFEC00  }
0xf6: {  	[bflag:$0x0] =	sbarrier.arrive $0xFFFF  }
0xf7: {  	s28 =	rddreg [dreg:$0x6]  }
0xf8: {  	[tilespmem:s16], [sflag:$0x1] =	stream.linear.gather [hbm4b:s28+s24], $0x2800, $0x38;
	[tilespmem:$0x1E400] =	vst v63  }
0xf9: {  	s29 =	rddreg [dreg:$0x7]  }
0xfa: {  	[tilespmem:s17], [sflag:$0x2] =	stream.linear.gather [hbm4b:s29+s24], $0x2800, $0x38;
	[tilespmem:$0x1E400] =	vst v63  }
0xfb: {  	_ =	swait.ge [sflag:s18], $0x2800  }
0xfc: {  	[sflag:s18] =	ssyncset.done $0x0  }
0xfd: {  	s26 =	simm.s32 $0x0;
	[sflag:s18] =	ssyncadd.s32 $0xFFFFD800  }
0xfe: {  	[spmem:s1] =	stream.indirect.scatter.add.f32 [tilespmem:s16], [sflag:$0x3], $0x80, s26, s19, $0xb8;
	[tilespmem:$0x1E400] =	vst v63  }
0xff: {  	_ =	swait.ge [sflag:s14], $0x2800  }
0x100: {  	[sflag:s14] =	ssyncset.done $0x0;
	s26 =	rddreg [dreg:$0x16]  }
0x101: {  	[sflag:s14] =	ssyncadd.s32 $0xFFFFD800;
	s28 =	sadd.s32 $0xFFFFFB00, s26  }
0x102: {  	[tilespmem:s16], [sflag:$0x1] =	stream.linear.gather [hbm4b:s28+s3], $0x2800, $0x38;
	[tilespmem:$0x1E400] =	vst v63  }
0x103: {  	_ =	swait.ge [sflag:s20], $0x2800  }
0x104: {  	[sflag:s20] =	ssyncset.done $0x0  }
0x105: {  	s29 =	simm.s32 $0x80;
	[sflag:s20] =	ssyncadd.s32 $0xFFFFD800  }
0x106: {  	[spmem:s1] =	stream.indirect.scatter.add.f32 [tilespmem:s17], [sflag:$0x3], $0x80, s29, s19, $0xb8;
	[tilespmem:$0x1E400] =	vst v63  }
0x107: {  	_ =	swait.ge [sflag:s14], $0x2800  }
0x108: {  	[sflag:s14] =	ssyncset.done $0x0  }
0x109: {  	s24 =	simm.s32 $0x400;
	s25 =	sadd.s32 $0xA00, s26;
	[sflag:s14] =	ssyncadd.s32 $0xFFFFD800  }
.LBB2_6:
0x10a: {  	[tilespmem:s17], [sflag:$0x2] =	stream.linear.gather [hbm4b:s26+s3], $0x2800, $0x38;
	[tilespmem:$0x1E400] =	vst v63  }
0x10b: {  	s28 =	smov.u32 s24;
	s26 =	smov.u32 s25  }
0x10c: {  	p0 =	sne.s32 s24, $0xF000;
	s24 =	sadd.s32 $0x400, s24;
	_ =	swait.ge [sflag:s18], $0x2800  }
0x10d: {  	[sflag:s18] =	ssyncset.done $0x0  }
0x10e: {  	s28 =	sshra.s32 s28, $0x2;
	[sflag:s18] =	ssyncadd.s32 $0xFFFFD800  }
0x10f: {  	[spmem:s1] =	stream.indirect.scatter.add.f32 [tilespmem:s16], [sflag:$0x3], $0x80, s28, s19, $0xb8;
	[tilespmem:$0x1E400] =	vst v63  }
0x110: {  	_ =	swait.ge [sflag:s14], $0x2800  }
0x111: {  	[sflag:s14] =	ssyncset.done $0x0  }
0x112: {  	s29 =	sadd.s32 $0xFFFFFB00, s25;
	[sflag:s14] =	ssyncadd.s32 $0xFFFFD800  }
0x113: {  	[tilespmem:s16], [sflag:$0x1] =	stream.linear.gather [hbm4b:s29+s3], $0x2800, $0x38;
	[tilespmem:$0x1E400] =	vst v63  }
0x114: {  	_ =	swait.ge [sflag:s20], $0x2800  }
0x115: {  	[sflag:s20] =	ssyncset.done $0x0  }
.Ltmp2:
0x116: {  	s28 =	sadd.s32 $0x80, s28;
	[sflag:s20] =	ssyncadd.s32 $0xFFFFD800;
	(pc) =	sbr.rel @p0 .LBB2_6-.Ltmp2, $4  }
0x117: {  	[spmem:s1] =	stream.indirect.scatter.add.f32 [tilespmem:s17], [sflag:$0x3], $0x80, s28, s19, $0xb8;
	[tilespmem:$0x1E400] =	vst v63  }
0x118: {  	_ =	swait.ge [sflag:s14], $0x2800  }
0x119: {  	[sflag:s14] =	ssyncset.done $0x0  }
0x11a: {  	s25 =	sadd.s32 $0xA00, s25;
	[sflag:s14] =	ssyncadd.s32 $0xFFFFD800  }
0x11b: {  	[tilespmem:s17], [sflag:$0x2] =	stream.linear.gather [hbm4b:s26+s3], $0x2800, $0x38;
	[tilespmem:$0x1E400] =	vst v63  }
0x11c: {  	_ =	swait.ge [sflag:s18], $0x2800  }
0x11d: {  	[sflag:s18] =	ssyncset.done $0x0  }
0x11e: {  	s24 =	simm.s32 $0x3D00;
	[sflag:s18] =	ssyncadd.s32 $0xFFFFD800  }
0x11f: {  	[spmem:s1] =	stream.indirect.scatter.add.f32 [tilespmem:s16], [sflag:$0x3], $0x80, s24, s19, $0xb8;
	[tilespmem:$0x1E400] =	vst v63  }
0x120: {  	_ =	swait.ge [sflag:s14], $0x2800  }
0x121: {  	[sflag:s14] =	ssyncset.done $0x0  }
0x122: {  	s24 =	simm.s32 $0x0;
	s25 =	rddreg [dreg:$0xd];
	[sflag:s14] =	ssyncadd.s32 $0xFFFFD800  }
0x123: {  	[tilespmem:s16], [sflag:$0x1] =	stream.linear.gather [hbm4b:s25+s24], $0x2800, $0x38;
	[tilespmem:$0x1E400] =	vst v63  }
0x124: {  	_ =	swait.ge [sflag:s20], $0x2800  }
0x125: {  	[sflag:s20] =	ssyncset.done $0x0  }
0x126: {  	s29 =	simm.s32 $0x3D80;
	[sflag:s20] =	ssyncadd.s32 $0xFFFFD800  }
0x127: {  	[spmem:s1] =	stream.indirect.scatter.add.f32 [tilespmem:s17], [sflag:$0x3], $0x80, s29, s19, $0xb8;
	[tilespmem:$0x1E400] =	vst v63  }
0x128: {  	_ =	swait.ge [sflag:s14], $0x2800  }
0x129: {  	[sflag:s14] =	ssyncset.done $0x0  }
0x12a: {  	[sflag:s14] =	ssyncadd.s32 $0xFFFFD800  }
0x12b: {  	_ =	swait.ge [sflag:s18], $0x2800  }
0x12c: {  	[sflag:s18] =	ssyncset.done $0x0  }
0x12d: {  	s26 =	simm.s32 $0x3E00;
	[sflag:s18] =	ssyncadd.s32 $0xFFFFD800  }
0x12e: {  	[spmem:s1] =	stream.indirect.scatter.add.f32 [tilespmem:s16], [sflag:$0x3], $0x80, s26, s19, $0xb8;
	[tilespmem:$0x1E400] =	vst v63  }
0x12f: {  	_ =	swait.ge [sflag:s14], $0x2800  }
0x130: {  	[sflag:s14] =	ssyncset.done $0x0  }
0x131: {  	[sflag:s14] =	ssyncadd.s32 $0xFFFFD800  }
0x132: {  	[bflag:$0x0] =	sbarrier.arrive $0xFFFF  }
0x133: {  	s28 =	rddreg [dreg:$0x11]  }
0x134: {  	[hbm:s28], [sflag:s21] =	dma.local [spmem:s23], $0x2800  }
0x135: {  	_ =	swait.ge [sflag:s14], $0x2800  }
0x136: {  	[sflag:s14] =	ssyncset.done $0x0  }
0x137: {  	[sflag:s14] =	ssyncadd.s32 $0xFFFFD800  }
0x138: {  	[bflag:$0x0] =	sbarrier.arrive $0xFFFF  }
0x139: {  	[spmem:s5] =	stream.linear.scatter [tilespmem:s15], [sflag:$0x3], $0x1400, $0x38;
	[tilespmem:$0x1E400] =	vst v63  }
0x13a: {  	_ =	swait.ge [sflag:s14], $0x1400  }
0x13b: {  	[sflag:s14] =	ssyncset.done $0x0  }
0x13c: {  	s29 =	rddreg [dreg:$0x19];
	[sflag:s14] =	ssyncadd.s32 $0xFFFFEC00  }
0x13d: {  	[spmem:s29] =	stream.linear.scatter [tilespmem:s15], [sflag:$0x3], $0x1400, $0x38;
	[tilespmem:$0x1E400] =	vst v63  }
0x13e: {  	_ =	swait.ge [sflag:s14], $0x1400  }
0x13f: {  	[sflag:s14] =	ssyncset.done $0x0  }
0x140: {  	s26 =	rddreg [dreg:$0x1a];
	[sflag:s14] =	ssyncadd.s32 $0xFFFFEC00  }
0x141: {  	[spmem:s26] =	stream.linear.scatter [tilespmem:s15], [sflag:$0x3], $0x1400, $0x38;
	[tilespmem:$0x1E400] =	vst v63  }
0x142: {  	_ =	swait.ge [sflag:s14], $0x1400  }
0x143: {  	[sflag:s14] =	ssyncset.done $0x0  }
0x144: {  	[sflag:s14] =	ssyncadd.s32 $0xFFFFEC00  }
0x145: {  	[spmem:s30] =	stream.linear.scatter [tilespmem:s15], [sflag:$0x3], $0x1400, $0x38;
	[tilespmem:$0x1E400] =	vst v63  }
0x146: {  	_ =	swait.ge [sflag:s14], $0x1400  }
0x147: {  	[sflag:s14] =	ssyncset.done $0x0  }
0x148: {  	[sflag:s14] =	ssyncadd.s32 $0xFFFFEC00  }
0x149: {  	[spmem:s31] =	stream.linear.scatter [tilespmem:s15], [sflag:$0x3], $0x1400, $0x38;
	[tilespmem:$0x1E400] =	vst v63  }
0x14a: {  	_ =	swait.ge [sflag:s14], $0x1400  }
0x14b: {  	[sflag:s14] =	ssyncset.done $0x0  }
0x14c: {  	[sflag:s14] =	ssyncadd.s32 $0xFFFFEC00  }
0x14d: {  	[spmem:s0] =	stream.linear.scatter [tilespmem:s15], [sflag:$0x3], $0x1400, $0x38;
	[tilespmem:$0x1E400] =	vst v63  }
0x14e: {  	_ =	swait.ge [sflag:s14], $0x1400  }
0x14f: {  	[sflag:s14] =	ssyncset.done $0x0  }
0x150: {  	[sflag:s14] =	ssyncadd.s32 $0xFFFFEC00  }
0x151: {  	[spmem:s2] =	stream.linear.scatter [tilespmem:s15], [sflag:$0x3], $0x1400, $0x38;
	[tilespmem:$0x1E400] =	vst v63  }
0x152: {  	_ =	swait.ge [sflag:s14], $0x1400  }
0x153: {  	[sflag:s14] =	ssyncset.done $0x0  }
0x154: {  	[sflag:s14] =	ssyncadd.s32 $0xFFFFEC00  }
0x155: {  	[spmem:s4] =	stream.linear.scatter [tilespmem:s15], [sflag:$0x3], $0x1400, $0x38;
	[tilespmem:$0x1E400] =	vst v63  }
0x156: {  	_ =	swait.ge [sflag:s14], $0x1400  }
0x157: {  	[sflag:s14] =	ssyncset.done $0x0  }
0x158: {  	[sflag:s14] =	ssyncadd.s32 $0xFFFFEC00  }
0x159: {  	[spmem:s6] =	stream.linear.scatter [tilespmem:s15], [sflag:$0x3], $0x1400, $0x38;
	[tilespmem:$0x1E400] =	vst v63  }
0x15a: {  	_ =	swait.ge [sflag:s14], $0x1400  }
0x15b: {  	[sflag:s14] =	ssyncset.done $0x0  }
0x15c: {  	[sflag:s14] =	ssyncadd.s32 $0xFFFFEC00  }
0x15d: {  	[spmem:s7] =	stream.linear.scatter [tilespmem:s15], [sflag:$0x3], $0x1400, $0x38;
	[tilespmem:$0x1E400] =	vst v63  }
0x15e: {  	_ =	swait.ge [sflag:s14], $0x1400  }
0x15f: {  	[sflag:s14] =	ssyncset.done $0x0  }
0x160: {  	[sflag:s14] =	ssyncadd.s32 $0xFFFFEC00  }
0x161: {  	[spmem:s8] =	stream.linear.scatter [tilespmem:s15], [sflag:$0x3], $0x1400, $0x38;
	[tilespmem:$0x1E400] =	vst v63  }
0x162: {  	_ =	swait.ge [sflag:s14], $0x1400  }
0x163: {  	[sflag:s14] =	ssyncset.done $0x0  }
0x164: {  	[sflag:s14] =	ssyncadd.s32 $0xFFFFEC00  }
0x165: {  	[spmem:s9] =	stream.linear.scatter [tilespmem:s15], [sflag:$0x3], $0x1400, $0x38;
	[tilespmem:$0x1E400] =	vst v63  }
0x166: {  	_ =	swait.ge [sflag:s14], $0x1400  }
0x167: {  	[sflag:s14] =	ssyncset.done $0x0  }
0x168: {  	[sflag:s14] =	ssyncadd.s32 $0xFFFFEC00  }
0x169: {  	[spmem:s10] =	stream.linear.scatter [tilespmem:s15], [sflag:$0x3], $0x1400, $0x38;
	[tilespmem:$0x1E400] =	vst v63  }
0x16a: {  	_ =	swait.ge [sflag:s14], $0x1400  }
0x16b: {  	[sflag:s14] =	ssyncset.done $0x0  }
0x16c: {  	[sflag:s14] =	ssyncadd.s32 $0xFFFFEC00  }
0x16d: {  	[spmem:s11] =	stream.linear.scatter [tilespmem:s15], [sflag:$0x3], $0x1400, $0x38;
	[tilespmem:$0x1E400] =	vst v63  }
0x16e: {  	_ =	swait.ge [sflag:s14], $0x1400  }
0x16f: {  	[sflag:s14] =	ssyncset.done $0x0  }
0x170: {  	[sflag:s14] =	ssyncadd.s32 $0xFFFFEC00  }
0x171: {  	[spmem:s12] =	stream.linear.scatter [tilespmem:s15], [sflag:$0x3], $0x1400, $0x38;
	[tilespmem:$0x1E400] =	vst v63  }
0x172: {  	_ =	swait.ge [sflag:s14], $0x1400  }
0x173: {  	[sflag:s14] =	ssyncset.done $0x0  }
0x174: {  	[sflag:s14] =	ssyncadd.s32 $0xFFFFEC00  }
0x175: {  	[spmem:s13] =	stream.linear.scatter [tilespmem:s15], [sflag:$0x3], $0x1400, $0x38;
	[tilespmem:$0x1E400] =	vst v63  }
0x176: {  	_ =	swait.ge [sflag:s14], $0x1400  }
0x177: {  	[sflag:s14] =	ssyncset.done $0x0  }
0x178: {  	[sflag:s14] =	ssyncadd.s32 $0xFFFFEC00  }
0x179: {  	[bflag:$0x0] =	sbarrier.arrive $0xFFFF  }
0x17a: {  	s28 =	rddreg [dreg:$0x8]  }
0x17b: {  	[tilespmem:s16], [sflag:$0x1] =	stream.linear.gather [hbm4b:s28+s24], $0x2800, $0x38;
	[tilespmem:$0x1E400] =	vst v63  }
0x17c: {  	s29 =	rddreg [dreg:$0x9]  }
0x17d: {  	[tilespmem:s17], [sflag:$0x2] =	stream.linear.gather [hbm4b:s29+s24], $0x2800, $0x38;
	[tilespmem:$0x1E400] =	vst v63  }
0x17e: {  	_ =	swait.ge [sflag:s18], $0x2800  }
0x17f: {  	[sflag:s18] =	ssyncset.done $0x0  }
0x180: {  	s26 =	simm.s32 $0x0;
	[sflag:s18] =	ssyncadd.s32 $0xFFFFD800  }
0x181: {  	[spmem:s1] =	stream.indirect.scatter.add.f32 [tilespmem:s16], [sflag:$0x3], $0x80, s26, s19, $0xb8;
	[tilespmem:$0x1E400] =	vst v63  }
0x182: {  	_ =	swait.ge [sflag:s14], $0x2800  }
0x183: {  	[sflag:s14] =	ssyncset.done $0x0;
	s26 =	rddreg [dreg:$0x17]  }
0x184: {  	[sflag:s14] =	ssyncadd.s32 $0xFFFFD800;
	s28 =	sadd.s32 $0xFFFFFB00, s26  }
0x185: {  	[tilespmem:s16], [sflag:$0x1] =	stream.linear.gather [hbm4b:s28+s3], $0x2800, $0x38;
	[tilespmem:$0x1E400] =	vst v63  }
0x186: {  	_ =	swait.ge [sflag:s20], $0x2800  }
0x187: {  	[sflag:s20] =	ssyncset.done $0x0  }
0x188: {  	s29 =	simm.s32 $0x80;
	[sflag:s20] =	ssyncadd.s32 $0xFFFFD800  }
0x189: {  	[spmem:s1] =	stream.indirect.scatter.add.f32 [tilespmem:s17], [sflag:$0x3], $0x80, s29, s19, $0xb8;
	[tilespmem:$0x1E400] =	vst v63  }
0x18a: {  	_ =	swait.ge [sflag:s14], $0x2800  }
0x18b: {  	[sflag:s14] =	ssyncset.done $0x0  }
0x18c: {  	s24 =	simm.s32 $0x400;
	s25 =	sadd.s32 $0xA00, s26;
	[sflag:s14] =	ssyncadd.s32 $0xFFFFD800  }
.LBB2_8:
0x18d: {  	[tilespmem:s17], [sflag:$0x2] =	stream.linear.gather [hbm4b:s26+s3], $0x2800, $0x38;
	[tilespmem:$0x1E400] =	vst v63  }
0x18e: {  	s28 =	smov.u32 s24;
	s26 =	smov.u32 s25  }
0x18f: {  	p0 =	sne.s32 s24, $0xF000;
	s24 =	sadd.s32 $0x400, s24;
	_ =	swait.ge [sflag:s18], $0x2800  }
0x190: {  	[sflag:s18] =	ssyncset.done $0x0  }
0x191: {  	s28 =	sshra.s32 s28, $0x2;
	[sflag:s18] =	ssyncadd.s32 $0xFFFFD800  }
0x192: {  	[spmem:s1] =	stream.indirect.scatter.add.f32 [tilespmem:s16], [sflag:$0x3], $0x80, s28, s19, $0xb8;
	[tilespmem:$0x1E400] =	vst v63  }
0x193: {  	_ =	swait.ge [sflag:s14], $0x2800  }
0x194: {  	[sflag:s14] =	ssyncset.done $0x0  }
0x195: {  	s29 =	sadd.s32 $0xFFFFFB00, s25;
	[sflag:s14] =	ssyncadd.s32 $0xFFFFD800  }
0x196: {  	[tilespmem:s16], [sflag:$0x1] =	stream.linear.gather [hbm4b:s29+s3], $0x2800, $0x38;
	[tilespmem:$0x1E400] =	vst v63  }
0x197: {  	_ =	swait.ge [sflag:s20], $0x2800  }
0x198: {  	[sflag:s20] =	ssyncset.done $0x0  }
.Ltmp3:
0x199: {  	s28 =	sadd.s32 $0x80, s28;
	[sflag:s20] =	ssyncadd.s32 $0xFFFFD800;
	(pc) =	sbr.rel @p0 .LBB2_8-.Ltmp3, $4  }
0x19a: {  	[spmem:s1] =	stream.indirect.scatter.add.f32 [tilespmem:s17], [sflag:$0x3], $0x80, s28, s19, $0xb8;
	[tilespmem:$0x1E400] =	vst v63  }
0x19b: {  	_ =	swait.ge [sflag:s14], $0x2800  }
0x19c: {  	[sflag:s14] =	ssyncset.done $0x0  }
0x19d: {  	s25 =	sadd.s32 $0xA00, s25;
	[sflag:s14] =	ssyncadd.s32 $0xFFFFD800  }
0x19e: {  	[tilespmem:s17], [sflag:$0x2] =	stream.linear.gather [hbm4b:s26+s3], $0x2800, $0x38;
	[tilespmem:$0x1E400] =	vst v63  }
0x19f: {  	_ =	swait.ge [sflag:s18], $0x2800  }
0x1a0: {  	[sflag:s18] =	ssyncset.done $0x0  }
0x1a1: {  	s24 =	simm.s32 $0x3D00;
	[sflag:s18] =	ssyncadd.s32 $0xFFFFD800  }
0x1a2: {  	[spmem:s1] =	stream.indirect.scatter.add.f32 [tilespmem:s16], [sflag:$0x3], $0x80, s24, s19, $0xb8;
	[tilespmem:$0x1E400] =	vst v63  }
0x1a3: {  	_ =	swait.ge [sflag:s14], $0x2800  }
0x1a4: {  	[sflag:s14] =	ssyncset.done $0x0  }
0x1a5: {  	s24 =	simm.s32 $0x0;
	s25 =	rddreg [dreg:$0xe];
	[sflag:s14] =	ssyncadd.s32 $0xFFFFD800  }
0x1a6: {  	[tilespmem:s16], [sflag:$0x1] =	stream.linear.gather [hbm4b:s25+s24], $0x2800, $0x38;
	[tilespmem:$0x1E400] =	vst v63  }
0x1a7: {  	_ =	swait.ge [sflag:s20], $0x2800  }
0x1a8: {  	[sflag:s20] =	ssyncset.done $0x0  }
0x1a9: {  	s29 =	simm.s32 $0x3D80;
	[sflag:s20] =	ssyncadd.s32 $0xFFFFD800  }
0x1aa: {  	[spmem:s1] =	stream.indirect.scatter.add.f32 [tilespmem:s17], [sflag:$0x3], $0x80, s29, s19, $0xb8;
	[tilespmem:$0x1E400] =	vst v63  }
0x1ab: {  	_ =	swait.ge [sflag:s14], $0x2800  }
0x1ac: {  	[sflag:s14] =	ssyncset.done $0x0  }
0x1ad: {  	[sflag:s14] =	ssyncadd.s32 $0xFFFFD800  }
0x1ae: {  	_ =	swait.ge [sflag:s18], $0x2800  }
0x1af: {  	[sflag:s18] =	ssyncset.done $0x0  }
0x1b0: {  	s26 =	simm.s32 $0x3E00;
	[sflag:s18] =	ssyncadd.s32 $0xFFFFD800  }
0x1b1: {  	[spmem:s1] =	stream.indirect.scatter.add.f32 [tilespmem:s16], [sflag:$0x3], $0x80, s26, s19, $0xb8;
	[tilespmem:$0x1E400] =	vst v63  }
0x1b2: {  	_ =	swait.ge [sflag:s14], $0x2800  }
0x1b3: {  	[sflag:s14] =	ssyncset.done $0x0  }
0x1b4: {  	[sflag:s14] =	ssyncadd.s32 $0xFFFFD800  }
0x1b5: {  	[bflag:$0x0] =	sbarrier.arrive $0xFFFF  }
0x1b6: {  	s28 =	rddreg [dreg:$0x12]  }
0x1b7: {  	[hbm:s28], [sflag:s21] =	dma.local [spmem:s23], $0x2800  }
0x1b8: {  	_ =	swait.ge [sflag:s14], $0x2800  }
0x1b9: {  	[sflag:s14] =	ssyncset.done $0x0  }
0x1ba: {  	[sflag:s14] =	ssyncadd.s32 $0xFFFFD800  }
0x1bb: {  	[bflag:$0x0] =	sbarrier.arrive $0xFFFF  }
0x1bc: {  	[spmem:s5] =	stream.linear.scatter [tilespmem:s15], [sflag:$0x3], $0x1400, $0x38;
	[tilespmem:$0x1E400] =	vst v63  }
0x1bd: {  	_ =	swait.ge [sflag:s14], $0x1400  }
0x1be: {  	[sflag:s14] =	ssyncset.done $0x0  }
0x1bf: {  	s29 =	rddreg [dreg:$0x19];
	[sflag:s14] =	ssyncadd.s32 $0xFFFFEC00  }
0x1c0: {  	[spmem:s29] =	stream.linear.scatter [tilespmem:s15], [sflag:$0x3], $0x1400, $0x38;
	[tilespmem:$0x1E400] =	vst v63  }
0x1c1: {  	_ =	swait.ge [sflag:s14], $0x1400  }
0x1c2: {  	[sflag:s14] =	ssyncset.done $0x0  }
0x1c3: {  	s26 =	rddreg [dreg:$0x1a];
	[sflag:s14] =	ssyncadd.s32 $0xFFFFEC00  }
0x1c4: {  	[spmem:s26] =	stream.linear.scatter [tilespmem:s15], [sflag:$0x3], $0x1400, $0x38;
	[tilespmem:$0x1E400] =	vst v63  }
0x1c5: {  	_ =	swait.ge [sflag:s14], $0x1400  }
0x1c6: {  	[sflag:s14] =	ssyncset.done $0x0  }
0x1c7: {  	[sflag:s14] =	ssyncadd.s32 $0xFFFFEC00  }
0x1c8: {  	[spmem:s30] =	stream.linear.scatter [tilespmem:s15], [sflag:$0x3], $0x1400, $0x38;
	[tilespmem:$0x1E400] =	vst v63  }
0x1c9: {  	_ =	swait.ge [sflag:s14], $0x1400  }
0x1ca: {  	[sflag:s14] =	ssyncset.done $0x0  }
0x1cb: {  	[sflag:s14] =	ssyncadd.s32 $0xFFFFEC00  }
0x1cc: {  	[spmem:s31] =	stream.linear.scatter [tilespmem:s15], [sflag:$0x3], $0x1400, $0x38;
	[tilespmem:$0x1E400] =	vst v63  }
0x1cd: {  	_ =	swait.ge [sflag:s14], $0x1400  }
0x1ce: {  	[sflag:s14] =	ssyncset.done $0x0  }
0x1cf: {  	[sflag:s14] =	ssyncadd.s32 $0xFFFFEC00  }
0x1d0: {  	[spmem:s0] =	stream.linear.scatter [tilespmem:s15], [sflag:$0x3], $0x1400, $0x38;
	[tilespmem:$0x1E400] =	vst v63  }
0x1d1: {  	_ =	swait.ge [sflag:s14], $0x1400  }
0x1d2: {  	[sflag:s14] =	ssyncset.done $0x0  }
0x1d3: {  	[sflag:s14] =	ssyncadd.s32 $0xFFFFEC00  }
0x1d4: {  	[spmem:s2] =	stream.linear.scatter [tilespmem:s15], [sflag:$0x3], $0x1400, $0x38;
	[tilespmem:$0x1E400] =	vst v63  }
0x1d5: {  	_ =	swait.ge [sflag:s14], $0x1400  }
0x1d6: {  	[sflag:s14] =	ssyncset.done $0x0  }
0x1d7: {  	[sflag:s14] =	ssyncadd.s32 $0xFFFFEC00  }
0x1d8: {  	[spmem:s4] =	stream.linear.scatter [tilespmem:s15], [sflag:$0x3], $0x1400, $0x38;
	[tilespmem:$0x1E400] =	vst v63  }
0x1d9: {  	_ =	swait.ge [sflag:s14], $0x1400  }
0x1da: {  	[sflag:s14] =	ssyncset.done $0x0  }
0x1db: {  	[sflag:s14] =	ssyncadd.s32 $0xFFFFEC00  }
0x1dc: {  	[spmem:s6] =	stream.linear.scatter [tilespmem:s15], [sflag:$0x3], $0x1400, $0x38;
	[tilespmem:$0x1E400] =	vst v63  }
0x1dd: {  	_ =	swait.ge [sflag:s14], $0x1400  }
0x1de: {  	[sflag:s14] =	ssyncset.done $0x0  }
0x1df: {  	[sflag:s14] =	ssyncadd.s32 $0xFFFFEC00  }
0x1e0: {  	[spmem:s7] =	stream.linear.scatter [tilespmem:s15], [sflag:$0x3], $0x1400, $0x38;
	[tilespmem:$0x1E400] =	vst v63  }
0x1e1: {  	_ =	swait.ge [sflag:s14], $0x1400  }
0x1e2: {  	[sflag:s14] =	ssyncset.done $0x0  }
0x1e3: {  	[sflag:s14] =	ssyncadd.s32 $0xFFFFEC00  }
0x1e4: {  	[spmem:s8] =	stream.linear.scatter [tilespmem:s15], [sflag:$0x3], $0x1400, $0x38;
	[tilespmem:$0x1E400] =	vst v63  }
0x1e5: {  	_ =	swait.ge [sflag:s14], $0x1400  }
0x1e6: {  	[sflag:s14] =	ssyncset.done $0x0  }
0x1e7: {  	[sflag:s14] =	ssyncadd.s32 $0xFFFFEC00  }
0x1e8: {  	[spmem:s9] =	stream.linear.scatter [tilespmem:s15], [sflag:$0x3], $0x1400, $0x38;
	[tilespmem:$0x1E400] =	vst v63  }
0x1e9: {  	_ =	swait.ge [sflag:s14], $0x1400  }
0x1ea: {  	[sflag:s14] =	ssyncset.done $0x0  }
0x1eb: {  	[sflag:s14] =	ssyncadd.s32 $0xFFFFEC00  }
0x1ec: {  	[spmem:s10] =	stream.linear.scatter [tilespmem:s15], [sflag:$0x3], $0x1400, $0x38;
	[tilespmem:$0x1E400] =	vst v63  }
0x1ed: {  	_ =	swait.ge [sflag:s14], $0x1400  }
0x1ee: {  	[sflag:s14] =	ssyncset.done $0x0  }
0x1ef: {  	[sflag:s14] =	ssyncadd.s32 $0xFFFFEC00  }
0x1f0: {  	[spmem:s11] =	stream.linear.scatter [tilespmem:s15], [sflag:$0x3], $0x1400, $0x38;
	[tilespmem:$0x1E400] =	vst v63  }
0x1f1: {  	_ =	swait.ge [sflag:s14], $0x1400  }
0x1f2: {  	[sflag:s14] =	ssyncset.done $0x0  }
0x1f3: {  	[sflag:s14] =	ssyncadd.s32 $0xFFFFEC00  }
0x1f4: {  	[spmem:s12] =	stream.linear.scatter [tilespmem:s15], [sflag:$0x3], $0x1400, $0x38;
	[tilespmem:$0x1E400] =	vst v63  }
0x1f5: {  	_ =	swait.ge [sflag:s14], $0x1400  }
0x1f6: {  	[sflag:s14] =	ssyncset.done $0x0  }
0x1f7: {  	[sflag:s14] =	ssyncadd.s32 $0xFFFFEC00  }
0x1f8: {  	[spmem:s13] =	stream.linear.scatter [tilespmem:s15], [sflag:$0x3], $0x1400, $0x38;
	[tilespmem:$0x1E400] =	vst v63  }
0x1f9: {  	_ =	swait.ge [sflag:s14], $0x1400  }
0x1fa: {  	[sflag:s14] =	ssyncset.done $0x0  }
0x1fb: {  	[sflag:s14] =	ssyncadd.s32 $0xFFFFEC00  }
0x1fc: {  	[bflag:$0x0] =	sbarrier.arrive $0xFFFF  }
0x1fd: {  	s28 =	rddreg [dreg:$0xa]  }
0x1fe: {  	[tilespmem:s16], [sflag:$0x1] =	stream.linear.gather [hbm4b:s28+s24], $0x2800, $0x38;
	[tilespmem:$0x1E400] =	vst v63  }
0x1ff: {  	s29 =	rddreg [dreg:$0xb]  }
0x200: {  	[tilespmem:s17], [sflag:$0x2] =	stream.linear.gather [hbm4b:s29+s24], $0x2800, $0x38;
	[tilespmem:$0x1E400] =	vst v63  }
0x201: {  	_ =	swait.ge [sflag:s18], $0x2800  }
0x202: {  	[sflag:s18] =	ssyncset.done $0x0  }
0x203: {  	s26 =	simm.s32 $0x0;
	[sflag:s18] =	ssyncadd.s32 $0xFFFFD800  }
0x204: {  	[spmem:s1] =	stream.indirect.scatter.add.f32 [tilespmem:s16], [sflag:$0x3], $0x80, s26, s19, $0xb8;
	[tilespmem:$0x1E400] =	vst v63  }
0x205: {  	_ =	swait.ge [sflag:s14], $0x2800  }
0x206: {  	[sflag:s14] =	ssyncset.done $0x0;
	s26 =	rddreg [dreg:$0x18]  }
0x207: {  	[sflag:s14] =	ssyncadd.s32 $0xFFFFD800;
	s28 =	sadd.s32 $0xFFFFFB00, s26  }
0x208: {  	[tilespmem:s16], [sflag:$0x1] =	stream.linear.gather [hbm4b:s28+s3], $0x2800, $0x38;
	[tilespmem:$0x1E400] =	vst v63  }
0x209: {  	_ =	swait.ge [sflag:s20], $0x2800  }
0x20a: {  	[sflag:s20] =	ssyncset.done $0x0  }
0x20b: {  	s29 =	simm.s32 $0x80;
	[sflag:s20] =	ssyncadd.s32 $0xFFFFD800  }
0x20c: {  	[spmem:s1] =	stream.indirect.scatter.add.f32 [tilespmem:s17], [sflag:$0x3], $0x80, s29, s19, $0xb8;
	[tilespmem:$0x1E400] =	vst v63  }
0x20d: {  	_ =	swait.ge [sflag:s14], $0x2800  }
0x20e: {  	[sflag:s14] =	ssyncset.done $0x0  }
0x20f: {  	s24 =	simm.s32 $0x400;
	s25 =	sadd.s32 $0xA00, s26;
	[sflag:s14] =	ssyncadd.s32 $0xFFFFD800  }
.LBB2_10:
0x210: {  	[tilespmem:s17], [sflag:$0x2] =	stream.linear.gather [hbm4b:s26+s3], $0x2800, $0x38;
	[tilespmem:$0x1E400] =	vst v63  }
0x211: {  	s28 =	smov.u32 s24;
	s26 =	smov.u32 s25  }
0x212: {  	p0 =	sne.s32 s24, $0xF000;
	s24 =	sadd.s32 $0x400, s24;
	_ =	swait.ge [sflag:s18], $0x2800  }
0x213: {  	[sflag:s18] =	ssyncset.done $0x0  }
0x214: {  	s28 =	sshra.s32 s28, $0x2;
	[sflag:s18] =	ssyncadd.s32 $0xFFFFD800  }
0x215: {  	[spmem:s1] =	stream.indirect.scatter.add.f32 [tilespmem:s16], [sflag:$0x3], $0x80, s28, s19, $0xb8;
	[tilespmem:$0x1E400] =	vst v63  }
0x216: {  	_ =	swait.ge [sflag:s14], $0x2800  }
0x217: {  	[sflag:s14] =	ssyncset.done $0x0  }
0x218: {  	s29 =	sadd.s32 $0xFFFFFB00, s25;
	[sflag:s14] =	ssyncadd.s32 $0xFFFFD800  }
0x219: {  	[tilespmem:s16], [sflag:$0x1] =	stream.linear.gather [hbm4b:s29+s3], $0x2800, $0x38;
	[tilespmem:$0x1E400] =	vst v63  }
0x21a: {  	_ =	swait.ge [sflag:s20], $0x2800  }
0x21b: {  	[sflag:s20] =	ssyncset.done $0x0  }
.Ltmp4:
0x21c: {  	s28 =	sadd.s32 $0x80, s28;
	[sflag:s20] =	ssyncadd.s32 $0xFFFFD800;
	(pc) =	sbr.rel @p0 .LBB2_10-.Ltmp4, $4  }
0x21d: {  	[spmem:s1] =	stream.indirect.scatter.add.f32 [tilespmem:s17], [sflag:$0x3], $0x80, s28, s19, $0xb8;
	[tilespmem:$0x1E400] =	vst v63  }
0x21e: {  	_ =	swait.ge [sflag:s14], $0x2800  }
0x21f: {  	[sflag:s14] =	ssyncset.done $0x0  }
0x220: {  	s25 =	sadd.s32 $0xA00, s25;
	[sflag:s14] =	ssyncadd.s32 $0xFFFFD800  }
0x221: {  	[tilespmem:s17], [sflag:$0x2] =	stream.linear.gather [hbm4b:s26+s3], $0x2800, $0x38;
	[tilespmem:$0x1E400] =	vst v63  }
0x222: {  	_ =	swait.ge [sflag:s18], $0x2800  }
0x223: {  	[sflag:s18] =	ssyncset.done $0x0  }
0x224: {  	s24 =	simm.s32 $0x3D00;
	[sflag:s18] =	ssyncadd.s32 $0xFFFFD800  }
0x225: {  	[spmem:s1] =	stream.indirect.scatter.add.f32 [tilespmem:s16], [sflag:$0x3], $0x80, s24, s19, $0xb8;
	[tilespmem:$0x1E400] =	vst v63  }
0x226: {  	_ =	swait.ge [sflag:s14], $0x2800  }
0x227: {  	[sflag:s14] =	ssyncset.done $0x0  }
0x228: {  	s29 =	rddreg [dreg:$0xf];
	[sflag:s14] =	ssyncadd.s32 $0xFFFFD800  }
0x229: {  	[tilespmem:s16], [sflag:$0x1] =	stream.linear.gather [hbm4b:s29+s3], $0x2800, $0x38;
	[tilespmem:$0x1E400] =	vst v63  }
0x22a: {  	_ =	swait.ge [sflag:s20], $0x2800  }
0x22b: {  	[sflag:s20] =	ssyncset.done $0x0  }
0x22c: {  	s25 =	simm.s32 $0x3D80;
	[sflag:s20] =	ssyncadd.s32 $0xFFFFD800  }
0x22d: {  	[spmem:s1] =	stream.indirect.scatter.add.f32 [tilespmem:s17], [sflag:$0x3], $0x80, s25, s19, $0xb8;
	[tilespmem:$0x1E400] =	vst v63  }
0x22e: {  	_ =	swait.ge [sflag:s14], $0x2800  }
0x22f: {  	[sflag:s14] =	ssyncset.done $0x0  }
0x230: {  	[sflag:s14] =	ssyncadd.s32 $0xFFFFD800  }
0x231: {  	_ =	swait.ge [sflag:s18], $0x2800  }
0x232: {  	[sflag:s18] =	ssyncset.done $0x0  }
0x233: {  	s26 =	simm.s32 $0x3E00;
	[sflag:s18] =	ssyncadd.s32 $0xFFFFD800  }
0x234: {  	[spmem:s1] =	stream.indirect.scatter.add.f32 [tilespmem:s16], [sflag:$0x3], $0x80, s26, s19, $0xb8;
	[tilespmem:$0x1E400] =	vst v63  }
0x235: {  	_ =	swait.ge [sflag:s14], $0x2800  }
0x236: {  	[sflag:s14] =	ssyncset.done $0x0  }
0x237: {  	[sflag:s14] =	ssyncadd.s32 $0xFFFFD800  }
0x238: {  	[bflag:$0x0] =	sbarrier.arrive $0xFFFF  }
0x239: {  	s28 =	rddreg [dreg:$0x13]  }
0x23a: {  	[hbm:s28], [sflag:s21] =	dma.local [spmem:s23], $0x2800  }
0x23b: {  	_ =	swait.ge [sflag:s14], $0x2800  }
0x23c: {  	s22 =	sadd.s32 $0x1, s22;
	s29 =	rddreg [dreg:$0x14]  }
0x23d: {  	p0 =	sne.s32 s22, s29  }
.Ltmp5:
0x23e: {  	_ = 	snop;
	(pc) =	sbr.rel @p0 .LBB2_1-.Ltmp5, $3  }
0x23f: {  	[sflag:s14] =	ssyncset.done $0x0  }
0x240: {  	[sflag:s14] =	ssyncadd.s32 $0xFFFFD800  }
0x241: {  	[bflag:$0x0] =	sbarrier.arrive $0xFFFF;
	_ =	sdelay $0x1  }
0x242: {  	_ =	sfence.sel $0x180000  }
0x243: {  	[bflag:$0x0] =	sbarrier.arrive $0xFFFF  }
0x244: {  	_ =	strace $0x9000004A  }
0x245: {  	s0 =	stileid.u32;
	[bflag:$0x2] =	sbarrier.arrive $0xFFFF  }
0x246: {  	p0 =	sne.s32 s0, $0x0;
	s0 =	rddreg [dreg:$0x2]  }
0x247: {  	s0 =	sadd.s32 @!p0 $0x100000, s0  }
0x248: {  	[sflag:s0] =	ssyncadd.tile.s32 @!p0 $0x1;
	_ =	shalt  }
.Lfunc_end2:
_tile_overlayer_lowered:
.L_overlay_start_2:
0x249: {  	(tag) =	ssettag $0x2  }
0x24a: {  	s0 =	rddreg [dreg:$0x0];
	s2 =	stileid.u32  }
0x24b: {  	s1 =	rddreg [dreg:$0x1];
	p0 =	sne.s32 s2, $0x0  }
0x24c: {  	s3 =	rddreg [dreg:$0x2];
	[bflag:$0x3] =	sbarrier.arrive $0xFFFF;
	s2 =	simm.s32 @!p0 $0x1C03  }
0x24d: {  	[timem:s3], [sflag:s2] =	dma.local @!p0 [hbm:s0], s1  }
0x24e: {  	s0 =	simm.s32 @!p0 $0x3  }
0x24f: {  	_ =	swait.ge @!p0 [sflag:s0], s1  }
0x250: {  	s1 =	ssub.s32 @!p0 $0x0, s1;
	[sflag:s0] =	ssyncset.done @!p0 $0x0  }
0x251: {  	[sflag:s0] =	ssyncadd.s32 @!p0 s1  }
0x252: {  	[bflag:$0x3] =	sbarrier.arrive $0xFFFF  }
0x253: {  	_ =	shalt  }

</sc_bundles>
